<compile_context>
chip_gen: v7x
topology: tpu7x:2x2x1
jax: 0.10.2.dev20260603
libtpu: 0.0.44.dev20260713+nightly
codegen_flags: <defaults>
</compile_context>

<pallas_src>
import functools

import jax
import jax.numpy as jnp
from jax import lax
from jax.experimental import pallas as pl
from jax.experimental.pallas import tpu as pltpu
from jax.experimental.pallas import tpu_sc as plsc


def _pattern_body(vx_ref, g_ref, vy_ref, out_ref):
    H = vx_ref.shape[0]
    W = vy_ref.shape[0]
    vx = vx_ref[...]
    gx = g_ref[:, 0:1]
    gy = g_ref[:, 1:2]
    wx = gx * vx * jax.lax.rsqrt(jnp.sum(vx * vx, axis=1, keepdims=True))
    vy = vy_ref[...]
    wy = gy * vy * jax.lax.rsqrt(jnp.sum(vy * vy, axis=1, keepdims=True))
    xblock = jnp.tile(wx, (W, 1))
    yblock = jnp.repeat(wy, H, axis=0)
    out_ref[...] = jnp.concatenate([xblock, yblock], axis=1)


def kernel(inp, vx, gx, vy, gy):
    b = inp.shape[0]
    H, D = vx.shape
    W = vy.shape[0]
    rows, width = W * H, 2 * D
    TR, TC = rows // 8, width // 128
    g2 = jnp.concatenate([gx, gy], axis=1)

    full = lambda s: pl.BlockSpec(s, lambda: (0,) * len(s))
    pattern = pl.pallas_call(
        _pattern_body,
        in_specs=[full((H, D)), full((H, 2)), full((W, D))],
        out_specs=full((rows, width)),
        out_shape=jax.ShapeDtypeStruct((rows, width), jnp.float32),
    )(vx, g2, vy)
    p4 = pattern.reshape(TR, 8, TC, 128).transpose(0, 2, 1, 3)

    info = plsc.get_sparse_core_info()
    NW = info.num_cores * info.num_subcores
    rpw = rows // NW
    tpw = rpw // 8

    @functools.partial(
        pl.kernel,
        mesh=plsc.VectorSubcoreMesh(core_axis_name="c", subcore_axis_name="s"),
        out_type=jax.ShapeDtypeStruct((b, TR, TC, 8, 128), jnp.float32),
        scratch_types=[
            pltpu.VMEM((tpw, TC, 8, 128), jnp.float32),
            pltpu.SemaphoreType.DMA,
        ],
    )
    def sc_broadcast(p4_hbm, out_hbm, chunk, sem):
        wid = lax.axis_index("s") * info.num_cores + lax.axis_index("c")
        tbase = wid * tpw
        pltpu.sync_copy(p4_hbm.at[pl.ds(tbase, tpw)], chunk)
        descs = [
            pltpu.async_copy(chunk, out_hbm.at[i, pl.ds(tbase, tpw)], sem)
            for i in range(b)
        ]
        for d in descs:
            d.wait()

    x5 = sc_broadcast(p4)
    return x5.transpose(0, 1, 3, 2, 4).reshape(b, rows, width)

# --- scband reference (transcript-rebuilt; emitter-appended) ---
"""Pipeline reference for scband-pos-emb-80367428043089 (READ-ONLY COPY).

The authoritative reference and input builder live on the scoring server;
editing this copy changes nothing except your own understanding.
"""

import jax, jax.numpy as jnp
import numpy as np

D_MODEL = 256
H, W = 32, 32
B = 64

def setup_inputs(seed: int = 0) -> dict:
    key = jax.random.key(seed)
    k1, k2, k3, k4, k5 = jax.random.split(key, 5)
    inp = jax.random.normal(k1, (B, H * W, D_MODEL), dtype=jnp.float32)
    # weight_norm(Embedding): weight = g * v / ||v||_row (dim=0 -> per-row norm)
    vx = jax.random.normal(k2, (H, D_MODEL), dtype=jnp.float32)
    gx = jax.random.uniform(k3, (H, 1), dtype=jnp.float32, minval=0.5, maxval=1.5)
    vy = jax.random.normal(k4, (W, D_MODEL), dtype=jnp.float32)
    gy = jax.random.uniform(k5, (W, 1), dtype=jnp.float32, minval=0.5, maxval=1.5)
    return {"inp": inp, "vx": vx, "gx": gx, "vy": vy, "gy": gy}

def reference(inp, vx, gx, vy, gy):
    b = inp.shape[0]
    # weight-normalized embedding tables
    wx = gx * vx / jnp.linalg.norm(vx, axis=1, keepdims=True)
    wy = gy * vy / jnp.linalg.norm(vy, axis=1, keepdims=True)
    # standard mode, cat=True
    xemb = jnp.take(wx, jnp.arange(H), axis=0)            # [H, d]
    xpos = jnp.tile(xemb[None, :, :], (W, 1, 1))          # [W, H, d]
    xpos = xpos.reshape(W * H, -1)
    xpos = jnp.tile(xpos[None, :, :], (b, 1, 1))          # [B, W*H, d]
    yemb = jnp.take(wy, jnp.arange(W), axis=0)            # [W, d]
    ypos = jnp.repeat(yemb[:, None, :], H, axis=1)        # [W, H, d]
    ypos = ypos.reshape(W * H, -1)
    ypos = jnp.tile(ypos[None, :, :], (b, 1, 1))          # [B, W*H, d]
    x = jnp.concatenate([xpos, ypos], axis=2)             # [B, W*H, 2d]
    return x

if __name__ == "__main__":
    import jax
    _d = setup_inputs()
    print(jax.jit(kernel)(*tuple(_d.values())))

</pallas_src>

<mosaic_0001>
#map = affine_map<(d0, d1) -> (0, 0, 0, 0)>
#map1 = affine_map<(d0, d1) -> (0, 0, 0, 0, 0)>
module attributes {stable_mosaic.version = 14 : i64} {
  func.func @sc_broadcast(%arg0: i32, %arg1: i32, %arg2: memref<128x4x8x128xf32, #tpu.memory_space<hbm>>, %arg3: memref<64x128x4x8x128xf32, #tpu.memory_space<hbm>>, %arg4: memref<4x4x8x128xf32, #tpu.memory_space<vmem>>, %arg5: memref<!tpu.dma_semaphore, #tpu.memory_space<semaphore_mem>>) attributes {dimension_semantics = [#tpu.dimension_semantics<core_parallel>, #tpu.dimension_semantics<subcore_parallel>], iteration_bounds = array<i64: 2, 16>, scalar_prefetch = 0 : i64, scratch_operands = 2 : i64, tpu.core_type = #tpu.core_type<sc_vector_subcore>, window_params = [{transform_indices = #map}, {transform_indices = #map1}]} {
    %mul3A = arith.constant 2 : i32
    %mul3A_0 = arith.muli %arg1, %mul3A : i32
    %add3A = arith.addi %mul3A_0, %arg0 : i32
    %mul3A_1 = arith.constant 4 : i32
    %mul3A_2 = arith.muli %add3A, %mul3A_1 : i32
    "tpu.region"() ({
      %run_scoped3A = tpu.sem_alloc : memref<!tpu.dma_semaphore, #tpu.memory_space<semaphore_mem>>
      %dma_start3A_1409 = arith.constant 0 : i32
      %dma_start3A_1410 = arith.constant 0 : i32
      %dma_start3A_1411 = arith.constant 0 : i32
      %dma_start3A_1412 = tpu.memref_slice %arg2[%mul3A_2, %dma_start3A_1409, %dma_start3A_1410, %dma_start3A_1411] : memref<128x4x8x128xf32, #tpu.memory_space<hbm>> -> memref<4x4x8x128xf32, #tpu.memory_space<hbm>>
      %dma_start3A_1413 = arith.constant 0 : i32
      %dma_start3A_1414 = arith.constant 0 : i32
      %dma_start3A_1415 = arith.constant 0 : i32
      %dma_start3A_1416 = tpu.memref_slice %arg2[%mul3A_2, %dma_start3A_1413, %dma_start3A_1414, %dma_start3A_1415] : memref<128x4x8x128xf32, #tpu.memory_space<hbm>> -> memref<4x4x8x128xf32, #tpu.memory_space<hbm>>
      tpu.enqueue_dma source(%dma_start3A_1416 : memref<4x4x8x128xf32, #tpu.memory_space<hbm>>) target(%arg4 : memref<4x4x8x128xf32, #tpu.memory_space<vmem>>) target_semaphore(%run_scoped3A : memref<!tpu.dma_semaphore, #tpu.memory_space<semaphore_mem>>)
      %dma_wait3A_1417 = arith.constant 0 : i32
      %dma_wait3A_1418 = arith.constant 0 : i32
      %dma_wait3A_1419 = arith.constant 0 : i32
      %dma_wait3A_1420 = tpu.memref_slice %arg2[%mul3A_2, %dma_wait3A_1417, %dma_wait3A_1418, %dma_wait3A_1419] : memref<128x4x8x128xf32, #tpu.memory_space<hbm>> -> memref<4x4x8x128xf32, #tpu.memory_space<hbm>>
      %dma_wait3A_1421 = arith.constant 0 : i32
      %dma_wait3A_1422 = arith.constant 0 : i32
      %dma_wait3A_1423 = arith.constant 0 : i32
      %dma_wait3A_1424 = tpu.memref_slice %arg2[%mul3A_2, %dma_wait3A_1421, %dma_wait3A_1422, %dma_wait3A_1423] : memref<128x4x8x128xf32, #tpu.memory_space<hbm>> -> memref<4x4x8x128xf32, #tpu.memory_space<hbm>>
      tpu.wait_dma2 semaphore(%run_scoped3A : memref<!tpu.dma_semaphore, #tpu.memory_space<semaphore_mem>>) src(%dma_wait3A_1424 : memref<4x4x8x128xf32, #tpu.memory_space<hbm>>) dst(%arg4 : memref<4x4x8x128xf32, #tpu.memory_space<vmem>>)
      tpu.yield
    }) : () -> ()
    %dma_start3A = arith.constant 0 : i32
    %dma_start3A_3 = arith.constant 0 : i32
    %dma_start3A_4 = arith.constant 0 : i32
    %dma_start3A_5 = arith.constant 0 : i32
    %dma_start3A_6 = tpu.memref_slice %arg3[%dma_start3A, %mul3A_2, %dma_start3A_3, %dma_start3A_4, %dma_start3A_5] : memref<64x128x4x8x128xf32, #tpu.memory_space<hbm>> -> memref<1x4x4x8x128xf32, #tpu.memory_space<hbm>>
    %dma_start3A_7 = tpu.memref_squeeze %dma_start3A_6 : memref<1x4x4x8x128xf32, #tpu.memory_space<hbm>> -> memref<4x4x8x128xf32, #tpu.memory_space<hbm>>
    %dma_start3A_8 = arith.constant 0 : i32
    %dma_start3A_9 = arith.constant 0 : i32
    %dma_start3A_10 = arith.constant 0 : i32
    %dma_start3A_11 = tpu.memref_slice %arg3[%dma_start3A, %mul3A_2, %dma_start3A_8, %dma_start3A_9, %dma_start3A_10] : memref<64x128x4x8x128xf32, #tpu.memory_space<hbm>> -> memref<1x4x4x8x128xf32, #tpu.memory_space<hbm>>
    %dma_start3A_12 = tpu.memref_squeeze %dma_start3A_11 : memref<1x4x4x8x128xf32, #tpu.memory_space<hbm>> -> memref<4x4x8x128xf32, #tpu.memory_space<hbm>>
    tpu.enqueue_dma source(%arg4 : memref<4x4x8x128xf32, #tpu.memory_space<vmem>>) target(%dma_start3A_12 : memref<4x4x8x128xf32, #tpu.memory_space<hbm>>) target_semaphore(%arg5 : memref<!tpu.dma_semaphore, #tpu.memory_space<semaphore_mem>>)
    %dma_start3A_13 = arith.constant 1 : i32
    %dma_start3A_14 = arith.constant 0 : i32
    %dma_start3A_15 = arith.constant 0 : i32
    %dma_start3A_16 = arith.constant 0 : i32
    %dma_start3A_17 = tpu.memref_slice %arg3[%dma_start3A_13, %mul3A_2, %dma_start3A_14, %dma_start3A_15, %dma_start3A_16] : memref<64x128x4x8x128xf32, #tpu.memory_space<hbm>> -> memref<1x4x4x8x128xf32, #tpu.memory_space<hbm>>
    %dma_start3A_18 = tpu.memref_squeeze %dma_start3A_17 : memref<1x4x4x8x128xf32, #tpu.memory_space<hbm>> -> memref<4x4x8x128xf32, #tpu.memory_space<hbm>>
    %dma_start3A_19 = arith.constant 0 : i32
    %dma_start3A_20 = arith.constant 0 : i32
    %dma_start3A_21 = arith.constant 0 : i32
    %dma_start3A_22 = tpu.memref_slice %arg3[%dma_start3A_13, %mul3A_2, %dma_start3A_19, %dma_start3A_20, %dma_start3A_21] : memref<64x128x4x8x128xf32, #tpu.memory_space<hbm>> -> memref<1x4x4x8x128xf32, #tpu.memory_space<hbm>>
    %dma_start3A_23 = tpu.memref_squeeze %dma_start3A_22 : memref<1x4x4x8x128xf32, #tpu.memory_space<hbm>> -> memref<4x4x8x128xf32, #tpu.memory_space<hbm>>
    tpu.enqueue_dma source(%arg4 : memref<4x4x8x128xf32, #tpu.memory_space<vmem>>) target(%dma_start3A_23 : memref<4x4x8x128xf32, #tpu.memory_space<hbm>>) target_semaphore(%arg5 : memref<!tpu.dma_semaphore, #tpu.memory_space<semaphore_mem>>)
    %dma_start3A_24 = arith.constant 2 : i32
    %dma_start3A_25 = arith.constant 0 : i32
    %dma_start3A_26 = arith.constant 0 : i32
    %dma_start3A_27 = arith.constant 0 : i32
    %dma_start3A_28 = tpu.memref_slice %arg3[%dma_start3A_24, %mul3A_2, %dma_start3A_25, %dma_start3A_26, %dma_start3A_27] : memref<64x128x4x8x128xf32, #tpu.memory_space<hbm>> -> memref<1x4x4x8x128xf32, #tpu.memory_space<hbm>>
    %dma_start3A_29 = tpu.memref_squeeze %dma_start3A_28 : memref<1x4x4x8x128xf32, #tpu.memory_space<hbm>> -> memref<4x4x8x128xf32, #tpu.memory_space<hbm>>
    %dma_start3A_30 = arith.constant 0 : i32
    %dma_start3A_31 = arith.constant 0 : i32
    %dma_start3A_32 = arith.constant 0 : i32
    %dma_start3A_33 = tpu.memref_slice %arg3[%dma_start3A_24, %mul3A_2, %dma_start3A_30, %dma_start3A_31, %dma_start3A_32] : memref<64x128x4x8x128xf32, #tpu.memory_space<hbm>> -> memref<1x4x4x8x128xf32, #tpu.memory_space<hbm>>
    %dma_start3A_34 = tpu.memref_squeeze %dma_start3A_33 : memref<1x4x4x8x128xf32, #tpu.memory_space<hbm>> -> memref<4x4x8x128xf32, #tpu.memory_space<hbm>>
    tpu.enqueue_dma source(%arg4 : memref<4x4x8x128xf32, #tpu.memory_space<vmem>>) target(%dma_start3A_34 : memref<4x4x8x128xf32, #tpu.memory_space<hbm>>) target_semaphore(%arg5 : memref<!tpu.dma_semaphore, #tpu.memory_space<semaphore_mem>>)
    %dma_start3A_35 = arith.constant 3 : i32
    %dma_start3A_36 = arith.constant 0 : i32
    %dma_start3A_37 = arith.constant 0 : i32
    %dma_start3A_38 = arith.constant 0 : i32
    %dma_start3A_39 = tpu.memref_slice %arg3[%dma_start3A_35, %mul3A_2, %dma_start3A_36, %dma_start3A_37, %dma_start3A_38] : memref<64x128x4x8x128xf32, #tpu.memory_space<hbm>> -> memref<1x4x4x8x128xf32, #tpu.memory_space<hbm>>
    %dma_start3A_40 = tpu.memref_squeeze %dma_start3A_39 : memref<1x4x4x8x128xf32, #tpu.memory_space<hbm>> -> memref<4x4x8x128xf32, #tpu.memory_space<hbm>>
    %dma_start3A_41 = arith.constant 0 : i32
    %dma_start3A_42 = arith.constant 0 : i32
    %dma_start3A_43 = arith.constant 0 : i32
    %dma_start3A_44 = tpu.memref_slice %arg3[%dma_start3A_35, %mul3A_2, %dma_start3A_41, %dma_start3A_42, %dma_start3A_43] : memref<64x128x4x8x128xf32, #tpu.memory_space<hbm>> -> memref<1x4x4x8x128xf32, #tpu.memory_space<hbm>>
    %dma_start3A_45 = tpu.memref_squeeze %dma_start3A_44 : memref<1x4x4x8x128xf32, #tpu.memory_space<hbm>> -> memref<4x4x8x128xf32, #tpu.memory_space<hbm>>
    tpu.enqueue_dma source(%arg4 : memref<4x4x8x128xf32, #tpu.memory_space<vmem>>) target(%dma_start3A_45 : memref<4x4x8x128xf32, #tpu.memory_space<hbm>>) target_semaphore(%arg5 : memref<!tpu.dma_semaphore, #tpu.memory_space<semaphore_mem>>)
    %dma_start3A_46 = arith.constant 4 : i32
    %dma_start3A_47 = arith.constant 0 : i32
    %dma_start3A_48 = arith.constant 0 : i32
    %dma_start3A_49 = arith.constant 0 : i32
    %dma_start3A_50 = tpu.memref_slice %arg3[%dma_start3A_46, %mul3A_2, %dma_start3A_47, %dma_start3A_48, %dma_start3A_49] : memref<64x128x4x8x128xf32, #tpu.memory_space<hbm>> -> memref<1x4x4x8x128xf32, #tpu.memory_space<hbm>>
    %dma_start3A_51 = tpu.memref_squeeze %dma_start3A_50 : memref<1x4x4x8x128xf32, #tpu.memory_space<hbm>> -> memref<4x4x8x128xf32, #tpu.memory_space<hbm>>
    %dma_start3A_52 = arith.constant 0 : i32
    %dma_start3A_53 = arith.constant 0 : i32
    %dma_start3A_54 = arith.constant 0 : i32
    %dma_start3A_55 = tpu.memref_slice %arg3[%dma_start3A_46, %mul3A_2, %dma_start3A_52, %dma_start3A_53, %dma_start3A_54] : memref<64x128x4x8x128xf32, #tpu.memory_space<hbm>> -> memref<1x4x4x8x128xf32, #tpu.memory_space<hbm>>
    %dma_start3A_56 = tpu.memref_squeeze %dma_start3A_55 : memref<1x4x4x8x128xf32, #tpu.memory_space<hbm>> -> memref<4x4x8x128xf32, #tpu.memory_space<hbm>>
    tpu.enqueue_dma source(%arg4 : memref<4x4x8x128xf32, #tpu.memory_space<vmem>>) target(%dma_start3A_56 : memref<4x4x8x128xf32, #tpu.memory_space<hbm>>) target_semaphore(%arg5 : memref<!tpu.dma_semaphore, #tpu.memory_space<semaphore_mem>>)
    %dma_start3A_57 = arith.constant 5 : i32
    %dma_start3A_58 = arith.constant 0 : i32
    %dma_start3A_59 = arith.constant 0 : i32
    %dma_start3A_60 = arith.constant 0 : i32
    %dma_start3A_61 = tpu.memref_slice %arg3[%dma_start3A_57, %mul3A_2, %dma_start3A_58, %dma_start3A_59, %dma_start3A_60] : memref<64x128x4x8x128xf32, #tpu.memory_space<hbm>> -> memref<1x4x4x8x128xf32, #tpu.memory_space<hbm>>
    %dma_start3A_62 = tpu.memref_squeeze %dma_start3A_61 : memref<1x4x4x8x128xf32, #tpu.memory_space<hbm>> -> memref<4x4x8x128xf32, #tpu.memory_space<hbm>>
    %dma_start3A_63 = arith.constant 0 : i32
    %dma_start3A_64 = arith.constant 0 : i32
    %dma_start3A_65 = arith.constant 0 : i32
    %dma_start3A_66 = tpu.memref_slice %arg3[%dma_start3A_57, %mul3A_2, %dma_start3A_63, %dma_start3A_64, %dma_start3A_65] : memref<64x128x4x8x128xf32, #tpu.memory_space<hbm>> -> memref<1x4x4x8x128xf32, #tpu.memory_space<hbm>>
    %dma_start3A_67 = tpu.memref_squeeze %dma_start3A_66 : memref<1x4x4x8x128xf32, #tpu.memory_space<hbm>> -> memref<4x4x8x128xf32, #tpu.memory_space<hbm>>
    tpu.enqueue_dma source(%arg4 : memref<4x4x8x128xf32, #tpu.memory_space<vmem>>) target(%dma_start3A_67 : memref<4x4x8x128xf32, #tpu.memory_space<hbm>>) target_semaphore(%arg5 : memref<!tpu.dma_semaphore, #tpu.memory_space<semaphore_mem>>)
    %dma_start3A_68 = arith.constant 6 : i32
    %dma_start3A_69 = arith.constant 0 : i32
    %dma_start3A_70 = arith.constant 0 : i32
    %dma_start3A_71 = arith.constant 0 : i32
    %dma_start3A_72 = tpu.memref_slice %arg3[%dma_start3A_68, %mul3A_2, %dma_start3A_69, %dma_start3A_70, %dma_start3A_71] : memref<64x128x4x8x128xf32, #tpu.memory_space<hbm>> -> memref<1x4x4x8x128xf32, #tpu.memory_space<hbm>>
    %dma_start3A_73 = tpu.memref_squeeze %dma_start3A_72 : memref<1x4x4x8x128xf32, #tpu.memory_space<hbm>> -> memref<4x4x8x128xf32, #tpu.memory_space<hbm>>
    %dma_start3A_74 = arith.constant 0 : i32
    %dma_start3A_75 = arith.constant 0 : i32
    %dma_start3A_76 = arith.constant 0 : i32
    %dma_start3A_77 = tpu.memref_slice %arg3[%dma_start3A_68, %mul3A_2, %dma_start3A_74, %dma_start3A_75, %dma_start3A_76] : memref<64x128x4x8x128xf32, #tpu.memory_space<hbm>> -> memref<1x4x4x8x128xf32, #tpu.memory_space<hbm>>
    %dma_start3A_78 = tpu.memref_squeeze %dma_start3A_77 : memref<1x4x4x8x128xf32, #tpu.memory_space<hbm>> -> memref<4x4x8x128xf32, #tpu.memory_space<hbm>>
    tpu.enqueue_dma source(%arg4 : memref<4x4x8x128xf32, #tpu.memory_space<vmem>>) target(%dma_start3A_78 : memref<4x4x8x128xf32, #tpu.memory_space<hbm>>) target_semaphore(%arg5 : memref<!tpu.dma_semaphore, #tpu.memory_space<semaphore_mem>>)
    %dma_start3A_79 = arith.constant 7 : i32
    %dma_start3A_80 = arith.constant 0 : i32
    %dma_start3A_81 = arith.constant 0 : i32
    %dma_start3A_82 = arith.constant 0 : i32
    %dma_start3A_83 = tpu.memref_slice %arg3[%dma_start3A_79, %mul3A_2, %dma_start3A_80, %dma_start3A_81, %dma_start3A_82] : memref<64x128x4x8x128xf32, #tpu.memory_space<hbm>> -> memref<1x4x4x8x128xf32, #tpu.memory_space<hbm>>
    %dma_start3A_84 = tpu.memref_squeeze %dma_start3A_83 : memref<1x4x4x8x128xf32, #tpu.memory_space<hbm>> -> memref<4x4x8x128xf32, #tpu.memory_space<hbm>>
    %dma_start3A_85 = arith.constant 0 : i32
    %dma_start3A_86 = arith.constant 0 : i32
    %dma_start3A_87 = arith.constant 0 : i32
    %dma_start3A_88 = tpu.memref_slice %arg3[%dma_start3A_79, %mul3A_2, %dma_start3A_85, %dma_start3A_86, %dma_start3A_87] : memref<64x128x4x8x128xf32, #tpu.memory_space<hbm>> -> memref<1x4x4x8x128xf32, #tpu.memory_space<hbm>>
    %dma_start3A_89 = tpu.memref_squeeze %dma_start3A_88 : memref<1x4x4x8x128xf32, #tpu.memory_space<hbm>> -> memref<4x4x8x128xf32, #tpu.memory_space<hbm>>
    tpu.enqueue_dma source(%arg4 : memref<4x4x8x128xf32, #tpu.memory_space<vmem>>) target(%dma_start3A_89 : memref<4x4x8x128xf32, #tpu.memory_space<hbm>>) target_semaphore(%arg5 : memref<!tpu.dma_semaphore, #tpu.memory_space<semaphore_mem>>)
    %dma_start3A_90 = arith.constant 8 : i32
    %dma_start3A_91 = arith.constant 0 : i32
    %dma_start3A_92 = arith.constant 0 : i32
    %dma_start3A_93 = arith.constant 0 : i32
    %dma_start3A_94 = tpu.memref_slice %arg3[%dma_start3A_90, %mul3A_2, %dma_start3A_91, %dma_start3A_92, %dma_start3A_93] : memref<64x128x4x8x128xf32, #tpu.memory_space<hbm>> -> memref<1x4x4x8x128xf32, #tpu.memory_space<hbm>>
    %dma_start3A_95 = tpu.memref_squeeze %dma_start3A_94 : memref<1x4x4x8x128xf32, #tpu.memory_space<hbm>> -> memref<4x4x8x128xf32, #tpu.memory_space<hbm>>
    %dma_start3A_96 = arith.constant 0 : i32
    %dma_start3A_97 = arith.constant 0 : i32
    %dma_start3A_98 = arith.constant 0 : i32
    %dma_start3A_99 = tpu.memref_slice %arg3[%dma_start3A_90, %mul3A_2, %dma_start3A_96, %dma_start3A_97, %dma_start3A_98] : memref<64x128x4x8x128xf32, #tpu.memory_space<hbm>> -> memref<1x4x4x8x128xf32, #tpu.memory_space<hbm>>
    %dma_start3A_100 = tpu.memref_squeeze %dma_start3A_99 : memref<1x4x4x8x128xf32, #tpu.memory_space<hbm>> -> memref<4x4x8x128xf32, #tpu.memory_space<hbm>>
    tpu.enqueue_dma source(%arg4 : memref<4x4x8x128xf32, #tpu.memory_space<vmem>>) target(%dma_start3A_100 : memref<4x4x8x128xf32, #tpu.memory_space<hbm>>) target_semaphore(%arg5 : memref<!tpu.dma_semaphore, #tpu.memory_space<semaphore_mem>>)
    %dma_start3A_101 = arith.constant 9 : i32
    %dma_start3A_102 = arith.constant 0 : i32
    %dma_start3A_103 = arith.constant 0 : i32
    %dma_start3A_104 = arith.constant 0 : i32
    %dma_start3A_105 = tpu.memref_slice %arg3[%dma_start3A_101, %mul3A_2, %dma_start3A_102, %dma_start3A_103, %dma_start3A_104] : memref<64x128x4x8x128xf32, #tpu.memory_space<hbm>> -> memref<1x4x4x8x128xf32, #tpu.memory_space<hbm>>
    %dma_start3A_106 = tpu.memref_squeeze %dma_start3A_105 : memref<1x4x4x8x128xf32, #tpu.memory_space<hbm>> -> memref<4x4x8x128xf32, #tpu.memory_space<hbm>>
    %dma_start3A_107 = arith.constant 0 : i32
    %dma_start3A_108 = arith.constant 0 : i32
    %dma_start3A_109 = arith.constant 0 : i32
    %dma_start3A_110 = tpu.memref_slice %arg3[%dma_start3A_101, %mul3A_2, %dma_start3A_107, %dma_start3A_108, %dma_start3A_109] : memref<64x128x4x8x128xf32, #tpu.memory_space<hbm>> -> memref<1x4x4x8x128xf32, #tpu.memory_space<hbm>>
    %dma_start3A_111 = tpu.memref_squeeze %dma_start3A_110 : memref<1x4x4x8x128xf32, #tpu.memory_space<hbm>> -> memref<4x4x8x128xf32, #tpu.memory_space<hbm>>
    tpu.enqueue_dma source(%arg4 : memref<4x4x8x128xf32, #tpu.memory_space<vmem>>) target(%dma_start3A_111 : memref<4x4x8x128xf32, #tpu.memory_space<hbm>>) target_semaphore(%arg5 : memref<!tpu.dma_semaphore, #tpu.memory_space<semaphore_mem>>)
    %dma_start3A_112 = arith.constant 10 : i32
    %dma_start3A_113 = arith.constant 0 : i32
    %dma_start3A_114 = arith.constant 0 : i32
    %dma_start3A_115 = arith.constant 0 : i32
    %dma_start3A_116 = tpu.memref_slice %arg3[%dma_start3A_112, %mul3A_2, %dma_start3A_113, %dma_start3A_114, %dma_start3A_115] : memref<64x128x4x8x128xf32, #tpu.memory_space<hbm>> -> memref<1x4x4x8x128xf32, #tpu.memory_space<hbm>>
    %dma_start3A_117 = tpu.memref_squeeze %dma_start3A_116 : memref<1x4x4x8x128xf32, #tpu.memory_space<hbm>> -> memref<4x4x8x128xf32, #tpu.memory_space<hbm>>
    %dma_start3A_118 = arith.constant 0 : i32
    %dma_start3A_119 = arith.constant 0 : i32
    %dma_start3A_120 = arith.constant 0 : i32
    %dma_start3A_121 = tpu.memref_slice %arg3[%dma_start3A_112, %mul3A_2, %dma_start3A_118, %dma_start3A_119, %dma_start3A_120] : memref<64x128x4x8x128xf32, #tpu.memory_space<hbm>> -> memref<1x4x4x8x128xf32, #tpu.memory_space<hbm>>
    %dma_start3A_122 = tpu.memref_squeeze %dma_start3A_121 : memref<1x4x4x8x128xf32, #tpu.memory_space<hbm>> -> memref<4x4x8x128xf32, #tpu.memory_space<hbm>>
    tpu.enqueue_dma source(%arg4 : memref<4x4x8x128xf32, #tpu.memory_space<vmem>>) target(%dma_start3A_122 : memref<4x4x8x128xf32, #tpu.memory_space<hbm>>) target_semaphore(%arg5 : memref<!tpu.dma_semaphore, #tpu.memory_space<semaphore_mem>>)
    %dma_start3A_123 = arith.constant 11 : i32
    %dma_start3A_124 = arith.constant 0 : i32
    %dma_start3A_125 = arith.constant 0 : i32
    %dma_start3A_126 = arith.constant 0 : i32
    %dma_start3A_127 = tpu.memref_slice %arg3[%dma_start3A_123, %mul3A_2, %dma_start3A_124, %dma_start3A_125, %dma_start3A_126] : memref<64x128x4x8x128xf32, #tpu.memory_space<hbm>> -> memref<1x4x4x8x128xf32, #tpu.memory_space<hbm>>
    %dma_start3A_128 = tpu.memref_squeeze %dma_start3A_127 : memref<1x4x4x8x128xf32, #tpu.memory_space<hbm>> -> memref<4x4x8x128xf32, #tpu.memory_space<hbm>>
    %dma_start3A_129 = arith.constant 0 : i32
    %dma_start3A_130 = arith.constant 0 : i32
    %dma_start3A_131 = arith.constant 0 : i32
    %dma_start3A_132 = tpu.memref_slice %arg3[%dma_start3A_123, %mul3A_2, %dma_start3A_129, %dma_start3A_130, %dma_start3A_131] : memref<64x128x4x8x128xf32, #tpu.memory_space<hbm>> -> memref<1x4x4x8x128xf32, #tpu.memory_space<hbm>>
    %dma_start3A_133 = tpu.memref_squeeze %dma_start3A_132 : memref<1x4x4x8x128xf32, #tpu.memory_space<hbm>> -> memref<4x4x8x128xf32, #tpu.memory_space<hbm>>
    tpu.enqueue_dma source(%arg4 : memref<4x4x8x128xf32, #tpu.memory_space<vmem>>) target(%dma_start3A_133 : memref<4x4x8x128xf32, #tpu.memory_space<hbm>>) target_semaphore(%arg5 : memref<!tpu.dma_semaphore, #tpu.memory_space<semaphore_mem>>)
    %dma_start3A_134 = arith.constant 12 : i32
    %dma_start3A_135 = arith.constant 0 : i32
    %dma_start3A_136 = arith.constant 0 : i32
    %dma_start3A_137 = arith.constant 0 : i32
    %dma_start3A_138 = tpu.memref_slice %arg3[%dma_start3A_134, %mul3A_2, %dma_start3A_135, %dma_start3A_136, %dma_start3A_137] : memref<64x128x4x8x128xf32, #tpu.memory_space<hbm>> -> memref<1x4x4x8x128xf32, #tpu.memory_space<hbm>>
    %dma_start3A_139 = tpu.memref_squeeze %dma_start3A_138 : memref<1x4x4x8x128xf32, #tpu.memory_space<hbm>> -> memref<4x4x8x128xf32, #tpu.memory_space<hbm>>
    %dma_start3A_140 = arith.constant 0 : i32
    %dma_start3A_141 = arith.constant 0 : i32
    %dma_start3A_142 = arith.constant 0 : i32
    %dma_start3A_143 = tpu.memref_slice %arg3[%dma_start3A_134, %mul3A_2, %dma_start3A_140, %dma_start3A_141, %dma_start3A_142] : memref<64x128x4x8x128xf32, #tpu.memory_space<hbm>> -> memref<1x4x4x8x128xf32, #tpu.memory_space<hbm>>
    %dma_start3A_144 = tpu.memref_squeeze %dma_start3A_143 : memref<1x4x4x8x128xf32, #tpu.memory_space<hbm>> -> memref<4x4x8x128xf32, #tpu.memory_space<hbm>>
    tpu.enqueue_dma source(%arg4 : memref<4x4x8x128xf32, #tpu.memory_space<vmem>>) target(%dma_start3A_144 : memref<4x4x8x128xf32, #tpu.memory_space<hbm>>) target_semaphore(%arg5 : memref<!tpu.dma_semaphore, #tpu.memory_space<semaphore_mem>>)
    %dma_start3A_145 = arith.constant 13 : i32
    %dma_start3A_146 = arith.constant 0 : i32
    %dma_start3A_147 = arith.constant 0 : i32
    %dma_start3A_148 = arith.constant 0 : i32
    %dma_start3A_149 = tpu.memref_slice %arg3[%dma_start3A_145, %mul3A_2, %dma_start3A_146, %dma_start3A_147, %dma_start3A_148] : memref<64x128x4x8x128xf32, #tpu.memory_space<hbm>> -> memref<1x4x4x8x128xf32, #tpu.memory_space<hbm>>
    %dma_start3A_150 = tpu.memref_squeeze %dma_start3A_149 : memref<1x4x4x8x128xf32, #tpu.memory_space<hbm>> -> memref<4x4x8x128xf32, #tpu.memory_space<hbm>>
    %dma_start3A_151 = arith.constant 0 : i32
    %dma_start3A_152 = arith.constant 0 : i32
    %dma_start3A_153 = arith.constant 0 : i32
    %dma_start3A_154 = tpu.memref_slice %arg3[%dma_start3A_145, %mul3A_2, %dma_start3A_151, %dma_start3A_152, %dma_start3A_153] : memref<64x128x4x8x128xf32, #tpu.memory_space<hbm>> -> memref<1x4x4x8x128xf32, #tpu.memory_space<hbm>>
    %dma_start3A_155 = tpu.memref_squeeze %dma_start3A_154 : memref<1x4x4x8x128xf32, #tpu.memory_space<hbm>> -> memref<4x4x8x128xf32, #tpu.memory_space<hbm>>
    tpu.enqueue_dma source(%arg4 : memref<4x4x8x128xf32, #tpu.memory_space<vmem>>) target(%dma_start3A_155 : memref<4x4x8x128xf32, #tpu.memory_space<hbm>>) target_semaphore(%arg5 : memref<!tpu.dma_semaphore, #tpu.memory_space<semaphore_mem>>)
    %dma_start3A_156 = arith.constant 14 : i32
    %dma_start3A_157 = arith.constant 0 : i32
    %dma_start3A_158 = arith.constant 0 : i32
    %dma_start3A_159 = arith.constant 0 : i32
    %dma_start3A_160 = tpu.memref_slice %arg3[%dma_start3A_156, %mul3A_2, %dma_start3A_157, %dma_start3A_158, %dma_start3A_159] : memref<64x128x4x8x128xf32, #tpu.memory_space<hbm>> -> memref<1x4x4x8x128xf32, #tpu.memory_space<hbm>>
    %dma_start3A_161 = tpu.memref_squeeze %dma_start3A_160 : memref<1x4x4x8x128xf32, #tpu.memory_space<hbm>> -> memref<4x4x8x128xf32, #tpu.memory_space<hbm>>
    %dma_start3A_162 = arith.constant 0 : i32
    %dma_start3A_163 = arith.constant 0 : i32
    %dma_start3A_164 = arith.constant 0 : i32
    %dma_start3A_165 = tpu.memref_slice %arg3[%dma_start3A_156, %mul3A_2, %dma_start3A_162, %dma_start3A_163, %dma_start3A_164] : memref<64x128x4x8x128xf32, #tpu.memory_space<hbm>> -> memref<1x4x4x8x128xf32, #tpu.memory_space<hbm>>
    %dma_start3A_166 = tpu.memref_squeeze %dma_start3A_165 : memref<1x4x4x8x128xf32, #tpu.memory_space<hbm>> -> memref<4x4x8x128xf32, #tpu.memory_space<hbm>>
    tpu.enqueue_dma source(%arg4 : memref<4x4x8x128xf32, #tpu.memory_space<vmem>>) target(%dma_start3A_166 : memref<4x4x8x128xf32, #tpu.memory_space<hbm>>) target_semaphore(%arg5 : memref<!tpu.dma_semaphore, #tpu.memory_space<semaphore_mem>>)
    %dma_start3A_167 = arith.constant 15 : i32
    %dma_start3A_168 = arith.constant 0 : i32
    %dma_start3A_169 = arith.constant 0 : i32
    %dma_start3A_170 = arith.constant 0 : i32
    %dma_start3A_171 = tpu.memref_slice %arg3[%dma_start3A_167, %mul3A_2, %dma_start3A_168, %dma_start3A_169, %dma_start3A_170] : memref<64x128x4x8x128xf32, #tpu.memory_space<hbm>> -> memref<1x4x4x8x128xf32, #tpu.memory_space<hbm>>
    %dma_start3A_172 = tpu.memref_squeeze %dma_start3A_171 : memref<1x4x4x8x128xf32, #tpu.memory_space<hbm>> -> memref<4x4x8x128xf32, #tpu.memory_space<hbm>>
    %dma_start3A_173 = arith.constant 0 : i32
    %dma_start3A_174 = arith.constant 0 : i32
    %dma_start3A_175 = arith.constant 0 : i32
    %dma_start3A_176 = tpu.memref_slice %arg3[%dma_start3A_167, %mul3A_2, %dma_start3A_173, %dma_start3A_174, %dma_start3A_175] : memref<64x128x4x8x128xf32, #tpu.memory_space<hbm>> -> memref<1x4x4x8x128xf32, #tpu.memory_space<hbm>>
    %dma_start3A_177 = tpu.memref_squeeze %dma_start3A_176 : memref<1x4x4x8x128xf32, #tpu.memory_space<hbm>> -> memref<4x4x8x128xf32, #tpu.memory_space<hbm>>
    tpu.enqueue_dma source(%arg4 : memref<4x4x8x128xf32, #tpu.memory_space<vmem>>) target(%dma_start3A_177 : memref<4x4x8x128xf32, #tpu.memory_space<hbm>>) target_semaphore(%arg5 : memref<!tpu.dma_semaphore, #tpu.memory_space<semaphore_mem>>)
    %dma_start3A_178 = arith.constant 16 : i32
    %dma_start3A_179 = arith.constant 0 : i32
    %dma_start3A_180 = arith.constant 0 : i32
    %dma_start3A_181 = arith.constant 0 : i32
    %dma_start3A_182 = tpu.memref_slice %arg3[%dma_start3A_178, %mul3A_2, %dma_start3A_179, %dma_start3A_180, %dma_start3A_181] : memref<64x128x4x8x128xf32, #tpu.memory_space<hbm>> -> memref<1x4x4x8x128xf32, #tpu.memory_space<hbm>>
    %dma_start3A_183 = tpu.memref_squeeze %dma_start3A_182 : memref<1x4x4x8x128xf32, #tpu.memory_space<hbm>> -> memref<4x4x8x128xf32, #tpu.memory_space<hbm>>
    %dma_start3A_184 = arith.constant 0 : i32
    %dma_start3A_185 = arith.constant 0 : i32
    %dma_start3A_186 = arith.constant 0 : i32
    %dma_start3A_187 = tpu.memref_slice %arg3[%dma_start3A_178, %mul3A_2, %dma_start3A_184, %dma_start3A_185, %dma_start3A_186] : memref<64x128x4x8x128xf32, #tpu.memory_space<hbm>> -> memref<1x4x4x8x128xf32, #tpu.memory_space<hbm>>
    %dma_start3A_188 = tpu.memref_squeeze %dma_start3A_187 : memref<1x4x4x8x128xf32, #tpu.memory_space<hbm>> -> memref<4x4x8x128xf32, #tpu.memory_space<hbm>>
    tpu.enqueue_dma source(%arg4 : memref<4x4x8x128xf32, #tpu.memory_space<vmem>>) target(%dma_start3A_188 : memref<4x4x8x128xf32, #tpu.memory_space<hbm>>) target_semaphore(%arg5 : memref<!tpu.dma_semaphore, #tpu.memory_space<semaphore_mem>>)
    %dma_start3A_189 = arith.constant 17 : i32
    %dma_start3A_190 = arith.constant 0 : i32
    %dma_start3A_191 = arith.constant 0 : i32
    %dma_start3A_192 = arith.constant 0 : i32
    %dma_start3A_193 = tpu.memref_slice %arg3[%dma_start3A_189, %mul3A_2, %dma_start3A_190, %dma_start3A_191, %dma_start3A_192] : memref<64x128x4x8x128xf32, #tpu.memory_space<hbm>> -> memref<1x4x4x8x128xf32, #tpu.memory_space<hbm>>
    %dma_start3A_194 = tpu.memref_squeeze %dma_start3A_193 : memref<1x4x4x8x128xf32, #tpu.memory_space<hbm>> -> memref<4x4x8x128xf32, #tpu.memory_space<hbm>>
    %dma_start3A_195 = arith.constant 0 : i32
    %dma_start3A_196 = arith.constant 0 : i32
    %dma_start3A_197 = arith.constant 0 : i32
    %dma_start3A_198 = tpu.memref_slice %arg3[%dma_start3A_189, %mul3A_2, %dma_start3A_195, %dma_start3A_196, %dma_start3A_197] : memref<64x128x4x8x128xf32, #tpu.memory_space<hbm>> -> memref<1x4x4x8x128xf32, #tpu.memory_space<hbm>>
    %dma_start3A_199 = tpu.memref_squeeze %dma_start3A_198 : memref<1x4x4x8x128xf32, #tpu.memory_space<hbm>> -> memref<4x4x8x128xf32, #tpu.memory_space<hbm>>
    tpu.enqueue_dma source(%arg4 : memref<4x4x8x128xf32, #tpu.memory_space<vmem>>) target(%dma_start3A_199 : memref<4x4x8x128xf32, #tpu.memory_space<hbm>>) target_semaphore(%arg5 : memref<!tpu.dma_semaphore, #tpu.memory_space<semaphore_mem>>)
    %dma_start3A_200 = arith.constant 18 : i32
    %dma_start3A_201 = arith.constant 0 : i32
    %dma_start3A_202 = arith.constant 0 : i32
    %dma_start3A_203 = arith.constant 0 : i32
    %dma_start3A_204 = tpu.memref_slice %arg3[%dma_start3A_200, %mul3A_2, %dma_start3A_201, %dma_start3A_202, %dma_start3A_203] : memref<64x128x4x8x128xf32, #tpu.memory_space<hbm>> -> memref<1x4x4x8x128xf32, #tpu.memory_space<hbm>>
    %dma_start3A_205 = tpu.memref_squeeze %dma_start3A_204 : memref<1x4x4x8x128xf32, #tpu.memory_space<hbm>> -> memref<4x4x8x128xf32, #tpu.memory_space<hbm>>
    %dma_start3A_206 = arith.constant 0 : i32
    %dma_start3A_207 = arith.constant 0 : i32
    %dma_start3A_208 = arith.constant 0 : i32
    %dma_start3A_209 = tpu.memref_slice %arg3[%dma_start3A_200, %mul3A_2, %dma_start3A_206, %dma_start3A_207, %dma_start3A_208] : memref<64x128x4x8x128xf32, #tpu.memory_space<hbm>> -> memref<1x4x4x8x128xf32, #tpu.memory_space<hbm>>
    %dma_start3A_210 = tpu.memref_squeeze %dma_start3A_209 : memref<1x4x4x8x128xf32, #tpu.memory_space<hbm>> -> memref<4x4x8x128xf32, #tpu.memory_space<hbm>>
    tpu.enqueue_dma source(%arg4 : memref<4x4x8x128xf32, #tpu.memory_space<vmem>>) target(%dma_start3A_210 : memref<4x4x8x128xf32, #tpu.memory_space<hbm>>) target_semaphore(%arg5 : memref<!tpu.dma_semaphore, #tpu.memory_space<semaphore_mem>>)
    %dma_start3A_211 = arith.constant 19 : i32
    %dma_start3A_212 = arith.constant 0 : i32
    %dma_start3A_213 = arith.constant 0 : i32
    %dma_start3A_214 = arith.constant 0 : i32
    %dma_start3A_215 = tpu.memref_slice %arg3[%dma_start3A_211, %mul3A_2, %dma_start3A_212, %dma_start3A_213, %dma_start3A_214] : memref<64x128x4x8x128xf32, #tpu.memory_space<hbm>> -> memref<1x4x4x8x128xf32, #tpu.memory_space<hbm>>
    %dma_start3A_216 = tpu.memref_squeeze %dma_start3A_215 : memref<1x4x4x8x128xf32, #tpu.memory_space<hbm>> -> memref<4x4x8x128xf32, #tpu.memory_space<hbm>>
    %dma_start3A_217 = arith.constant 0 : i32
    %dma_start3A_218 = arith.constant 0 : i32
    %dma_start3A_219 = arith.constant 0 : i32
    %dma_start3A_220 = tpu.memref_slice %arg3[%dma_start3A_211, %mul3A_2, %dma_start3A_217, %dma_start3A_218, %dma_start3A_219] : memref<64x128x4x8x128xf32, #tpu.memory_space<hbm>> -> memref<1x4x4x8x128xf32, #tpu.memory_space<hbm>>
    %dma_start3A_221 = tpu.memref_squeeze %dma_start3A_220 : memref<1x4x4x8x128xf32, #tpu.memory_space<hbm>> -> memref<4x4x8x128xf32, #tpu.memory_space<hbm>>
    tpu.enqueue_dma source(%arg4 : memref<4x4x8x128xf32, #tpu.memory_space<vmem>>) target(%dma_start3A_221 : memref<4x4x8x128xf32, #tpu.memory_space<hbm>>) target_semaphore(%arg5 : memref<!tpu.dma_semaphore, #tpu.memory_space<semaphore_mem>>)
    %dma_start3A_222 = arith.constant 20 : i32
    %dma_start3A_223 = arith.constant 0 : i32
    %dma_start3A_224 = arith.constant 0 : i32
    %dma_start3A_225 = arith.constant 0 : i32
    %dma_start3A_226 = tpu.memref_slice %arg3[%dma_start3A_222, %mul3A_2, %dma_start3A_223, %dma_start3A_224, %dma_start3A_225] : memref<64x128x4x8x128xf32, #tpu.memory_space<hbm>> -> memref<1x4x4x8x128xf32, #tpu.memory_space<hbm>>
    %dma_start3A_227 = tpu.memref_squeeze %dma_start3A_226 : memref<1x4x4x8x128xf32, #tpu.memory_space<hbm>> -> memref<4x4x8x128xf32, #tpu.memory_space<hbm>>
    %dma_start3A_228 = arith.constant 0 : i32
    %dma_start3A_229 = arith.constant 0 : i32
    %dma_start3A_230 = arith.constant 0 : i32
    %dma_start3A_231 = tpu.memref_slice %arg3[%dma_start3A_222, %mul3A_2, %dma_start3A_228, %dma_start3A_229, %dma_start3A_230] : memref<64x128x4x8x128xf32, #tpu.memory_space<hbm>> -> memref<1x4x4x8x128xf32, #tpu.memory_space<hbm>>
    %dma_start3A_232 = tpu.memref_squeeze %dma_start3A_231 : memref<1x4x4x8x128xf32, #tpu.memory_space<hbm>> -> memref<4x4x8x128xf32, #tpu.memory_space<hbm>>
    tpu.enqueue_dma source(%arg4 : memref<4x4x8x128xf32, #tpu.memory_space<vmem>>) target(%dma_start3A_232 : memref<4x4x8x128xf32, #tpu.memory_space<hbm>>) target_semaphore(%arg5 : memref<!tpu.dma_semaphore, #tpu.memory_space<semaphore_mem>>)
    %dma_start3A_233 = arith.constant 21 : i32
    %dma_start3A_234 = arith.constant 0 : i32
    %dma_start3A_235 = arith.constant 0 : i32
    %dma_start3A_236 = arith.constant 0 : i32
    %dma_start3A_237 = tpu.memref_slice %arg3[%dma_start3A_233, %mul3A_2, %dma_start3A_234, %dma_start3A_235, %dma_start3A_236] : memref<64x128x4x8x128xf32, #tpu.memory_space<hbm>> -> memref<1x4x4x8x128xf32, #tpu.memory_space<hbm>>
    %dma_start3A_238 = tpu.memref_squeeze %dma_start3A_237 : memref<1x4x4x8x128xf32, #tpu.memory_space<hbm>> -> memref<4x4x8x128xf32, #tpu.memory_space<hbm>>
    %dma_start3A_239 = arith.constant 0 : i32
    %dma_start3A_240 = arith.constant 0 : i32
    %dma_start3A_241 = arith.constant 0 : i32
    %dma_start3A_242 = tpu.memref_slice %arg3[%dma_start3A_233, %mul3A_2, %dma_start3A_239, %dma_start3A_240, %dma_start3A_241] : memref<64x128x4x8x128xf32, #tpu.memory_space<hbm>> -> memref<1x4x4x8x128xf32, #tpu.memory_space<hbm>>
    %dma_start3A_243 = tpu.memref_squeeze %dma_start3A_242 : memref<1x4x4x8x128xf32, #tpu.memory_space<hbm>> -> memref<4x4x8x128xf32, #tpu.memory_space<hbm>>
    tpu.enqueue_dma source(%arg4 : memref<4x4x8x128xf32, #tpu.memory_space<vmem>>) target(%dma_start3A_243 : memref<4x4x8x128xf32, #tpu.memory_space<hbm>>) target_semaphore(%arg5 : memref<!tpu.dma_semaphore, #tpu.memory_space<semaphore_mem>>)
    %dma_start3A_244 = arith.constant 22 : i32
    %dma_start3A_245 = arith.constant 0 : i32
    %dma_start3A_246 = arith.constant 0 : i32
    %dma_start3A_247 = arith.constant 0 : i32
    %dma_start3A_248 = tpu.memref_slice %arg3[%dma_start3A_244, %mul3A_2, %dma_start3A_245, %dma_start3A_246, %dma_start3A_247] : memref<64x128x4x8x128xf32, #tpu.memory_space<hbm>> -> memref<1x4x4x8x128xf32, #tpu.memory_space<hbm>>
    %dma_start3A_249 = tpu.memref_squeeze %dma_start3A_248 : memref<1x4x4x8x128xf32, #tpu.memory_space<hbm>> -> memref<4x4x8x128xf32, #tpu.memory_space<hbm>>
    %dma_start3A_250 = arith.constant 0 : i32
    %dma_start3A_251 = arith.constant 0 : i32
    %dma_start3A_252 = arith.constant 0 : i32
    %dma_start3A_253 = tpu.memref_slice %arg3[%dma_start3A_244, %mul3A_2, %dma_start3A_250, %dma_start3A_251, %dma_start3A_252] : memref<64x128x4x8x128xf32, #tpu.memory_space<hbm>> -> memref<1x4x4x8x128xf32, #tpu.memory_space<hbm>>
    %dma_start3A_254 = tpu.memref_squeeze %dma_start3A_253 : memref<1x4x4x8x128xf32, #tpu.memory_space<hbm>> -> memref<4x4x8x128xf32, #tpu.memory_space<hbm>>
    tpu.enqueue_dma source(%arg4 : memref<4x4x8x128xf32, #tpu.memory_space<vmem>>) target(%dma_start3A_254 : memref<4x4x8x128xf32, #tpu.memory_space<hbm>>) target_semaphore(%arg5 : memref<!tpu.dma_semaphore, #tpu.memory_space<semaphore_mem>>)
    %dma_start3A_255 = arith.constant 23 : i32
    %dma_start3A_256 = arith.constant 0 : i32
    %dma_start3A_257 = arith.constant 0 : i32
    %dma_start3A_258 = arith.constant 0 : i32
    %dma_start3A_259 = tpu.memref_slice %arg3[%dma_start3A_255, %mul3A_2, %dma_start3A_256, %dma_start3A_257, %dma_start3A_258] : memref<64x128x4x8x128xf32, #tpu.memory_space<hbm>> -> memref<1x4x4x8x128xf32, #tpu.memory_space<hbm>>
    %dma_start3A_260 = tpu.memref_squeeze %dma_start3A_259 : memref<1x4x4x8x128xf32, #tpu.memory_space<hbm>> -> memref<4x4x8x128xf32, #tpu.memory_space<hbm>>
    %dma_start3A_261 = arith.constant 0 : i32
    %dma_start3A_262 = arith.constant 0 : i32
    %dma_start3A_263 = arith.constant 0 : i32
    %dma_start3A_264 = tpu.memref_slice %arg3[%dma_start3A_255, %mul3A_2, %dma_start3A_261, %dma_start3A_262, %dma_start3A_263] : memref<64x128x4x8x128xf32, #tpu.memory_space<hbm>> -> memref<1x4x4x8x128xf32, #tpu.memory_space<hbm>>
    %dma_start3A_265 = tpu.memref_squeeze %dma_start3A_264 : memref<1x4x4x8x128xf32, #tpu.memory_space<hbm>> -> memref<4x4x8x128xf32, #tpu.memory_space<hbm>>
    tpu.enqueue_dma source(%arg4 : memref<4x4x8x128xf32, #tpu.memory_space<vmem>>) target(%dma_start3A_265 : memref<4x4x8x128xf32, #tpu.memory_space<hbm>>) target_semaphore(%arg5 : memref<!tpu.dma_semaphore, #tpu.memory_space<semaphore_mem>>)
    %dma_start3A_266 = arith.constant 24 : i32
    %dma_start3A_267 = arith.constant 0 : i32
    %dma_start3A_268 = arith.constant 0 : i32
    %dma_start3A_269 = arith.constant 0 : i32
    %dma_start3A_270 = tpu.memref_slice %arg3[%dma_start3A_266, %mul3A_2, %dma_start3A_267, %dma_start3A_268, %dma_start3A_269] : memref<64x128x4x8x128xf32, #tpu.memory_space<hbm>> -> memref<1x4x4x8x128xf32, #tpu.memory_space<hbm>>
    %dma_start3A_271 = tpu.memref_squeeze %dma_start3A_270 : memref<1x4x4x8x128xf32, #tpu.memory_space<hbm>> -> memref<4x4x8x128xf32, #tpu.memory_space<hbm>>
    %dma_start3A_272 = arith.constant 0 : i32
    %dma_start3A_273 = arith.constant 0 : i32
    %dma_start3A_274 = arith.constant 0 : i32
    %dma_start3A_275 = tpu.memref_slice %arg3[%dma_start3A_266, %mul3A_2, %dma_start3A_272, %dma_start3A_273, %dma_start3A_274] : memref<64x128x4x8x128xf32, #tpu.memory_space<hbm>> -> memref<1x4x4x8x128xf32, #tpu.memory_space<hbm>>
    %dma_start3A_276 = tpu.memref_squeeze %dma_start3A_275 : memref<1x4x4x8x128xf32, #tpu.memory_space<hbm>> -> memref<4x4x8x128xf32, #tpu.memory_space<hbm>>
    tpu.enqueue_dma source(%arg4 : memref<4x4x8x128xf32, #tpu.memory_space<vmem>>) target(%dma_start3A_276 : memref<4x4x8x128xf32, #tpu.memory_space<hbm>>) target_semaphore(%arg5 : memref<!tpu.dma_semaphore, #tpu.memory_space<semaphore_mem>>)
    %dma_start3A_277 = arith.constant 25 : i32
    %dma_start3A_278 = arith.constant 0 : i32
    %dma_start3A_279 = arith.constant 0 : i32
    %dma_start3A_280 = arith.constant 0 : i32
    %dma_start3A_281 = tpu.memref_slice %arg3[%dma_start3A_277, %mul3A_2, %dma_start3A_278, %dma_start3A_279, %dma_start3A_280] : memref<64x128x4x8x128xf32, #tpu.memory_space<hbm>> -> memref<1x4x4x8x128xf32, #tpu.memory_space<hbm>>
    %dma_start3A_282 = tpu.memref_squeeze %dma_start3A_281 : memref<1x4x4x8x128xf32, #tpu.memory_space<hbm>> -> memref<4x4x8x128xf32, #tpu.memory_space<hbm>>
    %dma_start3A_283 = arith.constant 0 : i32
    %dma_start3A_284 = arith.constant 0 : i32
    %dma_start3A_285 = arith.constant 0 : i32
    %dma_start3A_286 = tpu.memref_slice %arg3[%dma_start3A_277, %mul3A_2, %dma_start3A_283, %dma_start3A_284, %dma_start3A_285] : memref<64x128x4x8x128xf32, #tpu.memory_space<hbm>> -> memref<1x4x4x8x128xf32, #tpu.memory_space<hbm>>
    %dma_start3A_287 = tpu.memref_squeeze %dma_start3A_286 : memref<1x4x4x8x128xf32, #tpu.memory_space<hbm>> -> memref<4x4x8x128xf32, #tpu.memory_space<hbm>>
    tpu.enqueue_dma source(%arg4 : memref<4x4x8x128xf32, #tpu.memory_space<vmem>>) target(%dma_start3A_287 : memref<4x4x8x128xf32, #tpu.memory_space<hbm>>) target_semaphore(%arg5 : memref<!tpu.dma_semaphore, #tpu.memory_space<semaphore_mem>>)
    %dma_start3A_288 = arith.constant 26 : i32
    %dma_start3A_289 = arith.constant 0 : i32
    %dma_start3A_290 = arith.constant 0 : i32
    %dma_start3A_291 = arith.constant 0 : i32
    %dma_start3A_292 = tpu.memref_slice %arg3[%dma_start3A_288, %mul3A_2, %dma_start3A_289, %dma_start3A_290, %dma_start3A_291] : memref<64x128x4x8x128xf32, #tpu.memory_space<hbm>> -> memref<1x4x4x8x128xf32, #tpu.memory_space<hbm>>
    %dma_start3A_293 = tpu.memref_squeeze %dma_start3A_292 : memref<1x4x4x8x128xf32, #tpu.memory_space<hbm>> -> memref<4x4x8x128xf32, #tpu.memory_space<hbm>>
    %dma_start3A_294 = arith.constant 0 : i32
    %dma_start3A_295 = arith.constant 0 : i32
    %dma_start3A_296 = arith.constant 0 : i32
    %dma_start3A_297 = tpu.memref_slice %arg3[%dma_start3A_288, %mul3A_2, %dma_start3A_294, %dma_start3A_295, %dma_start3A_296] : memref<64x128x4x8x128xf32, #tpu.memory_space<hbm>> -> memref<1x4x4x8x128xf32, #tpu.memory_space<hbm>>
    %dma_start3A_298 = tpu.memref_squeeze %dma_start3A_297 : memref<1x4x4x8x128xf32, #tpu.memory_space<hbm>> -> memref<4x4x8x128xf32, #tpu.memory_space<hbm>>
    tpu.enqueue_dma source(%arg4 : memref<4x4x8x128xf32, #tpu.memory_space<vmem>>) target(%dma_start3A_298 : memref<4x4x8x128xf32, #tpu.memory_space<hbm>>) target_semaphore(%arg5 : memref<!tpu.dma_semaphore, #tpu.memory_space<semaphore_mem>>)
    %dma_start3A_299 = arith.constant 27 : i32
    %dma_start3A_300 = arith.constant 0 : i32
    %dma_start3A_301 = arith.constant 0 : i32
    %dma_start3A_302 = arith.constant 0 : i32
    %dma_start3A_303 = tpu.memref_slice %arg3[%dma_start3A_299, %mul3A_2, %dma_start3A_300, %dma_start3A_301, %dma_start3A_302] : memref<64x128x4x8x128xf32, #tpu.memory_space<hbm>> -> memref<1x4x4x8x128xf32, #tpu.memory_space<hbm>>
    %dma_start3A_304 = tpu.memref_squeeze %dma_start3A_303 : memref<1x4x4x8x128xf32, #tpu.memory_space<hbm>> -> memref<4x4x8x128xf32, #tpu.memory_space<hbm>>
    %dma_start3A_305 = arith.constant 0 : i32
    %dma_start3A_306 = arith.constant 0 : i32
    %dma_start3A_307 = arith.constant 0 : i32
    %dma_start3A_308 = tpu.memref_slice %arg3[%dma_start3A_299, %mul3A_2, %dma_start3A_305, %dma_start3A_306, %dma_start3A_307] : memref<64x128x4x8x128xf32, #tpu.memory_space<hbm>> -> memref<1x4x4x8x128xf32, #tpu.memory_space<hbm>>
    %dma_start3A_309 = tpu.memref_squeeze %dma_start3A_308 : memref<1x4x4x8x128xf32, #tpu.memory_space<hbm>> -> memref<4x4x8x128xf32, #tpu.memory_space<hbm>>
    tpu.enqueue_dma source(%arg4 : memref<4x4x8x128xf32, #tpu.memory_space<vmem>>) target(%dma_start3A_309 : memref<4x4x8x128xf32, #tpu.memory_space<hbm>>) target_semaphore(%arg5 : memref<!tpu.dma_semaphore, #tpu.memory_space<semaphore_mem>>)
    %dma_start3A_310 = arith.constant 28 : i32
    %dma_start3A_311 = arith.constant 0 : i32
    %dma_start3A_312 = arith.constant 0 : i32
    %dma_start3A_313 = arith.constant 0 : i32
    %dma_start3A_314 = tpu.memref_slice %arg3[%dma_start3A_310, %mul3A_2, %dma_start3A_311, %dma_start3A_312, %dma_start3A_313] : memref<64x128x4x8x128xf32, #tpu.memory_space<hbm>> -> memref<1x4x4x8x128xf32, #tpu.memory_space<hbm>>
    %dma_start3A_315 = tpu.memref_squeeze %dma_start3A_314 : memref<1x4x4x8x128xf32, #tpu.memory_space<hbm>> -> memref<4x4x8x128xf32, #tpu.memory_space<hbm>>
    %dma_start3A_316 = arith.constant 0 : i32
    %dma_start3A_317 = arith.constant 0 : i32
    %dma_start3A_318 = arith.constant 0 : i32
    %dma_start3A_319 = tpu.memref_slice %arg3[%dma_start3A_310, %mul3A_2, %dma_start3A_316, %dma_start3A_317, %dma_start3A_318] : memref<64x128x4x8x128xf32, #tpu.memory_space<hbm>> -> memref<1x4x4x8x128xf32, #tpu.memory_space<hbm>>
    %dma_start3A_320 = tpu.memref_squeeze %dma_start3A_319 : memref<1x4x4x8x128xf32, #tpu.memory_space<hbm>> -> memref<4x4x8x128xf32, #tpu.memory_space<hbm>>
    tpu.enqueue_dma source(%arg4 : memref<4x4x8x128xf32, #tpu.memory_space<vmem>>) target(%dma_start3A_320 : memref<4x4x8x128xf32, #tpu.memory_space<hbm>>) target_semaphore(%arg5 : memref<!tpu.dma_semaphore, #tpu.memory_space<semaphore_mem>>)
    %dma_start3A_321 = arith.constant 29 : i32
    %dma_start3A_322 = arith.constant 0 : i32
    %dma_start3A_323 = arith.constant 0 : i32
    %dma_start3A_324 = arith.constant 0 : i32
    %dma_start3A_325 = tpu.memref_slice %arg3[%dma_start3A_321, %mul3A_2, %dma_start3A_322, %dma_start3A_323, %dma_start3A_324] : memref<64x128x4x8x128xf32, #tpu.memory_space<hbm>> -> memref<1x4x4x8x128xf32, #tpu.memory_space<hbm>>
    %dma_start3A_326 = tpu.memref_squeeze %dma_start3A_325 : memref<1x4x4x8x128xf32, #tpu.memory_space<hbm>> -> memref<4x4x8x128xf32, #tpu.memory_space<hbm>>
    %dma_start3A_327 = arith.constant 0 : i32
    %dma_start3A_328 = arith.constant 0 : i32
    %dma_start3A_329 = arith.constant 0 : i32
    %dma_start3A_330 = tpu.memref_slice %arg3[%dma_start3A_321, %mul3A_2, %dma_start3A_327, %dma_start3A_328, %dma_start3A_329] : memref<64x128x4x8x128xf32, #tpu.memory_space<hbm>> -> memref<1x4x4x8x128xf32, #tpu.memory_space<hbm>>
    %dma_start3A_331 = tpu.memref_squeeze %dma_start3A_330 : memref<1x4x4x8x128xf32, #tpu.memory_space<hbm>> -> memref<4x4x8x128xf32, #tpu.memory_space<hbm>>
    tpu.enqueue_dma source(%arg4 : memref<4x4x8x128xf32, #tpu.memory_space<vmem>>) target(%dma_start3A_331 : memref<4x4x8x128xf32, #tpu.memory_space<hbm>>) target_semaphore(%arg5 : memref<!tpu.dma_semaphore, #tpu.memory_space<semaphore_mem>>)
    %dma_start3A_332 = arith.constant 30 : i32
    %dma_start3A_333 = arith.constant 0 : i32
    %dma_start3A_334 = arith.constant 0 : i32
    %dma_start3A_335 = arith.constant 0 : i32
    %dma_start3A_336 = tpu.memref_slice %arg3[%dma_start3A_332, %mul3A_2, %dma_start3A_333, %dma_start3A_334, %dma_start3A_335] : memref<64x128x4x8x128xf32, #tpu.memory_space<hbm>> -> memref<1x4x4x8x128xf32, #tpu.memory_space<hbm>>
    %dma_start3A_337 = tpu.memref_squeeze %dma_start3A_336 : memref<1x4x4x8x128xf32, #tpu.memory_space<hbm>> -> memref<4x4x8x128xf32, #tpu.memory_space<hbm>>
    %dma_start3A_338 = arith.constant 0 : i32
    %dma_start3A_339 = arith.constant 0 : i32
    %dma_start3A_340 = arith.constant 0 : i32
    %dma_start3A_341 = tpu.memref_slice %arg3[%dma_start3A_332, %mul3A_2, %dma_start3A_338, %dma_start3A_339, %dma_start3A_340] : memref<64x128x4x8x128xf32, #tpu.memory_space<hbm>> -> memref<1x4x4x8x128xf32, #tpu.memory_space<hbm>>
    %dma_start3A_342 = tpu.memref_squeeze %dma_start3A_341 : memref<1x4x4x8x128xf32, #tpu.memory_space<hbm>> -> memref<4x4x8x128xf32, #tpu.memory_space<hbm>>
    tpu.enqueue_dma source(%arg4 : memref<4x4x8x128xf32, #tpu.memory_space<vmem>>) target(%dma_start3A_342 : memref<4x4x8x128xf32, #tpu.memory_space<hbm>>) target_semaphore(%arg5 : memref<!tpu.dma_semaphore, #tpu.memory_space<semaphore_mem>>)
    %dma_start3A_343 = arith.constant 31 : i32
    %dma_start3A_344 = arith.constant 0 : i32
    %dma_start3A_345 = arith.constant 0 : i32
    %dma_start3A_346 = arith.constant 0 : i32
    %dma_start3A_347 = tpu.memref_slice %arg3[%dma_start3A_343, %mul3A_2, %dma_start3A_344, %dma_start3A_345, %dma_start3A_346] : memref<64x128x4x8x128xf32, #tpu.memory_space<hbm>> -> memref<1x4x4x8x128xf32, #tpu.memory_space<hbm>>
    %dma_start3A_348 = tpu.memref_squeeze %dma_start3A_347 : memref<1x4x4x8x128xf32, #tpu.memory_space<hbm>> -> memref<4x4x8x128xf32, #tpu.memory_space<hbm>>
    %dma_start3A_349 = arith.constant 0 : i32
    %dma_start3A_350 = arith.constant 0 : i32
    %dma_start3A_351 = arith.constant 0 : i32
    %dma_start3A_352 = tpu.memref_slice %arg3[%dma_start3A_343, %mul3A_2, %dma_start3A_349, %dma_start3A_350, %dma_start3A_351] : memref<64x128x4x8x128xf32, #tpu.memory_space<hbm>> -> memref<1x4x4x8x128xf32, #tpu.memory_space<hbm>>
    %dma_start3A_353 = tpu.memref_squeeze %dma_start3A_352 : memref<1x4x4x8x128xf32, #tpu.memory_space<hbm>> -> memref<4x4x8x128xf32, #tpu.memory_space<hbm>>
    tpu.enqueue_dma source(%arg4 : memref<4x4x8x128xf32, #tpu.memory_space<vmem>>) target(%dma_start3A_353 : memref<4x4x8x128xf32, #tpu.memory_space<hbm>>) target_semaphore(%arg5 : memref<!tpu.dma_semaphore, #tpu.memory_space<semaphore_mem>>)
    %dma_start3A_354 = arith.constant 32 : i32
    %dma_start3A_355 = arith.constant 0 : i32
    %dma_start3A_356 = arith.constant 0 : i32
    %dma_start3A_357 = arith.constant 0 : i32
    %dma_start3A_358 = tpu.memref_slice %arg3[%dma_start3A_354, %mul3A_2, %dma_start3A_355, %dma_start3A_356, %dma_start3A_357] : memref<64x128x4x8x128xf32, #tpu.memory_space<hbm>> -> memref<1x4x4x8x128xf32, #tpu.memory_space<hbm>>
    %dma_start3A_359 = tpu.memref_squeeze %dma_start3A_358 : memref<1x4x4x8x128xf32, #tpu.memory_space<hbm>> -> memref<4x4x8x128xf32, #tpu.memory_space<hbm>>
    %dma_start3A_360 = arith.constant 0 : i32
    %dma_start3A_361 = arith.constant 0 : i32
    %dma_start3A_362 = arith.constant 0 : i32
    %dma_start3A_363 = tpu.memref_slice %arg3[%dma_start3A_354, %mul3A_2, %dma_start3A_360, %dma_start3A_361, %dma_start3A_362] : memref<64x128x4x8x128xf32, #tpu.memory_space<hbm>> -> memref<1x4x4x8x128xf32, #tpu.memory_space<hbm>>
    %dma_start3A_364 = tpu.memref_squeeze %dma_start3A_363 : memref<1x4x4x8x128xf32, #tpu.memory_space<hbm>> -> memref<4x4x8x128xf32, #tpu.memory_space<hbm>>
    tpu.enqueue_dma source(%arg4 : memref<4x4x8x128xf32, #tpu.memory_space<vmem>>) target(%dma_start3A_364 : memref<4x4x8x128xf32, #tpu.memory_space<hbm>>) target_semaphore(%arg5 : memref<!tpu.dma_semaphore, #tpu.memory_space<semaphore_mem>>)
    %dma_start3A_365 = arith.constant 33 : i32
    %dma_start3A_366 = arith.constant 0 : i32
    %dma_start3A_367 = arith.constant 0 : i32
    %dma_start3A_368 = arith.constant 0 : i32
    %dma_start3A_369 = tpu.memref_slice %arg3[%dma_start3A_365, %mul3A_2, %dma_start3A_366, %dma_start3A_367, %dma_start3A_368] : memref<64x128x4x8x128xf32, #tpu.memory_space<hbm>> -> memref<1x4x4x8x128xf32, #tpu.memory_space<hbm>>
    %dma_start3A_370 = tpu.memref_squeeze %dma_start3A_369 : memref<1x4x4x8x128xf32, #tpu.memory_space<hbm>> -> memref<4x4x8x128xf32, #tpu.memory_space<hbm>>
    %dma_start3A_371 = arith.constant 0 : i32
    %dma_start3A_372 = arith.constant 0 : i32
    %dma_start3A_373 = arith.constant 0 : i32
    %dma_start3A_374 = tpu.memref_slice %arg3[%dma_start3A_365, %mul3A_2, %dma_start3A_371, %dma_start3A_372, %dma_start3A_373] : memref<64x128x4x8x128xf32, #tpu.memory_space<hbm>> -> memref<1x4x4x8x128xf32, #tpu.memory_space<hbm>>
    %dma_start3A_375 = tpu.memref_squeeze %dma_start3A_374 : memref<1x4x4x8x128xf32, #tpu.memory_space<hbm>> -> memref<4x4x8x128xf32, #tpu.memory_space<hbm>>
    tpu.enqueue_dma source(%arg4 : memref<4x4x8x128xf32, #tpu.memory_space<vmem>>) target(%dma_start3A_375 : memref<4x4x8x128xf32, #tpu.memory_space<hbm>>) target_semaphore(%arg5 : memref<!tpu.dma_semaphore, #tpu.memory_space<semaphore_mem>>)
    %dma_start3A_376 = arith.constant 34 : i32
    %dma_start3A_377 = arith.constant 0 : i32
    %dma_start3A_378 = arith.constant 0 : i32
    %dma_start3A_379 = arith.constant 0 : i32
    %dma_start3A_380 = tpu.memref_slice %arg3[%dma_start3A_376, %mul3A_2, %dma_start3A_377, %dma_start3A_378, %dma_start3A_379] : memref<64x128x4x8x128xf32, #tpu.memory_space<hbm>> -> memref<1x4x4x8x128xf32, #tpu.memory_space<hbm>>
    %dma_start3A_381 = tpu.memref_squeeze %dma_start3A_380 : memref<1x4x4x8x128xf32, #tpu.memory_space<hbm>> -> memref<4x4x8x128xf32, #tpu.memory_space<hbm>>
    %dma_start3A_382 = arith.constant 0 : i32
    %dma_start3A_383 = arith.constant 0 : i32
    %dma_start3A_384 = arith.constant 0 : i32
    %dma_start3A_385 = tpu.memref_slice %arg3[%dma_start3A_376, %mul3A_2, %dma_start3A_382, %dma_start3A_383, %dma_start3A_384] : memref<64x128x4x8x128xf32, #tpu.memory_space<hbm>> -> memref<1x4x4x8x128xf32, #tpu.memory_space<hbm>>
    %dma_start3A_386 = tpu.memref_squeeze %dma_start3A_385 : memref<1x4x4x8x128xf32, #tpu.memory_space<hbm>> -> memref<4x4x8x128xf32, #tpu.memory_space<hbm>>
    tpu.enqueue_dma source(%arg4 : memref<4x4x8x128xf32, #tpu.memory_space<vmem>>) target(%dma_start3A_386 : memref<4x4x8x128xf32, #tpu.memory_space<hbm>>) target_semaphore(%arg5 : memref<!tpu.dma_semaphore, #tpu.memory_space<semaphore_mem>>)
    %dma_start3A_387 = arith.constant 35 : i32
    %dma_start3A_388 = arith.constant 0 : i32
    %dma_start3A_389 = arith.constant 0 : i32
    %dma_start3A_390 = arith.constant 0 : i32
    %dma_start3A_391 = tpu.memref_slice %arg3[%dma_start3A_387, %mul3A_2, %dma_start3A_388, %dma_start3A_389, %dma_start3A_390] : memref<64x128x4x8x128xf32, #tpu.memory_space<hbm>> -> memref<1x4x4x8x128xf32, #tpu.memory_space<hbm>>
    %dma_start3A_392 = tpu.memref_squeeze %dma_start3A_391 : memref<1x4x4x8x128xf32, #tpu.memory_space<hbm>> -> memref<4x4x8x128xf32, #tpu.memory_space<hbm>>
    %dma_start3A_393 = arith.constant 0 : i32
    %dma_start3A_394 = arith.constant 0 : i32
    %dma_start3A_395 = arith.constant 0 : i32
    %dma_start3A_396 = tpu.memref_slice %arg3[%dma_start3A_387, %mul3A_2, %dma_start3A_393, %dma_start3A_394, %dma_start3A_395] : memref<64x128x4x8x128xf32, #tpu.memory_space<hbm>> -> memref<1x4x4x8x128xf32, #tpu.memory_space<hbm>>
    %dma_start3A_397 = tpu.memref_squeeze %dma_start3A_396 : memref<1x4x4x8x128xf32, #tpu.memory_space<hbm>> -> memref<4x4x8x128xf32, #tpu.memory_space<hbm>>
    tpu.enqueue_dma source(%arg4 : memref<4x4x8x128xf32, #tpu.memory_space<vmem>>) target(%dma_start3A_397 : memref<4x4x8x128xf32, #tpu.memory_space<hbm>>) target_semaphore(%arg5 : memref<!tpu.dma_semaphore, #tpu.memory_space<semaphore_mem>>)
    %dma_start3A_398 = arith.constant 36 : i32
    %dma_start3A_399 = arith.constant 0 : i32
    %dma_start3A_400 = arith.constant 0 : i32
    %dma_start3A_401 = arith.constant 0 : i32
    %dma_start3A_402 = tpu.memref_slice %arg3[%dma_start3A_398, %mul3A_2, %dma_start3A_399, %dma_start3A_400, %dma_start3A_401] : memref<64x128x4x8x128xf32, #tpu.memory_space<hbm>> -> memref<1x4x4x8x128xf32, #tpu.memory_space<hbm>>
    %dma_start3A_403 = tpu.memref_squeeze %dma_start3A_402 : memref<1x4x4x8x128xf32, #tpu.memory_space<hbm>> -> memref<4x4x8x128xf32, #tpu.memory_space<hbm>>
    %dma_start3A_404 = arith.constant 0 : i32
    %dma_start3A_405 = arith.constant 0 : i32
    %dma_start3A_406 = arith.constant 0 : i32
    %dma_start3A_407 = tpu.memref_slice %arg3[%dma_start3A_398, %mul3A_2, %dma_start3A_404, %dma_start3A_405, %dma_start3A_406] : memref<64x128x4x8x128xf32, #tpu.memory_space<hbm>> -> memref<1x4x4x8x128xf32, #tpu.memory_space<hbm>>
    %dma_start3A_408 = tpu.memref_squeeze %dma_start3A_407 : memref<1x4x4x8x128xf32, #tpu.memory_space<hbm>> -> memref<4x4x8x128xf32, #tpu.memory_space<hbm>>
    tpu.enqueue_dma source(%arg4 : memref<4x4x8x128xf32, #tpu.memory_space<vmem>>) target(%dma_start3A_408 : memref<4x4x8x128xf32, #tpu.memory_space<hbm>>) target_semaphore(%arg5 : memref<!tpu.dma_semaphore, #tpu.memory_space<semaphore_mem>>)
    %dma_start3A_409 = arith.constant 37 : i32
    %dma_start3A_410 = arith.constant 0 : i32
    %dma_start3A_411 = arith.constant 0 : i32
    %dma_start3A_412 = arith.constant 0 : i32
    %dma_start3A_413 = tpu.memref_slice %arg3[%dma_start3A_409, %mul3A_2, %dma_start3A_410, %dma_start3A_411, %dma_start3A_412] : memref<64x128x4x8x128xf32, #tpu.memory_space<hbm>> -> memref<1x4x4x8x128xf32, #tpu.memory_space<hbm>>
    %dma_start3A_414 = tpu.memref_squeeze %dma_start3A_413 : memref<1x4x4x8x128xf32, #tpu.memory_space<hbm>> -> memref<4x4x8x128xf32, #tpu.memory_space<hbm>>
    %dma_start3A_415 = arith.constant 0 : i32
    %dma_start3A_416 = arith.constant 0 : i32
    %dma_start3A_417 = arith.constant 0 : i32
    %dma_start3A_418 = tpu.memref_slice %arg3[%dma_start3A_409, %mul3A_2, %dma_start3A_415, %dma_start3A_416, %dma_start3A_417] : memref<64x128x4x8x128xf32, #tpu.memory_space<hbm>> -> memref<1x4x4x8x128xf32, #tpu.memory_space<hbm>>
    %dma_start3A_419 = tpu.memref_squeeze %dma_start3A_418 : memref<1x4x4x8x128xf32, #tpu.memory_space<hbm>> -> memref<4x4x8x128xf32, #tpu.memory_space<hbm>>
    tpu.enqueue_dma source(%arg4 : memref<4x4x8x128xf32, #tpu.memory_space<vmem>>) target(%dma_start3A_419 : memref<4x4x8x128xf32, #tpu.memory_space<hbm>>) target_semaphore(%arg5 : memref<!tpu.dma_semaphore, #tpu.memory_space<semaphore_mem>>)
    %dma_start3A_420 = arith.constant 38 : i32
    %dma_start3A_421 = arith.constant 0 : i32
    %dma_start3A_422 = arith.constant 0 : i32
    %dma_start3A_423 = arith.constant 0 : i32
    %dma_start3A_424 = tpu.memref_slice %arg3[%dma_start3A_420, %mul3A_2, %dma_start3A_421, %dma_start3A_422, %dma_start3A_423] : memref<64x128x4x8x128xf32, #tpu.memory_space<hbm>> -> memref<1x4x4x8x128xf32, #tpu.memory_space<hbm>>
    %dma_start3A_425 = tpu.memref_squeeze %dma_start3A_424 : memref<1x4x4x8x128xf32, #tpu.memory_space<hbm>> -> memref<4x4x8x128xf32, #tpu.memory_space<hbm>>
    %dma_start3A_426 = arith.constant 0 : i32
    %dma_start3A_427 = arith.constant 0 : i32
    %dma_start3A_428 = arith.constant 0 : i32
    %dma_start3A_429 = tpu.memref_slice %arg3[%dma_start3A_420, %mul3A_2, %dma_start3A_426, %dma_start3A_427, %dma_start3A_428] : memref<64x128x4x8x128xf32, #tpu.memory_space<hbm>> -> memref<1x4x4x8x128xf32, #tpu.memory_space<hbm>>
    %dma_start3A_430 = tpu.memref_squeeze %dma_start3A_429 : memref<1x4x4x8x128xf32, #tpu.memory_space<hbm>> -> memref<4x4x8x128xf32, #tpu.memory_space<hbm>>
    tpu.enqueue_dma source(%arg4 : memref<4x4x8x128xf32, #tpu.memory_space<vmem>>) target(%dma_start3A_430 : memref<4x4x8x128xf32, #tpu.memory_space<hbm>>) target_semaphore(%arg5 : memref<!tpu.dma_semaphore, #tpu.memory_space<semaphore_mem>>)
    %dma_start3A_431 = arith.constant 39 : i32
    %dma_start3A_432 = arith.constant 0 : i32
    %dma_start3A_433 = arith.constant 0 : i32
    %dma_start3A_434 = arith.constant 0 : i32
    %dma_start3A_435 = tpu.memref_slice %arg3[%dma_start3A_431, %mul3A_2, %dma_start3A_432, %dma_start3A_433, %dma_start3A_434] : memref<64x128x4x8x128xf32, #tpu.memory_space<hbm>> -> memref<1x4x4x8x128xf32, #tpu.memory_space<hbm>>
    %dma_start3A_436 = tpu.memref_squeeze %dma_start3A_435 : memref<1x4x4x8x128xf32, #tpu.memory_space<hbm>> -> memref<4x4x8x128xf32, #tpu.memory_space<hbm>>
    %dma_start3A_437 = arith.constant 0 : i32
    %dma_start3A_438 = arith.constant 0 : i32
    %dma_start3A_439 = arith.constant 0 : i32
    %dma_start3A_440 = tpu.memref_slice %arg3[%dma_start3A_431, %mul3A_2, %dma_start3A_437, %dma_start3A_438, %dma_start3A_439] : memref<64x128x4x8x128xf32, #tpu.memory_space<hbm>> -> memref<1x4x4x8x128xf32, #tpu.memory_space<hbm>>
    %dma_start3A_441 = tpu.memref_squeeze %dma_start3A_440 : memref<1x4x4x8x128xf32, #tpu.memory_space<hbm>> -> memref<4x4x8x128xf32, #tpu.memory_space<hbm>>
    tpu.enqueue_dma source(%arg4 : memref<4x4x8x128xf32, #tpu.memory_space<vmem>>) target(%dma_start3A_441 : memref<4x4x8x128xf32, #tpu.memory_space<hbm>>) target_semaphore(%arg5 : memref<!tpu.dma_semaphore, #tpu.memory_space<semaphore_mem>>)
    %dma_start3A_442 = arith.constant 40 : i32
    %dma_start3A_443 = arith.constant 0 : i32
    %dma_start3A_444 = arith.constant 0 : i32
    %dma_start3A_445 = arith.constant 0 : i32
    %dma_start3A_446 = tpu.memref_slice %arg3[%dma_start3A_442, %mul3A_2, %dma_start3A_443, %dma_start3A_444, %dma_start3A_445] : memref<64x128x4x8x128xf32, #tpu.memory_space<hbm>> -> memref<1x4x4x8x128xf32, #tpu.memory_space<hbm>>
    %dma_start3A_447 = tpu.memref_squeeze %dma_start3A_446 : memref<1x4x4x8x128xf32, #tpu.memory_space<hbm>> -> memref<4x4x8x128xf32, #tpu.memory_space<hbm>>
    %dma_start3A_448 = arith.constant 0 : i32
    %dma_start3A_449 = arith.constant 0 : i32
    %dma_start3A_450 = arith.constant 0 : i32
    %dma_start3A_451 = tpu.memref_slice %arg3[%dma_start3A_442, %mul3A_2, %dma_start3A_448, %dma_start3A_449, %dma_start3A_450] : memref<64x128x4x8x128xf32, #tpu.memory_space<hbm>> -> memref<1x4x4x8x128xf32, #tpu.memory_space<hbm>>
    %dma_start3A_452 = tpu.memref_squeeze %dma_start3A_451 : memref<1x4x4x8x128xf32, #tpu.memory_space<hbm>> -> memref<4x4x8x128xf32, #tpu.memory_space<hbm>>
    tpu.enqueue_dma source(%arg4 : memref<4x4x8x128xf32, #tpu.memory_space<vmem>>) target(%dma_start3A_452 : memref<4x4x8x128xf32, #tpu.memory_space<hbm>>) target_semaphore(%arg5 : memref<!tpu.dma_semaphore, #tpu.memory_space<semaphore_mem>>)
    %dma_start3A_453 = arith.constant 41 : i32
    %dma_start3A_454 = arith.constant 0 : i32
    %dma_start3A_455 = arith.constant 0 : i32
    %dma_start3A_456 = arith.constant 0 : i32
    %dma_start3A_457 = tpu.memref_slice %arg3[%dma_start3A_453, %mul3A_2, %dma_start3A_454, %dma_start3A_455, %dma_start3A_456] : memref<64x128x4x8x128xf32, #tpu.memory_space<hbm>> -> memref<1x4x4x8x128xf32, #tpu.memory_space<hbm>>
    %dma_start3A_458 = tpu.memref_squeeze %dma_start3A_457 : memref<1x4x4x8x128xf32, #tpu.memory_space<hbm>> -> memref<4x4x8x128xf32, #tpu.memory_space<hbm>>
    %dma_start3A_459 = arith.constant 0 : i32
    %dma_start3A_460 = arith.constant 0 : i32
    %dma_start3A_461 = arith.constant 0 : i32
    %dma_start3A_462 = tpu.memref_slice %arg3[%dma_start3A_453, %mul3A_2, %dma_start3A_459, %dma_start3A_460, %dma_start3A_461] : memref<64x128x4x8x128xf32, #tpu.memory_space<hbm>> -> memref<1x4x4x8x128xf32, #tpu.memory_space<hbm>>
    %dma_start3A_463 = tpu.memref_squeeze %dma_start3A_462 : memref<1x4x4x8x128xf32, #tpu.memory_space<hbm>> -> memref<4x4x8x128xf32, #tpu.memory_space<hbm>>
    tpu.enqueue_dma source(%arg4 : memref<4x4x8x128xf32, #tpu.memory_space<vmem>>) target(%dma_start3A_463 : memref<4x4x8x128xf32, #tpu.memory_space<hbm>>) target_semaphore(%arg5 : memref<!tpu.dma_semaphore, #tpu.memory_space<semaphore_mem>>)
    %dma_start3A_464 = arith.constant 42 : i32
    %dma_start3A_465 = arith.constant 0 : i32
    %dma_start3A_466 = arith.constant 0 : i32
    %dma_start3A_467 = arith.constant 0 : i32
    %dma_start3A_468 = tpu.memref_slice %arg3[%dma_start3A_464, %mul3A_2, %dma_start3A_465, %dma_start3A_466, %dma_start3A_467] : memref<64x128x4x8x128xf32, #tpu.memory_space<hbm>> -> memref<1x4x4x8x128xf32, #tpu.memory_space<hbm>>
    %dma_start3A_469 = tpu.memref_squeeze %dma_start3A_468 : memref<1x4x4x8x128xf32, #tpu.memory_space<hbm>> -> memref<4x4x8x128xf32, #tpu.memory_space<hbm>>
    %dma_start3A_470 = arith.constant 0 : i32
    %dma_start3A_471 = arith.constant 0 : i32
    %dma_start3A_472 = arith.constant 0 : i32
    %dma_start3A_473 = tpu.memref_slice %arg3[%dma_start3A_464, %mul3A_2, %dma_start3A_470, %dma_start3A_471, %dma_start3A_472] : memref<64x128x4x8x128xf32, #tpu.memory_space<hbm>> -> memref<1x4x4x8x128xf32, #tpu.memory_space<hbm>>
    %dma_start3A_474 = tpu.memref_squeeze %dma_start3A_473 : memref<1x4x4x8x128xf32, #tpu.memory_space<hbm>> -> memref<4x4x8x128xf32, #tpu.memory_space<hbm>>
    tpu.enqueue_dma source(%arg4 : memref<4x4x8x128xf32, #tpu.memory_space<vmem>>) target(%dma_start3A_474 : memref<4x4x8x128xf32, #tpu.memory_space<hbm>>) target_semaphore(%arg5 : memref<!tpu.dma_semaphore, #tpu.memory_space<semaphore_mem>>)
    %dma_start3A_475 = arith.constant 43 : i32
    %dma_start3A_476 = arith.constant 0 : i32
    %dma_start3A_477 = arith.constant 0 : i32
    %dma_start3A_478 = arith.constant 0 : i32
    %dma_start3A_479 = tpu.memref_slice %arg3[%dma_start3A_475, %mul3A_2, %dma_start3A_476, %dma_start3A_477, %dma_start3A_478] : memref<64x128x4x8x128xf32, #tpu.memory_space<hbm>> -> memref<1x4x4x8x128xf32, #tpu.memory_space<hbm>>
    %dma_start3A_480 = tpu.memref_squeeze %dma_start3A_479 : memref<1x4x4x8x128xf32, #tpu.memory_space<hbm>> -> memref<4x4x8x128xf32, #tpu.memory_space<hbm>>
    %dma_start3A_481 = arith.constant 0 : i32
    %dma_start3A_482 = arith.constant 0 : i32
    %dma_start3A_483 = arith.constant 0 : i32
    %dma_start3A_484 = tpu.memref_slice %arg3[%dma_start3A_475, %mul3A_2, %dma_start3A_481, %dma_start3A_482, %dma_start3A_483] : memref<64x128x4x8x128xf32, #tpu.memory_space<hbm>> -> memref<1x4x4x8x128xf32, #tpu.memory_space<hbm>>
    %dma_start3A_485 = tpu.memref_squeeze %dma_start3A_484 : memref<1x4x4x8x128xf32, #tpu.memory_space<hbm>> -> memref<4x4x8x128xf32, #tpu.memory_space<hbm>>
    tpu.enqueue_dma source(%arg4 : memref<4x4x8x128xf32, #tpu.memory_space<vmem>>) target(%dma_start3A_485 : memref<4x4x8x128xf32, #tpu.memory_space<hbm>>) target_semaphore(%arg5 : memref<!tpu.dma_semaphore, #tpu.memory_space<semaphore_mem>>)
    %dma_start3A_486 = arith.constant 44 : i32
    %dma_start3A_487 = arith.constant 0 : i32
    %dma_start3A_488 = arith.constant 0 : i32
    %dma_start3A_489 = arith.constant 0 : i32
    %dma_start3A_490 = tpu.memref_slice %arg3[%dma_start3A_486, %mul3A_2, %dma_start3A_487, %dma_start3A_488, %dma_start3A_489] : memref<64x128x4x8x128xf32, #tpu.memory_space<hbm>> -> memref<1x4x4x8x128xf32, #tpu.memory_space<hbm>>
    %dma_start3A_491 = tpu.memref_squeeze %dma_start3A_490 : memref<1x4x4x8x128xf32, #tpu.memory_space<hbm>> -> memref<4x4x8x128xf32, #tpu.memory_space<hbm>>
    %dma_start3A_492 = arith.constant 0 : i32
    %dma_start3A_493 = arith.constant 0 : i32
    %dma_start3A_494 = arith.constant 0 : i32
    %dma_start3A_495 = tpu.memref_slice %arg3[%dma_start3A_486, %mul3A_2, %dma_start3A_492, %dma_start3A_493, %dma_start3A_494] : memref<64x128x4x8x128xf32, #tpu.memory_space<hbm>> -> memref<1x4x4x8x128xf32, #tpu.memory_space<hbm>>
    %dma_start3A_496 = tpu.memref_squeeze %dma_start3A_495 : memref<1x4x4x8x128xf32, #tpu.memory_space<hbm>> -> memref<4x4x8x128xf32, #tpu.memory_space<hbm>>
    tpu.enqueue_dma source(%arg4 : memref<4x4x8x128xf32, #tpu.memory_space<vmem>>) target(%dma_start3A_496 : memref<4x4x8x128xf32, #tpu.memory_space<hbm>>) target_semaphore(%arg5 : memref<!tpu.dma_semaphore, #tpu.memory_space<semaphore_mem>>)
    %dma_start3A_497 = arith.constant 45 : i32
    %dma_start3A_498 = arith.constant 0 : i32
    %dma_start3A_499 = arith.constant 0 : i32
    %dma_start3A_500 = arith.constant 0 : i32
    %dma_start3A_501 = tpu.memref_slice %arg3[%dma_start3A_497, %mul3A_2, %dma_start3A_498, %dma_start3A_499, %dma_start3A_500] : memref<64x128x4x8x128xf32, #tpu.memory_space<hbm>> -> memref<1x4x4x8x128xf32, #tpu.memory_space<hbm>>
    %dma_start3A_502 = tpu.memref_squeeze %dma_start3A_501 : memref<1x4x4x8x128xf32, #tpu.memory_space<hbm>> -> memref<4x4x8x128xf32, #tpu.memory_space<hbm>>
    %dma_start3A_503 = arith.constant 0 : i32
    %dma_start3A_504 = arith.constant 0 : i32
    %dma_start3A_505 = arith.constant 0 : i32
    %dma_start3A_506 = tpu.memref_slice %arg3[%dma_start3A_497, %mul3A_2, %dma_start3A_503, %dma_start3A_504, %dma_start3A_505] : memref<64x128x4x8x128xf32, #tpu.memory_space<hbm>> -> memref<1x4x4x8x128xf32, #tpu.memory_space<hbm>>
    %dma_start3A_507 = tpu.memref_squeeze %dma_start3A_506 : memref<1x4x4x8x128xf32, #tpu.memory_space<hbm>> -> memref<4x4x8x128xf32, #tpu.memory_space<hbm>>
    tpu.enqueue_dma source(%arg4 : memref<4x4x8x128xf32, #tpu.memory_space<vmem>>) target(%dma_start3A_507 : memref<4x4x8x128xf32, #tpu.memory_space<hbm>>) target_semaphore(%arg5 : memref<!tpu.dma_semaphore, #tpu.memory_space<semaphore_mem>>)
    %dma_start3A_508 = arith.constant 46 : i32
    %dma_start3A_509 = arith.constant 0 : i32
    %dma_start3A_510 = arith.constant 0 : i32
    %dma_start3A_511 = arith.constant 0 : i32
    %dma_start3A_512 = tpu.memref_slice %arg3[%dma_start3A_508, %mul3A_2, %dma_start3A_509, %dma_start3A_510, %dma_start3A_511] : memref<64x128x4x8x128xf32, #tpu.memory_space<hbm>> -> memref<1x4x4x8x128xf32, #tpu.memory_space<hbm>>
    %dma_start3A_513 = tpu.memref_squeeze %dma_start3A_512 : memref<1x4x4x8x128xf32, #tpu.memory_space<hbm>> -> memref<4x4x8x128xf32, #tpu.memory_space<hbm>>
    %dma_start3A_514 = arith.constant 0 : i32
    %dma_start3A_515 = arith.constant 0 : i32
    %dma_start3A_516 = arith.constant 0 : i32
    %dma_start3A_517 = tpu.memref_slice %arg3[%dma_start3A_508, %mul3A_2, %dma_start3A_514, %dma_start3A_515, %dma_start3A_516] : memref<64x128x4x8x128xf32, #tpu.memory_space<hbm>> -> memref<1x4x4x8x128xf32, #tpu.memory_space<hbm>>
    %dma_start3A_518 = tpu.memref_squeeze %dma_start3A_517 : memref<1x4x4x8x128xf32, #tpu.memory_space<hbm>> -> memref<4x4x8x128xf32, #tpu.memory_space<hbm>>
    tpu.enqueue_dma source(%arg4 : memref<4x4x8x128xf32, #tpu.memory_space<vmem>>) target(%dma_start3A_518 : memref<4x4x8x128xf32, #tpu.memory_space<hbm>>) target_semaphore(%arg5 : memref<!tpu.dma_semaphore, #tpu.memory_space<semaphore_mem>>)
    %dma_start3A_519 = arith.constant 47 : i32
    %dma_start3A_520 = arith.constant 0 : i32
    %dma_start3A_521 = arith.constant 0 : i32
    %dma_start3A_522 = arith.constant 0 : i32
    %dma_start3A_523 = tpu.memref_slice %arg3[%dma_start3A_519, %mul3A_2, %dma_start3A_520, %dma_start3A_521, %dma_start3A_522] : memref<64x128x4x8x128xf32, #tpu.memory_space<hbm>> -> memref<1x4x4x8x128xf32, #tpu.memory_space<hbm>>
    %dma_start3A_524 = tpu.memref_squeeze %dma_start3A_523 : memref<1x4x4x8x128xf32, #tpu.memory_space<hbm>> -> memref<4x4x8x128xf32, #tpu.memory_space<hbm>>
    %dma_start3A_525 = arith.constant 0 : i32
    %dma_start3A_526 = arith.constant 0 : i32
    %dma_start3A_527 = arith.constant 0 : i32
    %dma_start3A_528 = tpu.memref_slice %arg3[%dma_start3A_519, %mul3A_2, %dma_start3A_525, %dma_start3A_526, %dma_start3A_527] : memref<64x128x4x8x128xf32, #tpu.memory_space<hbm>> -> memref<1x4x4x8x128xf32, #tpu.memory_space<hbm>>
    %dma_start3A_529 = tpu.memref_squeeze %dma_start3A_528 : memref<1x4x4x8x128xf32, #tpu.memory_space<hbm>> -> memref<4x4x8x128xf32, #tpu.memory_space<hbm>>
    tpu.enqueue_dma source(%arg4 : memref<4x4x8x128xf32, #tpu.memory_space<vmem>>) target(%dma_start3A_529 : memref<4x4x8x128xf32, #tpu.memory_space<hbm>>) target_semaphore(%arg5 : memref<!tpu.dma_semaphore, #tpu.memory_space<semaphore_mem>>)
    %dma_start3A_530 = arith.constant 48 : i32
    %dma_start3A_531 = arith.constant 0 : i32
    %dma_start3A_532 = arith.constant 0 : i32
    %dma_start3A_533 = arith.constant 0 : i32
    %dma_start3A_534 = tpu.memref_slice %arg3[%dma_start3A_530, %mul3A_2, %dma_start3A_531, %dma_start3A_532, %dma_start3A_533] : memref<64x128x4x8x128xf32, #tpu.memory_space<hbm>> -> memref<1x4x4x8x128xf32, #tpu.memory_space<hbm>>
    %dma_start3A_535 = tpu.memref_squeeze %dma_start3A_534 : memref<1x4x4x8x128xf32, #tpu.memory_space<hbm>> -> memref<4x4x8x128xf32, #tpu.memory_space<hbm>>
    %dma_start3A_536 = arith.constant 0 : i32
    %dma_start3A_537 = arith.constant 0 : i32
    %dma_start3A_538 = arith.constant 0 : i32
    %dma_start3A_539 = tpu.memref_slice %arg3[%dma_start3A_530, %mul3A_2, %dma_start3A_536, %dma_start3A_537, %dma_start3A_538] : memref<64x128x4x8x128xf32, #tpu.memory_space<hbm>> -> memref<1x4x4x8x128xf32, #tpu.memory_space<hbm>>
    %dma_start3A_540 = tpu.memref_squeeze %dma_start3A_539 : memref<1x4x4x8x128xf32, #tpu.memory_space<hbm>> -> memref<4x4x8x128xf32, #tpu.memory_space<hbm>>
    tpu.enqueue_dma source(%arg4 : memref<4x4x8x128xf32, #tpu.memory_space<vmem>>) target(%dma_start3A_540 : memref<4x4x8x128xf32, #tpu.memory_space<hbm>>) target_semaphore(%arg5 : memref<!tpu.dma_semaphore, #tpu.memory_space<semaphore_mem>>)
    %dma_start3A_541 = arith.constant 49 : i32
    %dma_start3A_542 = arith.constant 0 : i32
    %dma_start3A_543 = arith.constant 0 : i32
    %dma_start3A_544 = arith.constant 0 : i32
    %dma_start3A_545 = tpu.memref_slice %arg3[%dma_start3A_541, %mul3A_2, %dma_start3A_542, %dma_start3A_543, %dma_start3A_544] : memref<64x128x4x8x128xf32, #tpu.memory_space<hbm>> -> memref<1x4x4x8x128xf32, #tpu.memory_space<hbm>>
    %dma_start3A_546 = tpu.memref_squeeze %dma_start3A_545 : memref<1x4x4x8x128xf32, #tpu.memory_space<hbm>> -> memref<4x4x8x128xf32, #tpu.memory_space<hbm>>
    %dma_start3A_547 = arith.constant 0 : i32
    %dma_start3A_548 = arith.constant 0 : i32
    %dma_start3A_549 = arith.constant 0 : i32
    %dma_start3A_550 = tpu.memref_slice %arg3[%dma_start3A_541, %mul3A_2, %dma_start3A_547, %dma_start3A_548, %dma_start3A_549] : memref<64x128x4x8x128xf32, #tpu.memory_space<hbm>> -> memref<1x4x4x8x128xf32, #tpu.memory_space<hbm>>
    %dma_start3A_551 = tpu.memref_squeeze %dma_start3A_550 : memref<1x4x4x8x128xf32, #tpu.memory_space<hbm>> -> memref<4x4x8x128xf32, #tpu.memory_space<hbm>>
    tpu.enqueue_dma source(%arg4 : memref<4x4x8x128xf32, #tpu.memory_space<vmem>>) target(%dma_start3A_551 : memref<4x4x8x128xf32, #tpu.memory_space<hbm>>) target_semaphore(%arg5 : memref<!tpu.dma_semaphore, #tpu.memory_space<semaphore_mem>>)
    %dma_start3A_552 = arith.constant 50 : i32
    %dma_start3A_553 = arith.constant 0 : i32
    %dma_start3A_554 = arith.constant 0 : i32
    %dma_start3A_555 = arith.constant 0 : i32
    %dma_start3A_556 = tpu.memref_slice %arg3[%dma_start3A_552, %mul3A_2, %dma_start3A_553, %dma_start3A_554, %dma_start3A_555] : memref<64x128x4x8x128xf32, #tpu.memory_space<hbm>> -> memref<1x4x4x8x128xf32, #tpu.memory_space<hbm>>
    %dma_start3A_557 = tpu.memref_squeeze %dma_start3A_556 : memref<1x4x4x8x128xf32, #tpu.memory_space<hbm>> -> memref<4x4x8x128xf32, #tpu.memory_space<hbm>>
    %dma_start3A_558 = arith.constant 0 : i32
    %dma_start3A_559 = arith.constant 0 : i32
    %dma_start3A_560 = arith.constant 0 : i32
    %dma_start3A_561 = tpu.memref_slice %arg3[%dma_start3A_552, %mul3A_2, %dma_start3A_558, %dma_start3A_559, %dma_start3A_560] : memref<64x128x4x8x128xf32, #tpu.memory_space<hbm>> -> memref<1x4x4x8x128xf32, #tpu.memory_space<hbm>>
    %dma_start3A_562 = tpu.memref_squeeze %dma_start3A_561 : memref<1x4x4x8x128xf32, #tpu.memory_space<hbm>> -> memref<4x4x8x128xf32, #tpu.memory_space<hbm>>
    tpu.enqueue_dma source(%arg4 : memref<4x4x8x128xf32, #tpu.memory_space<vmem>>) target(%dma_start3A_562 : memref<4x4x8x128xf32, #tpu.memory_space<hbm>>) target_semaphore(%arg5 : memref<!tpu.dma_semaphore, #tpu.memory_space<semaphore_mem>>)
    %dma_start3A_563 = arith.constant 51 : i32
    %dma_start3A_564 = arith.constant 0 : i32
    %dma_start3A_565 = arith.constant 0 : i32
    %dma_start3A_566 = arith.constant 0 : i32
    %dma_start3A_567 = tpu.memref_slice %arg3[%dma_start3A_563, %mul3A_2, %dma_start3A_564, %dma_start3A_565, %dma_start3A_566] : memref<64x128x4x8x128xf32, #tpu.memory_space<hbm>> -> memref<1x4x4x8x128xf32, #tpu.memory_space<hbm>>
    %dma_start3A_568 = tpu.memref_squeeze %dma_start3A_567 : memref<1x4x4x8x128xf32, #tpu.memory_space<hbm>> -> memref<4x4x8x128xf32, #tpu.memory_space<hbm>>
    %dma_start3A_569 = arith.constant 0 : i32
    %dma_start3A_570 = arith.constant 0 : i32
    %dma_start3A_571 = arith.constant 0 : i32
    %dma_start3A_572 = tpu.memref_slice %arg3[%dma_start3A_563, %mul3A_2, %dma_start3A_569, %dma_start3A_570, %dma_start3A_571] : memref<64x128x4x8x128xf32, #tpu.memory_space<hbm>> -> memref<1x4x4x8x128xf32, #tpu.memory_space<hbm>>
    %dma_start3A_573 = tpu.memref_squeeze %dma_start3A_572 : memref<1x4x4x8x128xf32, #tpu.memory_space<hbm>> -> memref<4x4x8x128xf32, #tpu.memory_space<hbm>>
    tpu.enqueue_dma source(%arg4 : memref<4x4x8x128xf32, #tpu.memory_space<vmem>>) target(%dma_start3A_573 : memref<4x4x8x128xf32, #tpu.memory_space<hbm>>) target_semaphore(%arg5 : memref<!tpu.dma_semaphore, #tpu.memory_space<semaphore_mem>>)
    %dma_start3A_574 = arith.constant 52 : i32
    %dma_start3A_575 = arith.constant 0 : i32
    %dma_start3A_576 = arith.constant 0 : i32
    %dma_start3A_577 = arith.constant 0 : i32
    %dma_start3A_578 = tpu.memref_slice %arg3[%dma_start3A_574, %mul3A_2, %dma_start3A_575, %dma_start3A_576, %dma_start3A_577] : memref<64x128x4x8x128xf32, #tpu.memory_space<hbm>> -> memref<1x4x4x8x128xf32, #tpu.memory_space<hbm>>
    %dma_start3A_579 = tpu.memref_squeeze %dma_start3A_578 : memref<1x4x4x8x128xf32, #tpu.memory_space<hbm>> -> memref<4x4x8x128xf32, #tpu.memory_space<hbm>>
    %dma_start3A_580 = arith.constant 0 : i32
    %dma_start3A_581 = arith.constant 0 : i32
    %dma_start3A_582 = arith.constant 0 : i32
    %dma_start3A_583 = tpu.memref_slice %arg3[%dma_start3A_574, %mul3A_2, %dma_start3A_580, %dma_start3A_581, %dma_start3A_582] : memref<64x128x4x8x128xf32, #tpu.memory_space<hbm>> -> memref<1x4x4x8x128xf32, #tpu.memory_space<hbm>>
    %dma_start3A_584 = tpu.memref_squeeze %dma_start3A_583 : memref<1x4x4x8x128xf32, #tpu.memory_space<hbm>> -> memref<4x4x8x128xf32, #tpu.memory_space<hbm>>
    tpu.enqueue_dma source(%arg4 : memref<4x4x8x128xf32, #tpu.memory_space<vmem>>) target(%dma_start3A_584 : memref<4x4x8x128xf32, #tpu.memory_space<hbm>>) target_semaphore(%arg5 : memref<!tpu.dma_semaphore, #tpu.memory_space<semaphore_mem>>)
    %dma_start3A_585 = arith.constant 53 : i32
    %dma_start3A_586 = arith.constant 0 : i32
    %dma_start3A_587 = arith.constant 0 : i32
    %dma_start3A_588 = arith.constant 0 : i32
    %dma_start3A_589 = tpu.memref_slice %arg3[%dma_start3A_585, %mul3A_2, %dma_start3A_586, %dma_start3A_587, %dma_start3A_588] : memref<64x128x4x8x128xf32, #tpu.memory_space<hbm>> -> memref<1x4x4x8x128xf32, #tpu.memory_space<hbm>>
    %dma_start3A_590 = tpu.memref_squeeze %dma_start3A_589 : memref<1x4x4x8x128xf32, #tpu.memory_space<hbm>> -> memref<4x4x8x128xf32, #tpu.memory_space<hbm>>
    %dma_start3A_591 = arith.constant 0 : i32
    %dma_start3A_592 = arith.constant 0 : i32
    %dma_start3A_593 = arith.constant 0 : i32
    %dma_start3A_594 = tpu.memref_slice %arg3[%dma_start3A_585, %mul3A_2, %dma_start3A_591, %dma_start3A_592, %dma_start3A_593] : memref<64x128x4x8x128xf32, #tpu.memory_space<hbm>> -> memref<1x4x4x8x128xf32, #tpu.memory_space<hbm>>
    %dma_start3A_595 = tpu.memref_squeeze %dma_start3A_594 : memref<1x4x4x8x128xf32, #tpu.memory_space<hbm>> -> memref<4x4x8x128xf32, #tpu.memory_space<hbm>>
    tpu.enqueue_dma source(%arg4 : memref<4x4x8x128xf32, #tpu.memory_space<vmem>>) target(%dma_start3A_595 : memref<4x4x8x128xf32, #tpu.memory_space<hbm>>) target_semaphore(%arg5 : memref<!tpu.dma_semaphore, #tpu.memory_space<semaphore_mem>>)
    %dma_start3A_596 = arith.constant 54 : i32
    %dma_start3A_597 = arith.constant 0 : i32
    %dma_start3A_598 = arith.constant 0 : i32
    %dma_start3A_599 = arith.constant 0 : i32
    %dma_start3A_600 = tpu.memref_slice %arg3[%dma_start3A_596, %mul3A_2, %dma_start3A_597, %dma_start3A_598, %dma_start3A_599] : memref<64x128x4x8x128xf32, #tpu.memory_space<hbm>> -> memref<1x4x4x8x128xf32, #tpu.memory_space<hbm>>
    %dma_start3A_601 = tpu.memref_squeeze %dma_start3A_600 : memref<1x4x4x8x128xf32, #tpu.memory_space<hbm>> -> memref<4x4x8x128xf32, #tpu.memory_space<hbm>>
    %dma_start3A_602 = arith.constant 0 : i32
    %dma_start3A_603 = arith.constant 0 : i32
    %dma_start3A_604 = arith.constant 0 : i32
    %dma_start3A_605 = tpu.memref_slice %arg3[%dma_start3A_596, %mul3A_2, %dma_start3A_602, %dma_start3A_603, %dma_start3A_604] : memref<64x128x4x8x128xf32, #tpu.memory_space<hbm>> -> memref<1x4x4x8x128xf32, #tpu.memory_space<hbm>>
    %dma_start3A_606 = tpu.memref_squeeze %dma_start3A_605 : memref<1x4x4x8x128xf32, #tpu.memory_space<hbm>> -> memref<4x4x8x128xf32, #tpu.memory_space<hbm>>
    tpu.enqueue_dma source(%arg4 : memref<4x4x8x128xf32, #tpu.memory_space<vmem>>) target(%dma_start3A_606 : memref<4x4x8x128xf32, #tpu.memory_space<hbm>>) target_semaphore(%arg5 : memref<!tpu.dma_semaphore, #tpu.memory_space<semaphore_mem>>)
    %dma_start3A_607 = arith.constant 55 : i32
    %dma_start3A_608 = arith.constant 0 : i32
    %dma_start3A_609 = arith.constant 0 : i32
    %dma_start3A_610 = arith.constant 0 : i32
    %dma_start3A_611 = tpu.memref_slice %arg3[%dma_start3A_607, %mul3A_2, %dma_start3A_608, %dma_start3A_609, %dma_start3A_610] : memref<64x128x4x8x128xf32, #tpu.memory_space<hbm>> -> memref<1x4x4x8x128xf32, #tpu.memory_space<hbm>>
    %dma_start3A_612 = tpu.memref_squeeze %dma_start3A_611 : memref<1x4x4x8x128xf32, #tpu.memory_space<hbm>> -> memref<4x4x8x128xf32, #tpu.memory_space<hbm>>
    %dma_start3A_613 = arith.constant 0 : i32
    %dma_start3A_614 = arith.constant 0 : i32
    %dma_start3A_615 = arith.constant 0 : i32
    %dma_start3A_616 = tpu.memref_slice %arg3[%dma_start3A_607, %mul3A_2, %dma_start3A_613, %dma_start3A_614, %dma_start3A_615] : memref<64x128x4x8x128xf32, #tpu.memory_space<hbm>> -> memref<1x4x4x8x128xf32, #tpu.memory_space<hbm>>
    %dma_start3A_617 = tpu.memref_squeeze %dma_start3A_616 : memref<1x4x4x8x128xf32, #tpu.memory_space<hbm>> -> memref<4x4x8x128xf32, #tpu.memory_space<hbm>>
    tpu.enqueue_dma source(%arg4 : memref<4x4x8x128xf32, #tpu.memory_space<vmem>>) target(%dma_start3A_617 : memref<4x4x8x128xf32, #tpu.memory_space<hbm>>) target_semaphore(%arg5 : memref<!tpu.dma_semaphore, #tpu.memory_space<semaphore_mem>>)
    %dma_start3A_618 = arith.constant 56 : i32
    %dma_start3A_619 = arith.constant 0 : i32
    %dma_start3A_620 = arith.constant 0 : i32
    %dma_start3A_621 = arith.constant 0 : i32
    %dma_start3A_622 = tpu.memref_slice %arg3[%dma_start3A_618, %mul3A_2, %dma_start3A_619, %dma_start3A_620, %dma_start3A_621] : memref<64x128x4x8x128xf32, #tpu.memory_space<hbm>> -> memref<1x4x4x8x128xf32, #tpu.memory_space<hbm>>
    %dma_start3A_623 = tpu.memref_squeeze %dma_start3A_622 : memref<1x4x4x8x128xf32, #tpu.memory_space<hbm>> -> memref<4x4x8x128xf32, #tpu.memory_space<hbm>>
    %dma_start3A_624 = arith.constant 0 : i32
    %dma_start3A_625 = arith.constant 0 : i32
    %dma_start3A_626 = arith.constant 0 : i32
    %dma_start3A_627 = tpu.memref_slice %arg3[%dma_start3A_618, %mul3A_2, %dma_start3A_624, %dma_start3A_625, %dma_start3A_626] : memref<64x128x4x8x128xf32, #tpu.memory_space<hbm>> -> memref<1x4x4x8x128xf32, #tpu.memory_space<hbm>>
    %dma_start3A_628 = tpu.memref_squeeze %dma_start3A_627 : memref<1x4x4x8x128xf32, #tpu.memory_space<hbm>> -> memref<4x4x8x128xf32, #tpu.memory_space<hbm>>
    tpu.enqueue_dma source(%arg4 : memref<4x4x8x128xf32, #tpu.memory_space<vmem>>) target(%dma_start3A_628 : memref<4x4x8x128xf32, #tpu.memory_space<hbm>>) target_semaphore(%arg5 : memref<!tpu.dma_semaphore, #tpu.memory_space<semaphore_mem>>)
    %dma_start3A_629 = arith.constant 57 : i32
    %dma_start3A_630 = arith.constant 0 : i32
    %dma_start3A_631 = arith.constant 0 : i32
    %dma_start3A_632 = arith.constant 0 : i32
    %dma_start3A_633 = tpu.memref_slice %arg3[%dma_start3A_629, %mul3A_2, %dma_start3A_630, %dma_start3A_631, %dma_start3A_632] : memref<64x128x4x8x128xf32, #tpu.memory_space<hbm>> -> memref<1x4x4x8x128xf32, #tpu.memory_space<hbm>>
    %dma_start3A_634 = tpu.memref_squeeze %dma_start3A_633 : memref<1x4x4x8x128xf32, #tpu.memory_space<hbm>> -> memref<4x4x8x128xf32, #tpu.memory_space<hbm>>
    %dma_start3A_635 = arith.constant 0 : i32
    %dma_start3A_636 = arith.constant 0 : i32
    %dma_start3A_637 = arith.constant 0 : i32
    %dma_start3A_638 = tpu.memref_slice %arg3[%dma_start3A_629, %mul3A_2, %dma_start3A_635, %dma_start3A_636, %dma_start3A_637] : memref<64x128x4x8x128xf32, #tpu.memory_space<hbm>> -> memref<1x4x4x8x128xf32, #tpu.memory_space<hbm>>
    %dma_start3A_639 = tpu.memref_squeeze %dma_start3A_638 : memref<1x4x4x8x128xf32, #tpu.memory_space<hbm>> -> memref<4x4x8x128xf32, #tpu.memory_space<hbm>>
    tpu.enqueue_dma source(%arg4 : memref<4x4x8x128xf32, #tpu.memory_space<vmem>>) target(%dma_start3A_639 : memref<4x4x8x128xf32, #tpu.memory_space<hbm>>) target_semaphore(%arg5 : memref<!tpu.dma_semaphore, #tpu.memory_space<semaphore_mem>>)
    %dma_start3A_640 = arith.constant 58 : i32
    %dma_start3A_641 = arith.constant 0 : i32
    %dma_start3A_642 = arith.constant 0 : i32
    %dma_start3A_643 = arith.constant 0 : i32
    %dma_start3A_644 = tpu.memref_slice %arg3[%dma_start3A_640, %mul3A_2, %dma_start3A_641, %dma_start3A_642, %dma_start3A_643] : memref<64x128x4x8x128xf32, #tpu.memory_space<hbm>> -> memref<1x4x4x8x128xf32, #tpu.memory_space<hbm>>
    %dma_start3A_645 = tpu.memref_squeeze %dma_start3A_644 : memref<1x4x4x8x128xf32, #tpu.memory_space<hbm>> -> memref<4x4x8x128xf32, #tpu.memory_space<hbm>>
    %dma_start3A_646 = arith.constant 0 : i32
    %dma_start3A_647 = arith.constant 0 : i32
    %dma_start3A_648 = arith.constant 0 : i32
    %dma_start3A_649 = tpu.memref_slice %arg3[%dma_start3A_640, %mul3A_2, %dma_start3A_646, %dma_start3A_647, %dma_start3A_648] : memref<64x128x4x8x128xf32, #tpu.memory_space<hbm>> -> memref<1x4x4x8x128xf32, #tpu.memory_space<hbm>>
    %dma_start3A_650 = tpu.memref_squeeze %dma_start3A_649 : memref<1x4x4x8x128xf32, #tpu.memory_space<hbm>> -> memref<4x4x8x128xf32, #tpu.memory_space<hbm>>
    tpu.enqueue_dma source(%arg4 : memref<4x4x8x128xf32, #tpu.memory_space<vmem>>) target(%dma_start3A_650 : memref<4x4x8x128xf32, #tpu.memory_space<hbm>>) target_semaphore(%arg5 : memref<!tpu.dma_semaphore, #tpu.memory_space<semaphore_mem>>)
    %dma_start3A_651 = arith.constant 59 : i32
    %dma_start3A_652 = arith.constant 0 : i32
    %dma_start3A_653 = arith.constant 0 : i32
    %dma_start3A_654 = arith.constant 0 : i32
    %dma_start3A_655 = tpu.memref_slice %arg3[%dma_start3A_651, %mul3A_2, %dma_start3A_652, %dma_start3A_653, %dma_start3A_654] : memref<64x128x4x8x128xf32, #tpu.memory_space<hbm>> -> memref<1x4x4x8x128xf32, #tpu.memory_space<hbm>>
    %dma_start3A_656 = tpu.memref_squeeze %dma_start3A_655 : memref<1x4x4x8x128xf32, #tpu.memory_space<hbm>> -> memref<4x4x8x128xf32, #tpu.memory_space<hbm>>
    %dma_start3A_657 = arith.constant 0 : i32
    %dma_start3A_658 = arith.constant 0 : i32
    %dma_start3A_659 = arith.constant 0 : i32
    %dma_start3A_660 = tpu.memref_slice %arg3[%dma_start3A_651, %mul3A_2, %dma_start3A_657, %dma_start3A_658, %dma_start3A_659] : memref<64x128x4x8x128xf32, #tpu.memory_space<hbm>> -> memref<1x4x4x8x128xf32, #tpu.memory_space<hbm>>
    %dma_start3A_661 = tpu.memref_squeeze %dma_start3A_660 : memref<1x4x4x8x128xf32, #tpu.memory_space<hbm>> -> memref<4x4x8x128xf32, #tpu.memory_space<hbm>>
    tpu.enqueue_dma source(%arg4 : memref<4x4x8x128xf32, #tpu.memory_space<vmem>>) target(%dma_start3A_661 : memref<4x4x8x128xf32, #tpu.memory_space<hbm>>) target_semaphore(%arg5 : memref<!tpu.dma_semaphore, #tpu.memory_space<semaphore_mem>>)
    %dma_start3A_662 = arith.constant 60 : i32
    %dma_start3A_663 = arith.constant 0 : i32
    %dma_start3A_664 = arith.constant 0 : i32
    %dma_start3A_665 = arith.constant 0 : i32
    %dma_start3A_666 = tpu.memref_slice %arg3[%dma_start3A_662, %mul3A_2, %dma_start3A_663, %dma_start3A_664, %dma_start3A_665] : memref<64x128x4x8x128xf32, #tpu.memory_space<hbm>> -> memref<1x4x4x8x128xf32, #tpu.memory_space<hbm>>
    %dma_start3A_667 = tpu.memref_squeeze %dma_start3A_666 : memref<1x4x4x8x128xf32, #tpu.memory_space<hbm>> -> memref<4x4x8x128xf32, #tpu.memory_space<hbm>>
    %dma_start3A_668 = arith.constant 0 : i32
    %dma_start3A_669 = arith.constant 0 : i32
    %dma_start3A_670 = arith.constant 0 : i32
    %dma_start3A_671 = tpu.memref_slice %arg3[%dma_start3A_662, %mul3A_2, %dma_start3A_668, %dma_start3A_669, %dma_start3A_670] : memref<64x128x4x8x128xf32, #tpu.memory_space<hbm>> -> memref<1x4x4x8x128xf32, #tpu.memory_space<hbm>>
    %dma_start3A_672 = tpu.memref_squeeze %dma_start3A_671 : memref<1x4x4x8x128xf32, #tpu.memory_space<hbm>> -> memref<4x4x8x128xf32, #tpu.memory_space<hbm>>
    tpu.enqueue_dma source(%arg4 : memref<4x4x8x128xf32, #tpu.memory_space<vmem>>) target(%dma_start3A_672 : memref<4x4x8x128xf32, #tpu.memory_space<hbm>>) target_semaphore(%arg5 : memref<!tpu.dma_semaphore, #tpu.memory_space<semaphore_mem>>)
    %dma_start3A_673 = arith.constant 61 : i32
    %dma_start3A_674 = arith.constant 0 : i32
    %dma_start3A_675 = arith.constant 0 : i32
    %dma_start3A_676 = arith.constant 0 : i32
    %dma_start3A_677 = tpu.memref_slice %arg3[%dma_start3A_673, %mul3A_2, %dma_start3A_674, %dma_start3A_675, %dma_start3A_676] : memref<64x128x4x8x128xf32, #tpu.memory_space<hbm>> -> memref<1x4x4x8x128xf32, #tpu.memory_space<hbm>>
    %dma_start3A_678 = tpu.memref_squeeze %dma_start3A_677 : memref<1x4x4x8x128xf32, #tpu.memory_space<hbm>> -> memref<4x4x8x128xf32, #tpu.memory_space<hbm>>
    %dma_start3A_679 = arith.constant 0 : i32
    %dma_start3A_680 = arith.constant 0 : i32
    %dma_start3A_681 = arith.constant 0 : i32
    %dma_start3A_682 = tpu.memref_slice %arg3[%dma_start3A_673, %mul3A_2, %dma_start3A_679, %dma_start3A_680, %dma_start3A_681] : memref<64x128x4x8x128xf32, #tpu.memory_space<hbm>> -> memref<1x4x4x8x128xf32, #tpu.memory_space<hbm>>
    %dma_start3A_683 = tpu.memref_squeeze %dma_start3A_682 : memref<1x4x4x8x128xf32, #tpu.memory_space<hbm>> -> memref<4x4x8x128xf32, #tpu.memory_space<hbm>>
    tpu.enqueue_dma source(%arg4 : memref<4x4x8x128xf32, #tpu.memory_space<vmem>>) target(%dma_start3A_683 : memref<4x4x8x128xf32, #tpu.memory_space<hbm>>) target_semaphore(%arg5 : memref<!tpu.dma_semaphore, #tpu.memory_space<semaphore_mem>>)
    %dma_start3A_684 = arith.constant 62 : i32
    %dma_start3A_685 = arith.constant 0 : i32
    %dma_start3A_686 = arith.constant 0 : i32
    %dma_start3A_687 = arith.constant 0 : i32
    %dma_start3A_688 = tpu.memref_slice %arg3[%dma_start3A_684, %mul3A_2, %dma_start3A_685, %dma_start3A_686, %dma_start3A_687] : memref<64x128x4x8x128xf32, #tpu.memory_space<hbm>> -> memref<1x4x4x8x128xf32, #tpu.memory_space<hbm>>
    %dma_start3A_689 = tpu.memref_squeeze %dma_start3A_688 : memref<1x4x4x8x128xf32, #tpu.memory_space<hbm>> -> memref<4x4x8x128xf32, #tpu.memory_space<hbm>>
    %dma_start3A_690 = arith.constant 0 : i32
    %dma_start3A_691 = arith.constant 0 : i32
    %dma_start3A_692 = arith.constant 0 : i32
    %dma_start3A_693 = tpu.memref_slice %arg3[%dma_start3A_684, %mul3A_2, %dma_start3A_690, %dma_start3A_691, %dma_start3A_692] : memref<64x128x4x8x128xf32, #tpu.memory_space<hbm>> -> memref<1x4x4x8x128xf32, #tpu.memory_space<hbm>>
    %dma_start3A_694 = tpu.memref_squeeze %dma_start3A_693 : memref<1x4x4x8x128xf32, #tpu.memory_space<hbm>> -> memref<4x4x8x128xf32, #tpu.memory_space<hbm>>
    tpu.enqueue_dma source(%arg4 : memref<4x4x8x128xf32, #tpu.memory_space<vmem>>) target(%dma_start3A_694 : memref<4x4x8x128xf32, #tpu.memory_space<hbm>>) target_semaphore(%arg5 : memref<!tpu.dma_semaphore, #tpu.memory_space<semaphore_mem>>)
    %dma_start3A_695 = arith.constant 63 : i32
    %dma_start3A_696 = arith.constant 0 : i32
    %dma_start3A_697 = arith.constant 0 : i32
    %dma_start3A_698 = arith.constant 0 : i32
    %dma_start3A_699 = tpu.memref_slice %arg3[%dma_start3A_695, %mul3A_2, %dma_start3A_696, %dma_start3A_697, %dma_start3A_698] : memref<64x128x4x8x128xf32, #tpu.memory_space<hbm>> -> memref<1x4x4x8x128xf32, #tpu.memory_space<hbm>>
    %dma_start3A_700 = tpu.memref_squeeze %dma_start3A_699 : memref<1x4x4x8x128xf32, #tpu.memory_space<hbm>> -> memref<4x4x8x128xf32, #tpu.memory_space<hbm>>
    %dma_start3A_701 = arith.constant 0 : i32
    %dma_start3A_702 = arith.constant 0 : i32
    %dma_start3A_703 = arith.constant 0 : i32
    %dma_start3A_704 = tpu.memref_slice %arg3[%dma_start3A_695, %mul3A_2, %dma_start3A_701, %dma_start3A_702, %dma_start3A_703] : memref<64x128x4x8x128xf32, #tpu.memory_space<hbm>> -> memref<1x4x4x8x128xf32, #tpu.memory_space<hbm>>
    %dma_start3A_705 = tpu.memref_squeeze %dma_start3A_704 : memref<1x4x4x8x128xf32, #tpu.memory_space<hbm>> -> memref<4x4x8x128xf32, #tpu.memory_space<hbm>>
    tpu.enqueue_dma source(%arg4 : memref<4x4x8x128xf32, #tpu.memory_space<vmem>>) target(%dma_start3A_705 : memref<4x4x8x128xf32, #tpu.memory_space<hbm>>) target_semaphore(%arg5 : memref<!tpu.dma_semaphore, #tpu.memory_space<semaphore_mem>>)
    %dma_wait3A = arith.constant 0 : i32
    %dma_wait3A_706 = arith.constant 0 : i32
    %dma_wait3A_707 = arith.constant 0 : i32
    %dma_wait3A_708 = arith.constant 0 : i32
    %dma_wait3A_709 = tpu.memref_slice %arg3[%dma_wait3A, %mul3A_2, %dma_wait3A_706, %dma_wait3A_707, %dma_wait3A_708] : memref<64x128x4x8x128xf32, #tpu.memory_space<hbm>> -> memref<1x4x4x8x128xf32, #tpu.memory_space<hbm>>
    %dma_wait3A_710 = tpu.memref_squeeze %dma_wait3A_709 : memref<1x4x4x8x128xf32, #tpu.memory_space<hbm>> -> memref<4x4x8x128xf32, #tpu.memory_space<hbm>>
    %dma_wait3A_711 = arith.constant 0 : i32
    %dma_wait3A_712 = arith.constant 0 : i32
    %dma_wait3A_713 = arith.constant 0 : i32
    %dma_wait3A_714 = tpu.memref_slice %arg3[%dma_wait3A, %mul3A_2, %dma_wait3A_711, %dma_wait3A_712, %dma_wait3A_713] : memref<64x128x4x8x128xf32, #tpu.memory_space<hbm>> -> memref<1x4x4x8x128xf32, #tpu.memory_space<hbm>>
    %dma_wait3A_715 = tpu.memref_squeeze %dma_wait3A_714 : memref<1x4x4x8x128xf32, #tpu.memory_space<hbm>> -> memref<4x4x8x128xf32, #tpu.memory_space<hbm>>
    tpu.wait_dma2 semaphore(%arg5 : memref<!tpu.dma_semaphore, #tpu.memory_space<semaphore_mem>>) src(%arg4 : memref<4x4x8x128xf32, #tpu.memory_space<vmem>>) dst(%dma_wait3A_715 : memref<4x4x8x128xf32, #tpu.memory_space<hbm>>)
    %dma_wait3A_716 = arith.constant 1 : i32
    %dma_wait3A_717 = arith.constant 0 : i32
    %dma_wait3A_718 = arith.constant 0 : i32
    %dma_wait3A_719 = arith.constant 0 : i32
    %dma_wait3A_720 = tpu.memref_slice %arg3[%dma_wait3A_716, %mul3A_2, %dma_wait3A_717, %dma_wait3A_718, %dma_wait3A_719] : memref<64x128x4x8x128xf32, #tpu.memory_space<hbm>> -> memref<1x4x4x8x128xf32, #tpu.memory_space<hbm>>
    %dma_wait3A_721 = tpu.memref_squeeze %dma_wait3A_720 : memref<1x4x4x8x128xf32, #tpu.memory_space<hbm>> -> memref<4x4x8x128xf32, #tpu.memory_space<hbm>>
    %dma_wait3A_722 = arith.constant 0 : i32
    %dma_wait3A_723 = arith.constant 0 : i32
    %dma_wait3A_724 = arith.constant 0 : i32
    %dma_wait3A_725 = tpu.memref_slice %arg3[%dma_wait3A_716, %mul3A_2, %dma_wait3A_722, %dma_wait3A_723, %dma_wait3A_724] : memref<64x128x4x8x128xf32, #tpu.memory_space<hbm>> -> memref<1x4x4x8x128xf32, #tpu.memory_space<hbm>>
    %dma_wait3A_726 = tpu.memref_squeeze %dma_wait3A_725 : memref<1x4x4x8x128xf32, #tpu.memory_space<hbm>> -> memref<4x4x8x128xf32, #tpu.memory_space<hbm>>
    tpu.wait_dma2 semaphore(%arg5 : memref<!tpu.dma_semaphore, #tpu.memory_space<semaphore_mem>>) src(%arg4 : memref<4x4x8x128xf32, #tpu.memory_space<vmem>>) dst(%dma_wait3A_726 : memref<4x4x8x128xf32, #tpu.memory_space<hbm>>)
    %dma_wait3A_727 = arith.constant 2 : i32
    %dma_wait3A_728 = arith.constant 0 : i32
    %dma_wait3A_729 = arith.constant 0 : i32
    %dma_wait3A_730 = arith.constant 0 : i32
    %dma_wait3A_731 = tpu.memref_slice %arg3[%dma_wait3A_727, %mul3A_2, %dma_wait3A_728, %dma_wait3A_729, %dma_wait3A_730] : memref<64x128x4x8x128xf32, #tpu.memory_space<hbm>> -> memref<1x4x4x8x128xf32, #tpu.memory_space<hbm>>
    %dma_wait3A_732 = tpu.memref_squeeze %dma_wait3A_731 : memref<1x4x4x8x128xf32, #tpu.memory_space<hbm>> -> memref<4x4x8x128xf32, #tpu.memory_space<hbm>>
    %dma_wait3A_733 = arith.constant 0 : i32
    %dma_wait3A_734 = arith.constant 0 : i32
    %dma_wait3A_735 = arith.constant 0 : i32
    %dma_wait3A_736 = tpu.memref_slice %arg3[%dma_wait3A_727, %mul3A_2, %dma_wait3A_733, %dma_wait3A_734, %dma_wait3A_735] : memref<64x128x4x8x128xf32, #tpu.memory_space<hbm>> -> memref<1x4x4x8x128xf32, #tpu.memory_space<hbm>>
    %dma_wait3A_737 = tpu.memref_squeeze %dma_wait3A_736 : memref<1x4x4x8x128xf32, #tpu.memory_space<hbm>> -> memref<4x4x8x128xf32, #tpu.memory_space<hbm>>
    tpu.wait_dma2 semaphore(%arg5 : memref<!tpu.dma_semaphore, #tpu.memory_space<semaphore_mem>>) src(%arg4 : memref<4x4x8x128xf32, #tpu.memory_space<vmem>>) dst(%dma_wait3A_737 : memref<4x4x8x128xf32, #tpu.memory_space<hbm>>)
    %dma_wait3A_738 = arith.constant 3 : i32
    %dma_wait3A_739 = arith.constant 0 : i32
    %dma_wait3A_740 = arith.constant 0 : i32
    %dma_wait3A_741 = arith.constant 0 : i32
    %dma_wait3A_742 = tpu.memref_slice %arg3[%dma_wait3A_738, %mul3A_2, %dma_wait3A_739, %dma_wait3A_740, %dma_wait3A_741] : memref<64x128x4x8x128xf32, #tpu.memory_space<hbm>> -> memref<1x4x4x8x128xf32, #tpu.memory_space<hbm>>
    %dma_wait3A_743 = tpu.memref_squeeze %dma_wait3A_742 : memref<1x4x4x8x128xf32, #tpu.memory_space<hbm>> -> memref<4x4x8x128xf32, #tpu.memory_space<hbm>>
    %dma_wait3A_744 = arith.constant 0 : i32
    %dma_wait3A_745 = arith.constant 0 : i32
    %dma_wait3A_746 = arith.constant 0 : i32
    %dma_wait3A_747 = tpu.memref_slice %arg3[%dma_wait3A_738, %mul3A_2, %dma_wait3A_744, %dma_wait3A_745, %dma_wait3A_746] : memref<64x128x4x8x128xf32, #tpu.memory_space<hbm>> -> memref<1x4x4x8x128xf32, #tpu.memory_space<hbm>>
    %dma_wait3A_748 = tpu.memref_squeeze %dma_wait3A_747 : memref<1x4x4x8x128xf32, #tpu.memory_space<hbm>> -> memref<4x4x8x128xf32, #tpu.memory_space<hbm>>
    tpu.wait_dma2 semaphore(%arg5 : memref<!tpu.dma_semaphore, #tpu.memory_space<semaphore_mem>>) src(%arg4 : memref<4x4x8x128xf32, #tpu.memory_space<vmem>>) dst(%dma_wait3A_748 : memref<4x4x8x128xf32, #tpu.memory_space<hbm>>)
    %dma_wait3A_749 = arith.constant 4 : i32
    %dma_wait3A_750 = arith.constant 0 : i32
    %dma_wait3A_751 = arith.constant 0 : i32
    %dma_wait3A_752 = arith.constant 0 : i32
    %dma_wait3A_753 = tpu.memref_slice %arg3[%dma_wait3A_749, %mul3A_2, %dma_wait3A_750, %dma_wait3A_751, %dma_wait3A_752] : memref<64x128x4x8x128xf32, #tpu.memory_space<hbm>> -> memref<1x4x4x8x128xf32, #tpu.memory_space<hbm>>
    %dma_wait3A_754 = tpu.memref_squeeze %dma_wait3A_753 : memref<1x4x4x8x128xf32, #tpu.memory_space<hbm>> -> memref<4x4x8x128xf32, #tpu.memory_space<hbm>>
    %dma_wait3A_755 = arith.constant 0 : i32
    %dma_wait3A_756 = arith.constant 0 : i32
    %dma_wait3A_757 = arith.constant 0 : i32
    %dma_wait3A_758 = tpu.memref_slice %arg3[%dma_wait3A_749, %mul3A_2, %dma_wait3A_755, %dma_wait3A_756, %dma_wait3A_757] : memref<64x128x4x8x128xf32, #tpu.memory_space<hbm>> -> memref<1x4x4x8x128xf32, #tpu.memory_space<hbm>>
    %dma_wait3A_759 = tpu.memref_squeeze %dma_wait3A_758 : memref<1x4x4x8x128xf32, #tpu.memory_space<hbm>> -> memref<4x4x8x128xf32, #tpu.memory_space<hbm>>
    tpu.wait_dma2 semaphore(%arg5 : memref<!tpu.dma_semaphore, #tpu.memory_space<semaphore_mem>>) src(%arg4 : memref<4x4x8x128xf32, #tpu.memory_space<vmem>>) dst(%dma_wait3A_759 : memref<4x4x8x128xf32, #tpu.memory_space<hbm>>)
    %dma_wait3A_760 = arith.constant 5 : i32
    %dma_wait3A_761 = arith.constant 0 : i32
    %dma_wait3A_762 = arith.constant 0 : i32
    %dma_wait3A_763 = arith.constant 0 : i32
    %dma_wait3A_764 = tpu.memref_slice %arg3[%dma_wait3A_760, %mul3A_2, %dma_wait3A_761, %dma_wait3A_762, %dma_wait3A_763] : memref<64x128x4x8x128xf32, #tpu.memory_space<hbm>> -> memref<1x4x4x8x128xf32, #tpu.memory_space<hbm>>
    %dma_wait3A_765 = tpu.memref_squeeze %dma_wait3A_764 : memref<1x4x4x8x128xf32, #tpu.memory_space<hbm>> -> memref<4x4x8x128xf32, #tpu.memory_space<hbm>>
    %dma_wait3A_766 = arith.constant 0 : i32
    %dma_wait3A_767 = arith.constant 0 : i32
    %dma_wait3A_768 = arith.constant 0 : i32
    %dma_wait3A_769 = tpu.memref_slice %arg3[%dma_wait3A_760, %mul3A_2, %dma_wait3A_766, %dma_wait3A_767, %dma_wait3A_768] : memref<64x128x4x8x128xf32, #tpu.memory_space<hbm>> -> memref<1x4x4x8x128xf32, #tpu.memory_space<hbm>>
    %dma_wait3A_770 = tpu.memref_squeeze %dma_wait3A_769 : memref<1x4x4x8x128xf32, #tpu.memory_space<hbm>> -> memref<4x4x8x128xf32, #tpu.memory_space<hbm>>
    tpu.wait_dma2 semaphore(%arg5 : memref<!tpu.dma_semaphore, #tpu.memory_space<semaphore_mem>>) src(%arg4 : memref<4x4x8x128xf32, #tpu.memory_space<vmem>>) dst(%dma_wait3A_770 : memref<4x4x8x128xf32, #tpu.memory_space<hbm>>)
    %dma_wait3A_771 = arith.constant 6 : i32
    %dma_wait3A_772 = arith.constant 0 : i32
    %dma_wait3A_773 = arith.constant 0 : i32
    %dma_wait3A_774 = arith.constant 0 : i32
    %dma_wait3A_775 = tpu.memref_slice %arg3[%dma_wait3A_771, %mul3A_2, %dma_wait3A_772, %dma_wait3A_773, %dma_wait3A_774] : memref<64x128x4x8x128xf32, #tpu.memory_space<hbm>> -> memref<1x4x4x8x128xf32, #tpu.memory_space<hbm>>
    %dma_wait3A_776 = tpu.memref_squeeze %dma_wait3A_775 : memref<1x4x4x8x128xf32, #tpu.memory_space<hbm>> -> memref<4x4x8x128xf32, #tpu.memory_space<hbm>>
    %dma_wait3A_777 = arith.constant 0 : i32
    %dma_wait3A_778 = arith.constant 0 : i32
    %dma_wait3A_779 = arith.constant 0 : i32
    %dma_wait3A_780 = tpu.memref_slice %arg3[%dma_wait3A_771, %mul3A_2, %dma_wait3A_777, %dma_wait3A_778, %dma_wait3A_779] : memref<64x128x4x8x128xf32, #tpu.memory_space<hbm>> -> memref<1x4x4x8x128xf32, #tpu.memory_space<hbm>>
    %dma_wait3A_781 = tpu.memref_squeeze %dma_wait3A_780 : memref<1x4x4x8x128xf32, #tpu.memory_space<hbm>> -> memref<4x4x8x128xf32, #tpu.memory_space<hbm>>
    tpu.wait_dma2 semaphore(%arg5 : memref<!tpu.dma_semaphore, #tpu.memory_space<semaphore_mem>>) src(%arg4 : memref<4x4x8x128xf32, #tpu.memory_space<vmem>>) dst(%dma_wait3A_781 : memref<4x4x8x128xf32, #tpu.memory_space<hbm>>)
    %dma_wait3A_782 = arith.constant 7 : i32
    %dma_wait3A_783 = arith.constant 0 : i32
    %dma_wait3A_784 = arith.constant 0 : i32
    %dma_wait3A_785 = arith.constant 0 : i32
    %dma_wait3A_786 = tpu.memref_slice %arg3[%dma_wait3A_782, %mul3A_2, %dma_wait3A_783, %dma_wait3A_784, %dma_wait3A_785] : memref<64x128x4x8x128xf32, #tpu.memory_space<hbm>> -> memref<1x4x4x8x128xf32, #tpu.memory_space<hbm>>
    %dma_wait3A_787 = tpu.memref_squeeze %dma_wait3A_786 : memref<1x4x4x8x128xf32, #tpu.memory_space<hbm>> -> memref<4x4x8x128xf32, #tpu.memory_space<hbm>>
    %dma_wait3A_788 = arith.constant 0 : i32
    %dma_wait3A_789 = arith.constant 0 : i32
    %dma_wait3A_790 = arith.constant 0 : i32
    %dma_wait3A_791 = tpu.memref_slice %arg3[%dma_wait3A_782, %mul3A_2, %dma_wait3A_788, %dma_wait3A_789, %dma_wait3A_790] : memref<64x128x4x8x128xf32, #tpu.memory_space<hbm>> -> memref<1x4x4x8x128xf32, #tpu.memory_space<hbm>>
    %dma_wait3A_792 = tpu.memref_squeeze %dma_wait3A_791 : memref<1x4x4x8x128xf32, #tpu.memory_space<hbm>> -> memref<4x4x8x128xf32, #tpu.memory_space<hbm>>
    tpu.wait_dma2 semaphore(%arg5 : memref<!tpu.dma_semaphore, #tpu.memory_space<semaphore_mem>>) src(%arg4 : memref<4x4x8x128xf32, #tpu.memory_space<vmem>>) dst(%dma_wait3A_792 : memref<4x4x8x128xf32, #tpu.memory_space<hbm>>)
    %dma_wait3A_793 = arith.constant 8 : i32
    %dma_wait3A_794 = arith.constant 0 : i32
    %dma_wait3A_795 = arith.constant 0 : i32
    %dma_wait3A_796 = arith.constant 0 : i32
    %dma_wait3A_797 = tpu.memref_slice %arg3[%dma_wait3A_793, %mul3A_2, %dma_wait3A_794, %dma_wait3A_795, %dma_wait3A_796] : memref<64x128x4x8x128xf32, #tpu.memory_space<hbm>> -> memref<1x4x4x8x128xf32, #tpu.memory_space<hbm>>
    %dma_wait3A_798 = tpu.memref_squeeze %dma_wait3A_797 : memref<1x4x4x8x128xf32, #tpu.memory_space<hbm>> -> memref<4x4x8x128xf32, #tpu.memory_space<hbm>>
    %dma_wait3A_799 = arith.constant 0 : i32
    %dma_wait3A_800 = arith.constant 0 : i32
    %dma_wait3A_801 = arith.constant 0 : i32
    %dma_wait3A_802 = tpu.memref_slice %arg3[%dma_wait3A_793, %mul3A_2, %dma_wait3A_799, %dma_wait3A_800, %dma_wait3A_801] : memref<64x128x4x8x128xf32, #tpu.memory_space<hbm>> -> memref<1x4x4x8x128xf32, #tpu.memory_space<hbm>>
    %dma_wait3A_803 = tpu.memref_squeeze %dma_wait3A_802 : memref<1x4x4x8x128xf32, #tpu.memory_space<hbm>> -> memref<4x4x8x128xf32, #tpu.memory_space<hbm>>
    tpu.wait_dma2 semaphore(%arg5 : memref<!tpu.dma_semaphore, #tpu.memory_space<semaphore_mem>>) src(%arg4 : memref<4x4x8x128xf32, #tpu.memory_space<vmem>>) dst(%dma_wait3A_803 : memref<4x4x8x128xf32, #tpu.memory_space<hbm>>)
    %dma_wait3A_804 = arith.constant 9 : i32
    %dma_wait3A_805 = arith.constant 0 : i32
    %dma_wait3A_806 = arith.constant 0 : i32
    %dma_wait3A_807 = arith.constant 0 : i32
    %dma_wait3A_808 = tpu.memref_slice %arg3[%dma_wait3A_804, %mul3A_2, %dma_wait3A_805, %dma_wait3A_806, %dma_wait3A_807] : memref<64x128x4x8x128xf32, #tpu.memory_space<hbm>> -> memref<1x4x4x8x128xf32, #tpu.memory_space<hbm>>
    %dma_wait3A_809 = tpu.memref_squeeze %dma_wait3A_808 : memref<1x4x4x8x128xf32, #tpu.memory_space<hbm>> -> memref<4x4x8x128xf32, #tpu.memory_space<hbm>>
    %dma_wait3A_810 = arith.constant 0 : i32
    %dma_wait3A_811 = arith.constant 0 : i32
    %dma_wait3A_812 = arith.constant 0 : i32
    %dma_wait3A_813 = tpu.memref_slice %arg3[%dma_wait3A_804, %mul3A_2, %dma_wait3A_810, %dma_wait3A_811, %dma_wait3A_812] : memref<64x128x4x8x128xf32, #tpu.memory_space<hbm>> -> memref<1x4x4x8x128xf32, #tpu.memory_space<hbm>>
    %dma_wait3A_814 = tpu.memref_squeeze %dma_wait3A_813 : memref<1x4x4x8x128xf32, #tpu.memory_space<hbm>> -> memref<4x4x8x128xf32, #tpu.memory_space<hbm>>
    tpu.wait_dma2 semaphore(%arg5 : memref<!tpu.dma_semaphore, #tpu.memory_space<semaphore_mem>>) src(%arg4 : memref<4x4x8x128xf32, #tpu.memory_space<vmem>>) dst(%dma_wait3A_814 : memref<4x4x8x128xf32, #tpu.memory_space<hbm>>)
    %dma_wait3A_815 = arith.constant 10 : i32
    %dma_wait3A_816 = arith.constant 0 : i32
    %dma_wait3A_817 = arith.constant 0 : i32
    %dma_wait3A_818 = arith.constant 0 : i32
    %dma_wait3A_819 = tpu.memref_slice %arg3[%dma_wait3A_815, %mul3A_2, %dma_wait3A_816, %dma_wait3A_817, %dma_wait3A_818] : memref<64x128x4x8x128xf32, #tpu.memory_space<hbm>> -> memref<1x4x4x8x128xf32, #tpu.memory_space<hbm>>
    %dma_wait3A_820 = tpu.memref_squeeze %dma_wait3A_819 : memref<1x4x4x8x128xf32, #tpu.memory_space<hbm>> -> memref<4x4x8x128xf32, #tpu.memory_space<hbm>>
    %dma_wait3A_821 = arith.constant 0 : i32
    %dma_wait3A_822 = arith.constant 0 : i32
    %dma_wait3A_823 = arith.constant 0 : i32
    %dma_wait3A_824 = tpu.memref_slice %arg3[%dma_wait3A_815, %mul3A_2, %dma_wait3A_821, %dma_wait3A_822, %dma_wait3A_823] : memref<64x128x4x8x128xf32, #tpu.memory_space<hbm>> -> memref<1x4x4x8x128xf32, #tpu.memory_space<hbm>>
    %dma_wait3A_825 = tpu.memref_squeeze %dma_wait3A_824 : memref<1x4x4x8x128xf32, #tpu.memory_space<hbm>> -> memref<4x4x8x128xf32, #tpu.memory_space<hbm>>
    tpu.wait_dma2 semaphore(%arg5 : memref<!tpu.dma_semaphore, #tpu.memory_space<semaphore_mem>>) src(%arg4 : memref<4x4x8x128xf32, #tpu.memory_space<vmem>>) dst(%dma_wait3A_825 : memref<4x4x8x128xf32, #tpu.memory_space<hbm>>)
    %dma_wait3A_826 = arith.constant 11 : i32
    %dma_wait3A_827 = arith.constant 0 : i32
    %dma_wait3A_828 = arith.constant 0 : i32
    %dma_wait3A_829 = arith.constant 0 : i32
    %dma_wait3A_830 = tpu.memref_slice %arg3[%dma_wait3A_826, %mul3A_2, %dma_wait3A_827, %dma_wait3A_828, %dma_wait3A_829] : memref<64x128x4x8x128xf32, #tpu.memory_space<hbm>> -> memref<1x4x4x8x128xf32, #tpu.memory_space<hbm>>
    %dma_wait3A_831 = tpu.memref_squeeze %dma_wait3A_830 : memref<1x4x4x8x128xf32, #tpu.memory_space<hbm>> -> memref<4x4x8x128xf32, #tpu.memory_space<hbm>>
    %dma_wait3A_832 = arith.constant 0 : i32
    %dma_wait3A_833 = arith.constant 0 : i32
    %dma_wait3A_834 = arith.constant 0 : i32
    %dma_wait3A_835 = tpu.memref_slice %arg3[%dma_wait3A_826, %mul3A_2, %dma_wait3A_832, %dma_wait3A_833, %dma_wait3A_834] : memref<64x128x4x8x128xf32, #tpu.memory_space<hbm>> -> memref<1x4x4x8x128xf32, #tpu.memory_space<hbm>>
    %dma_wait3A_836 = tpu.memref_squeeze %dma_wait3A_835 : memref<1x4x4x8x128xf32, #tpu.memory_space<hbm>> -> memref<4x4x8x128xf32, #tpu.memory_space<hbm>>
    tpu.wait_dma2 semaphore(%arg5 : memref<!tpu.dma_semaphore, #tpu.memory_space<semaphore_mem>>) src(%arg4 : memref<4x4x8x128xf32, #tpu.memory_space<vmem>>) dst(%dma_wait3A_836 : memref<4x4x8x128xf32, #tpu.memory_space<hbm>>)
    %dma_wait3A_837 = arith.constant 12 : i32
    %dma_wait3A_838 = arith.constant 0 : i32
    %dma_wait3A_839 = arith.constant 0 : i32
    %dma_wait3A_840 = arith.constant 0 : i32
    %dma_wait3A_841 = tpu.memref_slice %arg3[%dma_wait3A_837, %mul3A_2, %dma_wait3A_838, %dma_wait3A_839, %dma_wait3A_840] : memref<64x128x4x8x128xf32, #tpu.memory_space<hbm>> -> memref<1x4x4x8x128xf32, #tpu.memory_space<hbm>>
    %dma_wait3A_842 = tpu.memref_squeeze %dma_wait3A_841 : memref<1x4x4x8x128xf32, #tpu.memory_space<hbm>> -> memref<4x4x8x128xf32, #tpu.memory_space<hbm>>
    %dma_wait3A_843 = arith.constant 0 : i32
    %dma_wait3A_844 = arith.constant 0 : i32
    %dma_wait3A_845 = arith.constant 0 : i32
    %dma_wait3A_846 = tpu.memref_slice %arg3[%dma_wait3A_837, %mul3A_2, %dma_wait3A_843, %dma_wait3A_844, %dma_wait3A_845] : memref<64x128x4x8x128xf32, #tpu.memory_space<hbm>> -> memref<1x4x4x8x128xf32, #tpu.memory_space<hbm>>
    %dma_wait3A_847 = tpu.memref_squeeze %dma_wait3A_846 : memref<1x4x4x8x128xf32, #tpu.memory_space<hbm>> -> memref<4x4x8x128xf32, #tpu.memory_space<hbm>>
    tpu.wait_dma2 semaphore(%arg5 : memref<!tpu.dma_semaphore, #tpu.memory_space<semaphore_mem>>) src(%arg4 : memref<4x4x8x128xf32, #tpu.memory_space<vmem>>) dst(%dma_wait3A_847 : memref<4x4x8x128xf32, #tpu.memory_space<hbm>>)
    %dma_wait3A_848 = arith.constant 13 : i32
    %dma_wait3A_849 = arith.constant 0 : i32
    %dma_wait3A_850 = arith.constant 0 : i32
    %dma_wait3A_851 = arith.constant 0 : i32
    %dma_wait3A_852 = tpu.memref_slice %arg3[%dma_wait3A_848, %mul3A_2, %dma_wait3A_849, %dma_wait3A_850, %dma_wait3A_851] : memref<64x128x4x8x128xf32, #tpu.memory_space<hbm>> -> memref<1x4x4x8x128xf32, #tpu.memory_space<hbm>>
    %dma_wait3A_853 = tpu.memref_squeeze %dma_wait3A_852 : memref<1x4x4x8x128xf32, #tpu.memory_space<hbm>> -> memref<4x4x8x128xf32, #tpu.memory_space<hbm>>
    %dma_wait3A_854 = arith.constant 0 : i32
    %dma_wait3A_855 = arith.constant 0 : i32
    %dma_wait3A_856 = arith.constant 0 : i32
    %dma_wait3A_857 = tpu.memref_slice %arg3[%dma_wait3A_848, %mul3A_2, %dma_wait3A_854, %dma_wait3A_855, %dma_wait3A_856] : memref<64x128x4x8x128xf32, #tpu.memory_space<hbm>> -> memref<1x4x4x8x128xf32, #tpu.memory_space<hbm>>
    %dma_wait3A_858 = tpu.memref_squeeze %dma_wait3A_857 : memref<1x4x4x8x128xf32, #tpu.memory_space<hbm>> -> memref<4x4x8x128xf32, #tpu.memory_space<hbm>>
    tpu.wait_dma2 semaphore(%arg5 : memref<!tpu.dma_semaphore, #tpu.memory_space<semaphore_mem>>) src(%arg4 : memref<4x4x8x128xf32, #tpu.memory_space<vmem>>) dst(%dma_wait3A_858 : memref<4x4x8x128xf32, #tpu.memory_space<hbm>>)
    %dma_wait3A_859 = arith.constant 14 : i32
    %dma_wait3A_860 = arith.constant 0 : i32
    %dma_wait3A_861 = arith.constant 0 : i32
    %dma_wait3A_862 = arith.constant 0 : i32
    %dma_wait3A_863 = tpu.memref_slice %arg3[%dma_wait3A_859, %mul3A_2, %dma_wait3A_860, %dma_wait3A_861, %dma_wait3A_862] : memref<64x128x4x8x128xf32, #tpu.memory_space<hbm>> -> memref<1x4x4x8x128xf32, #tpu.memory_space<hbm>>
    %dma_wait3A_864 = tpu.memref_squeeze %dma_wait3A_863 : memref<1x4x4x8x128xf32, #tpu.memory_space<hbm>> -> memref<4x4x8x128xf32, #tpu.memory_space<hbm>>
    %dma_wait3A_865 = arith.constant 0 : i32
    %dma_wait3A_866 = arith.constant 0 : i32
    %dma_wait3A_867 = arith.constant 0 : i32
    %dma_wait3A_868 = tpu.memref_slice %arg3[%dma_wait3A_859, %mul3A_2, %dma_wait3A_865, %dma_wait3A_866, %dma_wait3A_867] : memref<64x128x4x8x128xf32, #tpu.memory_space<hbm>> -> memref<1x4x4x8x128xf32, #tpu.memory_space<hbm>>
    %dma_wait3A_869 = tpu.memref_squeeze %dma_wait3A_868 : memref<1x4x4x8x128xf32, #tpu.memory_space<hbm>> -> memref<4x4x8x128xf32, #tpu.memory_space<hbm>>
    tpu.wait_dma2 semaphore(%arg5 : memref<!tpu.dma_semaphore, #tpu.memory_space<semaphore_mem>>) src(%arg4 : memref<4x4x8x128xf32, #tpu.memory_space<vmem>>) dst(%dma_wait3A_869 : memref<4x4x8x128xf32, #tpu.memory_space<hbm>>)
    %dma_wait3A_870 = arith.constant 15 : i32
    %dma_wait3A_871 = arith.constant 0 : i32
    %dma_wait3A_872 = arith.constant 0 : i32
    %dma_wait3A_873 = arith.constant 0 : i32
    %dma_wait3A_874 = tpu.memref_slice %arg3[%dma_wait3A_870, %mul3A_2, %dma_wait3A_871, %dma_wait3A_872, %dma_wait3A_873] : memref<64x128x4x8x128xf32, #tpu.memory_space<hbm>> -> memref<1x4x4x8x128xf32, #tpu.memory_space<hbm>>
    %dma_wait3A_875 = tpu.memref_squeeze %dma_wait3A_874 : memref<1x4x4x8x128xf32, #tpu.memory_space<hbm>> -> memref<4x4x8x128xf32, #tpu.memory_space<hbm>>
    %dma_wait3A_876 = arith.constant 0 : i32
    %dma_wait3A_877 = arith.constant 0 : i32
    %dma_wait3A_878 = arith.constant 0 : i32
    %dma_wait3A_879 = tpu.memref_slice %arg3[%dma_wait3A_870, %mul3A_2, %dma_wait3A_876, %dma_wait3A_877, %dma_wait3A_878] : memref<64x128x4x8x128xf32, #tpu.memory_space<hbm>> -> memref<1x4x4x8x128xf32, #tpu.memory_space<hbm>>
    %dma_wait3A_880 = tpu.memref_squeeze %dma_wait3A_879 : memref<1x4x4x8x128xf32, #tpu.memory_space<hbm>> -> memref<4x4x8x128xf32, #tpu.memory_space<hbm>>
    tpu.wait_dma2 semaphore(%arg5 : memref<!tpu.dma_semaphore, #tpu.memory_space<semaphore_mem>>) src(%arg4 : memref<4x4x8x128xf32, #tpu.memory_space<vmem>>) dst(%dma_wait3A_880 : memref<4x4x8x128xf32, #tpu.memory_space<hbm>>)
    %dma_wait3A_881 = arith.constant 16 : i32
    %dma_wait3A_882 = arith.constant 0 : i32
    %dma_wait3A_883 = arith.constant 0 : i32
    %dma_wait3A_884 = arith.constant 0 : i32
    %dma_wait3A_885 = tpu.memref_slice %arg3[%dma_wait3A_881, %mul3A_2, %dma_wait3A_882, %dma_wait3A_883, %dma_wait3A_884] : memref<64x128x4x8x128xf32, #tpu.memory_space<hbm>> -> memref<1x4x4x8x128xf32, #tpu.memory_space<hbm>>
    %dma_wait3A_886 = tpu.memref_squeeze %dma_wait3A_885 : memref<1x4x4x8x128xf32, #tpu.memory_space<hbm>> -> memref<4x4x8x128xf32, #tpu.memory_space<hbm>>
    %dma_wait3A_887 = arith.constant 0 : i32
    %dma_wait3A_888 = arith.constant 0 : i32
    %dma_wait3A_889 = arith.constant 0 : i32
    %dma_wait3A_890 = tpu.memref_slice %arg3[%dma_wait3A_881, %mul3A_2, %dma_wait3A_887, %dma_wait3A_888, %dma_wait3A_889] : memref<64x128x4x8x128xf32, #tpu.memory_space<hbm>> -> memref<1x4x4x8x128xf32, #tpu.memory_space<hbm>>
    %dma_wait3A_891 = tpu.memref_squeeze %dma_wait3A_890 : memref<1x4x4x8x128xf32, #tpu.memory_space<hbm>> -> memref<4x4x8x128xf32, #tpu.memory_space<hbm>>
    tpu.wait_dma2 semaphore(%arg5 : memref<!tpu.dma_semaphore, #tpu.memory_space<semaphore_mem>>) src(%arg4 : memref<4x4x8x128xf32, #tpu.memory_space<vmem>>) dst(%dma_wait3A_891 : memref<4x4x8x128xf32, #tpu.memory_space<hbm>>)
    %dma_wait3A_892 = arith.constant 17 : i32
    %dma_wait3A_893 = arith.constant 0 : i32
    %dma_wait3A_894 = arith.constant 0 : i32
    %dma_wait3A_895 = arith.constant 0 : i32
    %dma_wait3A_896 = tpu.memref_slice %arg3[%dma_wait3A_892, %mul3A_2, %dma_wait3A_893, %dma_wait3A_894, %dma_wait3A_895] : memref<64x128x4x8x128xf32, #tpu.memory_space<hbm>> -> memref<1x4x4x8x128xf32, #tpu.memory_space<hbm>>
    %dma_wait3A_897 = tpu.memref_squeeze %dma_wait3A_896 : memref<1x4x4x8x128xf32, #tpu.memory_space<hbm>> -> memref<4x4x8x128xf32, #tpu.memory_space<hbm>>
    %dma_wait3A_898 = arith.constant 0 : i32
    %dma_wait3A_899 = arith.constant 0 : i32
    %dma_wait3A_900 = arith.constant 0 : i32
    %dma_wait3A_901 = tpu.memref_slice %arg3[%dma_wait3A_892, %mul3A_2, %dma_wait3A_898, %dma_wait3A_899, %dma_wait3A_900] : memref<64x128x4x8x128xf32, #tpu.memory_space<hbm>> -> memref<1x4x4x8x128xf32, #tpu.memory_space<hbm>>
    %dma_wait3A_902 = tpu.memref_squeeze %dma_wait3A_901 : memref<1x4x4x8x128xf32, #tpu.memory_space<hbm>> -> memref<4x4x8x128xf32, #tpu.memory_space<hbm>>
    tpu.wait_dma2 semaphore(%arg5 : memref<!tpu.dma_semaphore, #tpu.memory_space<semaphore_mem>>) src(%arg4 : memref<4x4x8x128xf32, #tpu.memory_space<vmem>>) dst(%dma_wait3A_902 : memref<4x4x8x128xf32, #tpu.memory_space<hbm>>)
    %dma_wait3A_903 = arith.constant 18 : i32
    %dma_wait3A_904 = arith.constant 0 : i32
    %dma_wait3A_905 = arith.constant 0 : i32
    %dma_wait3A_906 = arith.constant 0 : i32
    %dma_wait3A_907 = tpu.memref_slice %arg3[%dma_wait3A_903, %mul3A_2, %dma_wait3A_904, %dma_wait3A_905, %dma_wait3A_906] : memref<64x128x4x8x128xf32, #tpu.memory_space<hbm>> -> memref<1x4x4x8x128xf32, #tpu.memory_space<hbm>>
    %dma_wait3A_908 = tpu.memref_squeeze %dma_wait3A_907 : memref<1x4x4x8x128xf32, #tpu.memory_space<hbm>> -> memref<4x4x8x128xf32, #tpu.memory_space<hbm>>
    %dma_wait3A_909 = arith.constant 0 : i32
    %dma_wait3A_910 = arith.constant 0 : i32
    %dma_wait3A_911 = arith.constant 0 : i32
    %dma_wait3A_912 = tpu.memref_slice %arg3[%dma_wait3A_903, %mul3A_2, %dma_wait3A_909, %dma_wait3A_910, %dma_wait3A_911] : memref<64x128x4x8x128xf32, #tpu.memory_space<hbm>> -> memref<1x4x4x8x128xf32, #tpu.memory_space<hbm>>
    %dma_wait3A_913 = tpu.memref_squeeze %dma_wait3A_912 : memref<1x4x4x8x128xf32, #tpu.memory_space<hbm>> -> memref<4x4x8x128xf32, #tpu.memory_space<hbm>>
    tpu.wait_dma2 semaphore(%arg5 : memref<!tpu.dma_semaphore, #tpu.memory_space<semaphore_mem>>) src(%arg4 : memref<4x4x8x128xf32, #tpu.memory_space<vmem>>) dst(%dma_wait3A_913 : memref<4x4x8x128xf32, #tpu.memory_space<hbm>>)
    %dma_wait3A_914 = arith.constant 19 : i32
    %dma_wait3A_915 = arith.constant 0 : i32
    %dma_wait3A_916 = arith.constant 0 : i32
    %dma_wait3A_917 = arith.constant 0 : i32
    %dma_wait3A_918 = tpu.memref_slice %arg3[%dma_wait3A_914, %mul3A_2, %dma_wait3A_915, %dma_wait3A_916, %dma_wait3A_917] : memref<64x128x4x8x128xf32, #tpu.memory_space<hbm>> -> memref<1x4x4x8x128xf32, #tpu.memory_space<hbm>>
    %dma_wait3A_919 = tpu.memref_squeeze %dma_wait3A_918 : memref<1x4x4x8x128xf32, #tpu.memory_space<hbm>> -> memref<4x4x8x128xf32, #tpu.memory_space<hbm>>
    %dma_wait3A_920 = arith.constant 0 : i32
    %dma_wait3A_921 = arith.constant 0 : i32
    %dma_wait3A_922 = arith.constant 0 : i32
    %dma_wait3A_923 = tpu.memref_slice %arg3[%dma_wait3A_914, %mul3A_2, %dma_wait3A_920, %dma_wait3A_921, %dma_wait3A_922] : memref<64x128x4x8x128xf32, #tpu.memory_space<hbm>> -> memref<1x4x4x8x128xf32, #tpu.memory_space<hbm>>
    %dma_wait3A_924 = tpu.memref_squeeze %dma_wait3A_923 : memref<1x4x4x8x128xf32, #tpu.memory_space<hbm>> -> memref<4x4x8x128xf32, #tpu.memory_space<hbm>>
    tpu.wait_dma2 semaphore(%arg5 : memref<!tpu.dma_semaphore, #tpu.memory_space<semaphore_mem>>) src(%arg4 : memref<4x4x8x128xf32, #tpu.memory_space<vmem>>) dst(%dma_wait3A_924 : memref<4x4x8x128xf32, #tpu.memory_space<hbm>>)
    %dma_wait3A_925 = arith.constant 20 : i32
    %dma_wait3A_926 = arith.constant 0 : i32
    %dma_wait3A_927 = arith.constant 0 : i32
    %dma_wait3A_928 = arith.constant 0 : i32
    %dma_wait3A_929 = tpu.memref_slice %arg3[%dma_wait3A_925, %mul3A_2, %dma_wait3A_926, %dma_wait3A_927, %dma_wait3A_928] : memref<64x128x4x8x128xf32, #tpu.memory_space<hbm>> -> memref<1x4x4x8x128xf32, #tpu.memory_space<hbm>>
    %dma_wait3A_930 = tpu.memref_squeeze %dma_wait3A_929 : memref<1x4x4x8x128xf32, #tpu.memory_space<hbm>> -> memref<4x4x8x128xf32, #tpu.memory_space<hbm>>
    %dma_wait3A_931 = arith.constant 0 : i32
    %dma_wait3A_932 = arith.constant 0 : i32
    %dma_wait3A_933 = arith.constant 0 : i32
    %dma_wait3A_934 = tpu.memref_slice %arg3[%dma_wait3A_925, %mul3A_2, %dma_wait3A_931, %dma_wait3A_932, %dma_wait3A_933] : memref<64x128x4x8x128xf32, #tpu.memory_space<hbm>> -> memref<1x4x4x8x128xf32, #tpu.memory_space<hbm>>
    %dma_wait3A_935 = tpu.memref_squeeze %dma_wait3A_934 : memref<1x4x4x8x128xf32, #tpu.memory_space<hbm>> -> memref<4x4x8x128xf32, #tpu.memory_space<hbm>>
    tpu.wait_dma2 semaphore(%arg5 : memref<!tpu.dma_semaphore, #tpu.memory_space<semaphore_mem>>) src(%arg4 : memref<4x4x8x128xf32, #tpu.memory_space<vmem>>) dst(%dma_wait3A_935 : memref<4x4x8x128xf32, #tpu.memory_space<hbm>>)
    %dma_wait3A_936 = arith.constant 21 : i32
    %dma_wait3A_937 = arith.constant 0 : i32
    %dma_wait3A_938 = arith.constant 0 : i32
    %dma_wait3A_939 = arith.constant 0 : i32
    %dma_wait3A_940 = tpu.memref_slice %arg3[%dma_wait3A_936, %mul3A_2, %dma_wait3A_937, %dma_wait3A_938, %dma_wait3A_939] : memref<64x128x4x8x128xf32, #tpu.memory_space<hbm>> -> memref<1x4x4x8x128xf32, #tpu.memory_space<hbm>>
    %dma_wait3A_941 = tpu.memref_squeeze %dma_wait3A_940 : memref<1x4x4x8x128xf32, #tpu.memory_space<hbm>> -> memref<4x4x8x128xf32, #tpu.memory_space<hbm>>
    %dma_wait3A_942 = arith.constant 0 : i32
    %dma_wait3A_943 = arith.constant 0 : i32
    %dma_wait3A_944 = arith.constant 0 : i32
    %dma_wait3A_945 = tpu.memref_slice %arg3[%dma_wait3A_936, %mul3A_2, %dma_wait3A_942, %dma_wait3A_943, %dma_wait3A_944] : memref<64x128x4x8x128xf32, #tpu.memory_space<hbm>> -> memref<1x4x4x8x128xf32, #tpu.memory_space<hbm>>
    %dma_wait3A_946 = tpu.memref_squeeze %dma_wait3A_945 : memref<1x4x4x8x128xf32, #tpu.memory_space<hbm>> -> memref<4x4x8x128xf32, #tpu.memory_space<hbm>>
    tpu.wait_dma2 semaphore(%arg5 : memref<!tpu.dma_semaphore, #tpu.memory_space<semaphore_mem>>) src(%arg4 : memref<4x4x8x128xf32, #tpu.memory_space<vmem>>) dst(%dma_wait3A_946 : memref<4x4x8x128xf32, #tpu.memory_space<hbm>>)
    %dma_wait3A_947 = arith.constant 22 : i32
    %dma_wait3A_948 = arith.constant 0 : i32
    %dma_wait3A_949 = arith.constant 0 : i32
    %dma_wait3A_950 = arith.constant 0 : i32
    %dma_wait3A_951 = tpu.memref_slice %arg3[%dma_wait3A_947, %mul3A_2, %dma_wait3A_948, %dma_wait3A_949, %dma_wait3A_950] : memref<64x128x4x8x128xf32, #tpu.memory_space<hbm>> -> memref<1x4x4x8x128xf32, #tpu.memory_space<hbm>>
    %dma_wait3A_952 = tpu.memref_squeeze %dma_wait3A_951 : memref<1x4x4x8x128xf32, #tpu.memory_space<hbm>> -> memref<4x4x8x128xf32, #tpu.memory_space<hbm>>
    %dma_wait3A_953 = arith.constant 0 : i32
    %dma_wait3A_954 = arith.constant 0 : i32
    %dma_wait3A_955 = arith.constant 0 : i32
    %dma_wait3A_956 = tpu.memref_slice %arg3[%dma_wait3A_947, %mul3A_2, %dma_wait3A_953, %dma_wait3A_954, %dma_wait3A_955] : memref<64x128x4x8x128xf32, #tpu.memory_space<hbm>> -> memref<1x4x4x8x128xf32, #tpu.memory_space<hbm>>
    %dma_wait3A_957 = tpu.memref_squeeze %dma_wait3A_956 : memref<1x4x4x8x128xf32, #tpu.memory_space<hbm>> -> memref<4x4x8x128xf32, #tpu.memory_space<hbm>>
    tpu.wait_dma2 semaphore(%arg5 : memref<!tpu.dma_semaphore, #tpu.memory_space<semaphore_mem>>) src(%arg4 : memref<4x4x8x128xf32, #tpu.memory_space<vmem>>) dst(%dma_wait3A_957 : memref<4x4x8x128xf32, #tpu.memory_space<hbm>>)
    %dma_wait3A_958 = arith.constant 23 : i32
    %dma_wait3A_959 = arith.constant 0 : i32
    %dma_wait3A_960 = arith.constant 0 : i32
    %dma_wait3A_961 = arith.constant 0 : i32
    %dma_wait3A_962 = tpu.memref_slice %arg3[%dma_wait3A_958, %mul3A_2, %dma_wait3A_959, %dma_wait3A_960, %dma_wait3A_961] : memref<64x128x4x8x128xf32, #tpu.memory_space<hbm>> -> memref<1x4x4x8x128xf32, #tpu.memory_space<hbm>>
    %dma_wait3A_963 = tpu.memref_squeeze %dma_wait3A_962 : memref<1x4x4x8x128xf32, #tpu.memory_space<hbm>> -> memref<4x4x8x128xf32, #tpu.memory_space<hbm>>
    %dma_wait3A_964 = arith.constant 0 : i32
    %dma_wait3A_965 = arith.constant 0 : i32
    %dma_wait3A_966 = arith.constant 0 : i32
    %dma_wait3A_967 = tpu.memref_slice %arg3[%dma_wait3A_958, %mul3A_2, %dma_wait3A_964, %dma_wait3A_965, %dma_wait3A_966] : memref<64x128x4x8x128xf32, #tpu.memory_space<hbm>> -> memref<1x4x4x8x128xf32, #tpu.memory_space<hbm>>
    %dma_wait3A_968 = tpu.memref_squeeze %dma_wait3A_967 : memref<1x4x4x8x128xf32, #tpu.memory_space<hbm>> -> memref<4x4x8x128xf32, #tpu.memory_space<hbm>>
    tpu.wait_dma2 semaphore(%arg5 : memref<!tpu.dma_semaphore, #tpu.memory_space<semaphore_mem>>) src(%arg4 : memref<4x4x8x128xf32, #tpu.memory_space<vmem>>) dst(%dma_wait3A_968 : memref<4x4x8x128xf32, #tpu.memory_space<hbm>>)
    %dma_wait3A_969 = arith.constant 24 : i32
    %dma_wait3A_970 = arith.constant 0 : i32
    %dma_wait3A_971 = arith.constant 0 : i32
    %dma_wait3A_972 = arith.constant 0 : i32
    %dma_wait3A_973 = tpu.memref_slice %arg3[%dma_wait3A_969, %mul3A_2, %dma_wait3A_970, %dma_wait3A_971, %dma_wait3A_972] : memref<64x128x4x8x128xf32, #tpu.memory_space<hbm>> -> memref<1x4x4x8x128xf32, #tpu.memory_space<hbm>>
    %dma_wait3A_974 = tpu.memref_squeeze %dma_wait3A_973 : memref<1x4x4x8x128xf32, #tpu.memory_space<hbm>> -> memref<4x4x8x128xf32, #tpu.memory_space<hbm>>
    %dma_wait3A_975 = arith.constant 0 : i32
    %dma_wait3A_976 = arith.constant 0 : i32
    %dma_wait3A_977 = arith.constant 0 : i32
    %dma_wait3A_978 = tpu.memref_slice %arg3[%dma_wait3A_969, %mul3A_2, %dma_wait3A_975, %dma_wait3A_976, %dma_wait3A_977] : memref<64x128x4x8x128xf32, #tpu.memory_space<hbm>> -> memref<1x4x4x8x128xf32, #tpu.memory_space<hbm>>
    %dma_wait3A_979 = tpu.memref_squeeze %dma_wait3A_978 : memref<1x4x4x8x128xf32, #tpu.memory_space<hbm>> -> memref<4x4x8x128xf32, #tpu.memory_space<hbm>>
    tpu.wait_dma2 semaphore(%arg5 : memref<!tpu.dma_semaphore, #tpu.memory_space<semaphore_mem>>) src(%arg4 : memref<4x4x8x128xf32, #tpu.memory_space<vmem>>) dst(%dma_wait3A_979 : memref<4x4x8x128xf32, #tpu.memory_space<hbm>>)
    %dma_wait3A_980 = arith.constant 25 : i32
    %dma_wait3A_981 = arith.constant 0 : i32
    %dma_wait3A_982 = arith.constant 0 : i32
    %dma_wait3A_983 = arith.constant 0 : i32
    %dma_wait3A_984 = tpu.memref_slice %arg3[%dma_wait3A_980, %mul3A_2, %dma_wait3A_981, %dma_wait3A_982, %dma_wait3A_983] : memref<64x128x4x8x128xf32, #tpu.memory_space<hbm>> -> memref<1x4x4x8x128xf32, #tpu.memory_space<hbm>>
    %dma_wait3A_985 = tpu.memref_squeeze %dma_wait3A_984 : memref<1x4x4x8x128xf32, #tpu.memory_space<hbm>> -> memref<4x4x8x128xf32, #tpu.memory_space<hbm>>
    %dma_wait3A_986 = arith.constant 0 : i32
    %dma_wait3A_987 = arith.constant 0 : i32
    %dma_wait3A_988 = arith.constant 0 : i32
    %dma_wait3A_989 = tpu.memref_slice %arg3[%dma_wait3A_980, %mul3A_2, %dma_wait3A_986, %dma_wait3A_987, %dma_wait3A_988] : memref<64x128x4x8x128xf32, #tpu.memory_space<hbm>> -> memref<1x4x4x8x128xf32, #tpu.memory_space<hbm>>
    %dma_wait3A_990 = tpu.memref_squeeze %dma_wait3A_989 : memref<1x4x4x8x128xf32, #tpu.memory_space<hbm>> -> memref<4x4x8x128xf32, #tpu.memory_space<hbm>>
    tpu.wait_dma2 semaphore(%arg5 : memref<!tpu.dma_semaphore, #tpu.memory_space<semaphore_mem>>) src(%arg4 : memref<4x4x8x128xf32, #tpu.memory_space<vmem>>) dst(%dma_wait3A_990 : memref<4x4x8x128xf32, #tpu.memory_space<hbm>>)
    %dma_wait3A_991 = arith.constant 26 : i32
    %dma_wait3A_992 = arith.constant 0 : i32
    %dma_wait3A_993 = arith.constant 0 : i32
    %dma_wait3A_994 = arith.constant 0 : i32
    %dma_wait3A_995 = tpu.memref_slice %arg3[%dma_wait3A_991, %mul3A_2, %dma_wait3A_992, %dma_wait3A_993, %dma_wait3A_994] : memref<64x128x4x8x128xf32, #tpu.memory_space<hbm>> -> memref<1x4x4x8x128xf32, #tpu.memory_space<hbm>>
    %dma_wait3A_996 = tpu.memref_squeeze %dma_wait3A_995 : memref<1x4x4x8x128xf32, #tpu.memory_space<hbm>> -> memref<4x4x8x128xf32, #tpu.memory_space<hbm>>
    %dma_wait3A_997 = arith.constant 0 : i32
    %dma_wait3A_998 = arith.constant 0 : i32
    %dma_wait3A_999 = arith.constant 0 : i32
    %dma_wait3A_1000 = tpu.memref_slice %arg3[%dma_wait3A_991, %mul3A_2, %dma_wait3A_997, %dma_wait3A_998, %dma_wait3A_999] : memref<64x128x4x8x128xf32, #tpu.memory_space<hbm>> -> memref<1x4x4x8x128xf32, #tpu.memory_space<hbm>>
    %dma_wait3A_1001 = tpu.memref_squeeze %dma_wait3A_1000 : memref<1x4x4x8x128xf32, #tpu.memory_space<hbm>> -> memref<4x4x8x128xf32, #tpu.memory_space<hbm>>
    tpu.wait_dma2 semaphore(%arg5 : memref<!tpu.dma_semaphore, #tpu.memory_space<semaphore_mem>>) src(%arg4 : memref<4x4x8x128xf32, #tpu.memory_space<vmem>>) dst(%dma_wait3A_1001 : memref<4x4x8x128xf32, #tpu.memory_space<hbm>>)
    %dma_wait3A_1002 = arith.constant 27 : i32
    %dma_wait3A_1003 = arith.constant 0 : i32
    %dma_wait3A_1004 = arith.constant 0 : i32
    %dma_wait3A_1005 = arith.constant 0 : i32
    %dma_wait3A_1006 = tpu.memref_slice %arg3[%dma_wait3A_1002, %mul3A_2, %dma_wait3A_1003, %dma_wait3A_1004, %dma_wait3A_1005] : memref<64x128x4x8x128xf32, #tpu.memory_space<hbm>> -> memref<1x4x4x8x128xf32, #tpu.memory_space<hbm>>
    %dma_wait3A_1007 = tpu.memref_squeeze %dma_wait3A_1006 : memref<1x4x4x8x128xf32, #tpu.memory_space<hbm>> -> memref<4x4x8x128xf32, #tpu.memory_space<hbm>>
    %dma_wait3A_1008 = arith.constant 0 : i32
    %dma_wait3A_1009 = arith.constant 0 : i32
    %dma_wait3A_1010 = arith.constant 0 : i32
    %dma_wait3A_1011 = tpu.memref_slice %arg3[%dma_wait3A_1002, %mul3A_2, %dma_wait3A_1008, %dma_wait3A_1009, %dma_wait3A_1010] : memref<64x128x4x8x128xf32, #tpu.memory_space<hbm>> -> memref<1x4x4x8x128xf32, #tpu.memory_space<hbm>>
    %dma_wait3A_1012 = tpu.memref_squeeze %dma_wait3A_1011 : memref<1x4x4x8x128xf32, #tpu.memory_space<hbm>> -> memref<4x4x8x128xf32, #tpu.memory_space<hbm>>
    tpu.wait_dma2 semaphore(%arg5 : memref<!tpu.dma_semaphore, #tpu.memory_space<semaphore_mem>>) src(%arg4 : memref<4x4x8x128xf32, #tpu.memory_space<vmem>>) dst(%dma_wait3A_1012 : memref<4x4x8x128xf32, #tpu.memory_space<hbm>>)
    %dma_wait3A_1013 = arith.constant 28 : i32
    %dma_wait3A_1014 = arith.constant 0 : i32
    %dma_wait3A_1015 = arith.constant 0 : i32
    %dma_wait3A_1016 = arith.constant 0 : i32
    %dma_wait3A_1017 = tpu.memref_slice %arg3[%dma_wait3A_1013, %mul3A_2, %dma_wait3A_1014, %dma_wait3A_1015, %dma_wait3A_1016] : memref<64x128x4x8x128xf32, #tpu.memory_space<hbm>> -> memref<1x4x4x8x128xf32, #tpu.memory_space<hbm>>
    %dma_wait3A_1018 = tpu.memref_squeeze %dma_wait3A_1017 : memref<1x4x4x8x128xf32, #tpu.memory_space<hbm>> -> memref<4x4x8x128xf32, #tpu.memory_space<hbm>>
    %dma_wait3A_1019 = arith.constant 0 : i32
    %dma_wait3A_1020 = arith.constant 0 : i32
    %dma_wait3A_1021 = arith.constant 0 : i32
    %dma_wait3A_1022 = tpu.memref_slice %arg3[%dma_wait3A_1013, %mul3A_2, %dma_wait3A_1019, %dma_wait3A_1020, %dma_wait3A_1021] : memref<64x128x4x8x128xf32, #tpu.memory_space<hbm>> -> memref<1x4x4x8x128xf32, #tpu.memory_space<hbm>>
    %dma_wait3A_1023 = tpu.memref_squeeze %dma_wait3A_1022 : memref<1x4x4x8x128xf32, #tpu.memory_space<hbm>> -> memref<4x4x8x128xf32, #tpu.memory_space<hbm>>
    tpu.wait_dma2 semaphore(%arg5 : memref<!tpu.dma_semaphore, #tpu.memory_space<semaphore_mem>>) src(%arg4 : memref<4x4x8x128xf32, #tpu.memory_space<vmem>>) dst(%dma_wait3A_1023 : memref<4x4x8x128xf32, #tpu.memory_space<hbm>>)
    %dma_wait3A_1024 = arith.constant 29 : i32
    %dma_wait3A_1025 = arith.constant 0 : i32
    %dma_wait3A_1026 = arith.constant 0 : i32
    %dma_wait3A_1027 = arith.constant 0 : i32
    %dma_wait3A_1028 = tpu.memref_slice %arg3[%dma_wait3A_1024, %mul3A_2, %dma_wait3A_1025, %dma_wait3A_1026, %dma_wait3A_1027] : memref<64x128x4x8x128xf32, #tpu.memory_space<hbm>> -> memref<1x4x4x8x128xf32, #tpu.memory_space<hbm>>
    %dma_wait3A_1029 = tpu.memref_squeeze %dma_wait3A_1028 : memref<1x4x4x8x128xf32, #tpu.memory_space<hbm>> -> memref<4x4x8x128xf32, #tpu.memory_space<hbm>>
    %dma_wait3A_1030 = arith.constant 0 : i32
    %dma_wait3A_1031 = arith.constant 0 : i32
    %dma_wait3A_1032 = arith.constant 0 : i32
    %dma_wait3A_1033 = tpu.memref_slice %arg3[%dma_wait3A_1024, %mul3A_2, %dma_wait3A_1030, %dma_wait3A_1031, %dma_wait3A_1032] : memref<64x128x4x8x128xf32, #tpu.memory_space<hbm>> -> memref<1x4x4x8x128xf32, #tpu.memory_space<hbm>>
    %dma_wait3A_1034 = tpu.memref_squeeze %dma_wait3A_1033 : memref<1x4x4x8x128xf32, #tpu.memory_space<hbm>> -> memref<4x4x8x128xf32, #tpu.memory_space<hbm>>
    tpu.wait_dma2 semaphore(%arg5 : memref<!tpu.dma_semaphore, #tpu.memory_space<semaphore_mem>>) src(%arg4 : memref<4x4x8x128xf32, #tpu.memory_space<vmem>>) dst(%dma_wait3A_1034 : memref<4x4x8x128xf32, #tpu.memory_space<hbm>>)
    %dma_wait3A_1035 = arith.constant 30 : i32
    %dma_wait3A_1036 = arith.constant 0 : i32
    %dma_wait3A_1037 = arith.constant 0 : i32
    %dma_wait3A_1038 = arith.constant 0 : i32
    %dma_wait3A_1039 = tpu.memref_slice %arg3[%dma_wait3A_1035, %mul3A_2, %dma_wait3A_1036, %dma_wait3A_1037, %dma_wait3A_1038] : memref<64x128x4x8x128xf32, #tpu.memory_space<hbm>> -> memref<1x4x4x8x128xf32, #tpu.memory_space<hbm>>
    %dma_wait3A_1040 = tpu.memref_squeeze %dma_wait3A_1039 : memref<1x4x4x8x128xf32, #tpu.memory_space<hbm>> -> memref<4x4x8x128xf32, #tpu.memory_space<hbm>>
    %dma_wait3A_1041 = arith.constant 0 : i32
    %dma_wait3A_1042 = arith.constant 0 : i32
    %dma_wait3A_1043 = arith.constant 0 : i32
    %dma_wait3A_1044 = tpu.memref_slice %arg3[%dma_wait3A_1035, %mul3A_2, %dma_wait3A_1041, %dma_wait3A_1042, %dma_wait3A_1043] : memref<64x128x4x8x128xf32, #tpu.memory_space<hbm>> -> memref<1x4x4x8x128xf32, #tpu.memory_space<hbm>>
    %dma_wait3A_1045 = tpu.memref_squeeze %dma_wait3A_1044 : memref<1x4x4x8x128xf32, #tpu.memory_space<hbm>> -> memref<4x4x8x128xf32, #tpu.memory_space<hbm>>
    tpu.wait_dma2 semaphore(%arg5 : memref<!tpu.dma_semaphore, #tpu.memory_space<semaphore_mem>>) src(%arg4 : memref<4x4x8x128xf32, #tpu.memory_space<vmem>>) dst(%dma_wait3A_1045 : memref<4x4x8x128xf32, #tpu.memory_space<hbm>>)
    %dma_wait3A_1046 = arith.constant 31 : i32
    %dma_wait3A_1047 = arith.constant 0 : i32
    %dma_wait3A_1048 = arith.constant 0 : i32
    %dma_wait3A_1049 = arith.constant 0 : i32
    %dma_wait3A_1050 = tpu.memref_slice %arg3[%dma_wait3A_1046, %mul3A_2, %dma_wait3A_1047, %dma_wait3A_1048, %dma_wait3A_1049] : memref<64x128x4x8x128xf32, #tpu.memory_space<hbm>> -> memref<1x4x4x8x128xf32, #tpu.memory_space<hbm>>
    %dma_wait3A_1051 = tpu.memref_squeeze %dma_wait3A_1050 : memref<1x4x4x8x128xf32, #tpu.memory_space<hbm>> -> memref<4x4x8x128xf32, #tpu.memory_space<hbm>>
    %dma_wait3A_1052 = arith.constant 0 : i32
    %dma_wait3A_1053 = arith.constant 0 : i32
    %dma_wait3A_1054 = arith.constant 0 : i32
    %dma_wait3A_1055 = tpu.memref_slice %arg3[%dma_wait3A_1046, %mul3A_2, %dma_wait3A_1052, %dma_wait3A_1053, %dma_wait3A_1054] : memref<64x128x4x8x128xf32, #tpu.memory_space<hbm>> -> memref<1x4x4x8x128xf32, #tpu.memory_space<hbm>>
    %dma_wait3A_1056 = tpu.memref_squeeze %dma_wait3A_1055 : memref<1x4x4x8x128xf32, #tpu.memory_space<hbm>> -> memref<4x4x8x128xf32, #tpu.memory_space<hbm>>
    tpu.wait_dma2 semaphore(%arg5 : memref<!tpu.dma_semaphore, #tpu.memory_space<semaphore_mem>>) src(%arg4 : memref<4x4x8x128xf32, #tpu.memory_space<vmem>>) dst(%dma_wait3A_1056 : memref<4x4x8x128xf32, #tpu.memory_space<hbm>>)
    %dma_wait3A_1057 = arith.constant 32 : i32
    %dma_wait3A_1058 = arith.constant 0 : i32
    %dma_wait3A_1059 = arith.constant 0 : i32
    %dma_wait3A_1060 = arith.constant 0 : i32
    %dma_wait3A_1061 = tpu.memref_slice %arg3[%dma_wait3A_1057, %mul3A_2, %dma_wait3A_1058, %dma_wait3A_1059, %dma_wait3A_1060] : memref<64x128x4x8x128xf32, #tpu.memory_space<hbm>> -> memref<1x4x4x8x128xf32, #tpu.memory_space<hbm>>
    %dma_wait3A_1062 = tpu.memref_squeeze %dma_wait3A_1061 : memref<1x4x4x8x128xf32, #tpu.memory_space<hbm>> -> memref<4x4x8x128xf32, #tpu.memory_space<hbm>>
    %dma_wait3A_1063 = arith.constant 0 : i32
    %dma_wait3A_1064 = arith.constant 0 : i32
    %dma_wait3A_1065 = arith.constant 0 : i32
    %dma_wait3A_1066 = tpu.memref_slice %arg3[%dma_wait3A_1057, %mul3A_2, %dma_wait3A_1063, %dma_wait3A_1064, %dma_wait3A_1065] : memref<64x128x4x8x128xf32, #tpu.memory_space<hbm>> -> memref<1x4x4x8x128xf32, #tpu.memory_space<hbm>>
    %dma_wait3A_1067 = tpu.memref_squeeze %dma_wait3A_1066 : memref<1x4x4x8x128xf32, #tpu.memory_space<hbm>> -> memref<4x4x8x128xf32, #tpu.memory_space<hbm>>
    tpu.wait_dma2 semaphore(%arg5 : memref<!tpu.dma_semaphore, #tpu.memory_space<semaphore_mem>>) src(%arg4 : memref<4x4x8x128xf32, #tpu.memory_space<vmem>>) dst(%dma_wait3A_1067 : memref<4x4x8x128xf32, #tpu.memory_space<hbm>>)
    %dma_wait3A_1068 = arith.constant 33 : i32
    %dma_wait3A_1069 = arith.constant 0 : i32
    %dma_wait3A_1070 = arith.constant 0 : i32
    %dma_wait3A_1071 = arith.constant 0 : i32
    %dma_wait3A_1072 = tpu.memref_slice %arg3[%dma_wait3A_1068, %mul3A_2, %dma_wait3A_1069, %dma_wait3A_1070, %dma_wait3A_1071] : memref<64x128x4x8x128xf32, #tpu.memory_space<hbm>> -> memref<1x4x4x8x128xf32, #tpu.memory_space<hbm>>
    %dma_wait3A_1073 = tpu.memref_squeeze %dma_wait3A_1072 : memref<1x4x4x8x128xf32, #tpu.memory_space<hbm>> -> memref<4x4x8x128xf32, #tpu.memory_space<hbm>>
    %dma_wait3A_1074 = arith.constant 0 : i32
    %dma_wait3A_1075 = arith.constant 0 : i32
    %dma_wait3A_1076 = arith.constant 0 : i32
    %dma_wait3A_1077 = tpu.memref_slice %arg3[%dma_wait3A_1068, %mul3A_2, %dma_wait3A_1074, %dma_wait3A_1075, %dma_wait3A_1076] : memref<64x128x4x8x128xf32, #tpu.memory_space<hbm>> -> memref<1x4x4x8x128xf32, #tpu.memory_space<hbm>>
    %dma_wait3A_1078 = tpu.memref_squeeze %dma_wait3A_1077 : memref<1x4x4x8x128xf32, #tpu.memory_space<hbm>> -> memref<4x4x8x128xf32, #tpu.memory_space<hbm>>
    tpu.wait_dma2 semaphore(%arg5 : memref<!tpu.dma_semaphore, #tpu.memory_space<semaphore_mem>>) src(%arg4 : memref<4x4x8x128xf32, #tpu.memory_space<vmem>>) dst(%dma_wait3A_1078 : memref<4x4x8x128xf32, #tpu.memory_space<hbm>>)
    %dma_wait3A_1079 = arith.constant 34 : i32
    %dma_wait3A_1080 = arith.constant 0 : i32
    %dma_wait3A_1081 = arith.constant 0 : i32
    %dma_wait3A_1082 = arith.constant 0 : i32
    %dma_wait3A_1083 = tpu.memref_slice %arg3[%dma_wait3A_1079, %mul3A_2, %dma_wait3A_1080, %dma_wait3A_1081, %dma_wait3A_1082] : memref<64x128x4x8x128xf32, #tpu.memory_space<hbm>> -> memref<1x4x4x8x128xf32, #tpu.memory_space<hbm>>
    %dma_wait3A_1084 = tpu.memref_squeeze %dma_wait3A_1083 : memref<1x4x4x8x128xf32, #tpu.memory_space<hbm>> -> memref<4x4x8x128xf32, #tpu.memory_space<hbm>>
    %dma_wait3A_1085 = arith.constant 0 : i32
    %dma_wait3A_1086 = arith.constant 0 : i32
    %dma_wait3A_1087 = arith.constant 0 : i32
    %dma_wait3A_1088 = tpu.memref_slice %arg3[%dma_wait3A_1079, %mul3A_2, %dma_wait3A_1085, %dma_wait3A_1086, %dma_wait3A_1087] : memref<64x128x4x8x128xf32, #tpu.memory_space<hbm>> -> memref<1x4x4x8x128xf32, #tpu.memory_space<hbm>>
    %dma_wait3A_1089 = tpu.memref_squeeze %dma_wait3A_1088 : memref<1x4x4x8x128xf32, #tpu.memory_space<hbm>> -> memref<4x4x8x128xf32, #tpu.memory_space<hbm>>
    tpu.wait_dma2 semaphore(%arg5 : memref<!tpu.dma_semaphore, #tpu.memory_space<semaphore_mem>>) src(%arg4 : memref<4x4x8x128xf32, #tpu.memory_space<vmem>>) dst(%dma_wait3A_1089 : memref<4x4x8x128xf32, #tpu.memory_space<hbm>>)
    %dma_wait3A_1090 = arith.constant 35 : i32
    %dma_wait3A_1091 = arith.constant 0 : i32
    %dma_wait3A_1092 = arith.constant 0 : i32
    %dma_wait3A_1093 = arith.constant 0 : i32
    %dma_wait3A_1094 = tpu.memref_slice %arg3[%dma_wait3A_1090, %mul3A_2, %dma_wait3A_1091, %dma_wait3A_1092, %dma_wait3A_1093] : memref<64x128x4x8x128xf32, #tpu.memory_space<hbm>> -> memref<1x4x4x8x128xf32, #tpu.memory_space<hbm>>
    %dma_wait3A_1095 = tpu.memref_squeeze %dma_wait3A_1094 : memref<1x4x4x8x128xf32, #tpu.memory_space<hbm>> -> memref<4x4x8x128xf32, #tpu.memory_space<hbm>>
    %dma_wait3A_1096 = arith.constant 0 : i32
    %dma_wait3A_1097 = arith.constant 0 : i32
    %dma_wait3A_1098 = arith.constant 0 : i32
    %dma_wait3A_1099 = tpu.memref_slice %arg3[%dma_wait3A_1090, %mul3A_2, %dma_wait3A_1096, %dma_wait3A_1097, %dma_wait3A_1098] : memref<64x128x4x8x128xf32, #tpu.memory_space<hbm>> -> memref<1x4x4x8x128xf32, #tpu.memory_space<hbm>>
    %dma_wait3A_1100 = tpu.memref_squeeze %dma_wait3A_1099 : memref<1x4x4x8x128xf32, #tpu.memory_space<hbm>> -> memref<4x4x8x128xf32, #tpu.memory_space<hbm>>
    tpu.wait_dma2 semaphore(%arg5 : memref<!tpu.dma_semaphore, #tpu.memory_space<semaphore_mem>>) src(%arg4 : memref<4x4x8x128xf32, #tpu.memory_space<vmem>>) dst(%dma_wait3A_1100 : memref<4x4x8x128xf32, #tpu.memory_space<hbm>>)
    %dma_wait3A_1101 = arith.constant 36 : i32
    %dma_wait3A_1102 = arith.constant 0 : i32
    %dma_wait3A_1103 = arith.constant 0 : i32
    %dma_wait3A_1104 = arith.constant 0 : i32
    %dma_wait3A_1105 = tpu.memref_slice %arg3[%dma_wait3A_1101, %mul3A_2, %dma_wait3A_1102, %dma_wait3A_1103, %dma_wait3A_1104] : memref<64x128x4x8x128xf32, #tpu.memory_space<hbm>> -> memref<1x4x4x8x128xf32, #tpu.memory_space<hbm>>
    %dma_wait3A_1106 = tpu.memref_squeeze %dma_wait3A_1105 : memref<1x4x4x8x128xf32, #tpu.memory_space<hbm>> -> memref<4x4x8x128xf32, #tpu.memory_space<hbm>>
    %dma_wait3A_1107 = arith.constant 0 : i32
    %dma_wait3A_1108 = arith.constant 0 : i32
    %dma_wait3A_1109 = arith.constant 0 : i32
    %dma_wait3A_1110 = tpu.memref_slice %arg3[%dma_wait3A_1101, %mul3A_2, %dma_wait3A_1107, %dma_wait3A_1108, %dma_wait3A_1109] : memref<64x128x4x8x128xf32, #tpu.memory_space<hbm>> -> memref<1x4x4x8x128xf32, #tpu.memory_space<hbm>>
    %dma_wait3A_1111 = tpu.memref_squeeze %dma_wait3A_1110 : memref<1x4x4x8x128xf32, #tpu.memory_space<hbm>> -> memref<4x4x8x128xf32, #tpu.memory_space<hbm>>
    tpu.wait_dma2 semaphore(%arg5 : memref<!tpu.dma_semaphore, #tpu.memory_space<semaphore_mem>>) src(%arg4 : memref<4x4x8x128xf32, #tpu.memory_space<vmem>>) dst(%dma_wait3A_1111 : memref<4x4x8x128xf32, #tpu.memory_space<hbm>>)
    %dma_wait3A_1112 = arith.constant 37 : i32
    %dma_wait3A_1113 = arith.constant 0 : i32
    %dma_wait3A_1114 = arith.constant 0 : i32
    %dma_wait3A_1115 = arith.constant 0 : i32
    %dma_wait3A_1116 = tpu.memref_slice %arg3[%dma_wait3A_1112, %mul3A_2, %dma_wait3A_1113, %dma_wait3A_1114, %dma_wait3A_1115] : memref<64x128x4x8x128xf32, #tpu.memory_space<hbm>> -> memref<1x4x4x8x128xf32, #tpu.memory_space<hbm>>
    %dma_wait3A_1117 = tpu.memref_squeeze %dma_wait3A_1116 : memref<1x4x4x8x128xf32, #tpu.memory_space<hbm>> -> memref<4x4x8x128xf32, #tpu.memory_space<hbm>>
    %dma_wait3A_1118 = arith.constant 0 : i32
    %dma_wait3A_1119 = arith.constant 0 : i32
    %dma_wait3A_1120 = arith.constant 0 : i32
    %dma_wait3A_1121 = tpu.memref_slice %arg3[%dma_wait3A_1112, %mul3A_2, %dma_wait3A_1118, %dma_wait3A_1119, %dma_wait3A_1120] : memref<64x128x4x8x128xf32, #tpu.memory_space<hbm>> -> memref<1x4x4x8x128xf32, #tpu.memory_space<hbm>>
    %dma_wait3A_1122 = tpu.memref_squeeze %dma_wait3A_1121 : memref<1x4x4x8x128xf32, #tpu.memory_space<hbm>> -> memref<4x4x8x128xf32, #tpu.memory_space<hbm>>
    tpu.wait_dma2 semaphore(%arg5 : memref<!tpu.dma_semaphore, #tpu.memory_space<semaphore_mem>>) src(%arg4 : memref<4x4x8x128xf32, #tpu.memory_space<vmem>>) dst(%dma_wait3A_1122 : memref<4x4x8x128xf32, #tpu.memory_space<hbm>>)
    %dma_wait3A_1123 = arith.constant 38 : i32
    %dma_wait3A_1124 = arith.constant 0 : i32
    %dma_wait3A_1125 = arith.constant 0 : i32
    %dma_wait3A_1126 = arith.constant 0 : i32
    %dma_wait3A_1127 = tpu.memref_slice %arg3[%dma_wait3A_1123, %mul3A_2, %dma_wait3A_1124, %dma_wait3A_1125, %dma_wait3A_1126] : memref<64x128x4x8x128xf32, #tpu.memory_space<hbm>> -> memref<1x4x4x8x128xf32, #tpu.memory_space<hbm>>
    %dma_wait3A_1128 = tpu.memref_squeeze %dma_wait3A_1127 : memref<1x4x4x8x128xf32, #tpu.memory_space<hbm>> -> memref<4x4x8x128xf32, #tpu.memory_space<hbm>>
    %dma_wait3A_1129 = arith.constant 0 : i32
    %dma_wait3A_1130 = arith.constant 0 : i32
    %dma_wait3A_1131 = arith.constant 0 : i32
    %dma_wait3A_1132 = tpu.memref_slice %arg3[%dma_wait3A_1123, %mul3A_2, %dma_wait3A_1129, %dma_wait3A_1130, %dma_wait3A_1131] : memref<64x128x4x8x128xf32, #tpu.memory_space<hbm>> -> memref<1x4x4x8x128xf32, #tpu.memory_space<hbm>>
    %dma_wait3A_1133 = tpu.memref_squeeze %dma_wait3A_1132 : memref<1x4x4x8x128xf32, #tpu.memory_space<hbm>> -> memref<4x4x8x128xf32, #tpu.memory_space<hbm>>
    tpu.wait_dma2 semaphore(%arg5 : memref<!tpu.dma_semaphore, #tpu.memory_space<semaphore_mem>>) src(%arg4 : memref<4x4x8x128xf32, #tpu.memory_space<vmem>>) dst(%dma_wait3A_1133 : memref<4x4x8x128xf32, #tpu.memory_space<hbm>>)
    %dma_wait3A_1134 = arith.constant 39 : i32
    %dma_wait3A_1135 = arith.constant 0 : i32
    %dma_wait3A_1136 = arith.constant 0 : i32
    %dma_wait3A_1137 = arith.constant 0 : i32
    %dma_wait3A_1138 = tpu.memref_slice %arg3[%dma_wait3A_1134, %mul3A_2, %dma_wait3A_1135, %dma_wait3A_1136, %dma_wait3A_1137] : memref<64x128x4x8x128xf32, #tpu.memory_space<hbm>> -> memref<1x4x4x8x128xf32, #tpu.memory_space<hbm>>
    %dma_wait3A_1139 = tpu.memref_squeeze %dma_wait3A_1138 : memref<1x4x4x8x128xf32, #tpu.memory_space<hbm>> -> memref<4x4x8x128xf32, #tpu.memory_space<hbm>>
    %dma_wait3A_1140 = arith.constant 0 : i32
    %dma_wait3A_1141 = arith.constant 0 : i32
    %dma_wait3A_1142 = arith.constant 0 : i32
    %dma_wait3A_1143 = tpu.memref_slice %arg3[%dma_wait3A_1134, %mul3A_2, %dma_wait3A_1140, %dma_wait3A_1141, %dma_wait3A_1142] : memref<64x128x4x8x128xf32, #tpu.memory_space<hbm>> -> memref<1x4x4x8x128xf32, #tpu.memory_space<hbm>>
    %dma_wait3A_1144 = tpu.memref_squeeze %dma_wait3A_1143 : memref<1x4x4x8x128xf32, #tpu.memory_space<hbm>> -> memref<4x4x8x128xf32, #tpu.memory_space<hbm>>
    tpu.wait_dma2 semaphore(%arg5 : memref<!tpu.dma_semaphore, #tpu.memory_space<semaphore_mem>>) src(%arg4 : memref<4x4x8x128xf32, #tpu.memory_space<vmem>>) dst(%dma_wait3A_1144 : memref<4x4x8x128xf32, #tpu.memory_space<hbm>>)
    %dma_wait3A_1145 = arith.constant 40 : i32
    %dma_wait3A_1146 = arith.constant 0 : i32
    %dma_wait3A_1147 = arith.constant 0 : i32
    %dma_wait3A_1148 = arith.constant 0 : i32
    %dma_wait3A_1149 = tpu.memref_slice %arg3[%dma_wait3A_1145, %mul3A_2, %dma_wait3A_1146, %dma_wait3A_1147, %dma_wait3A_1148] : memref<64x128x4x8x128xf32, #tpu.memory_space<hbm>> -> memref<1x4x4x8x128xf32, #tpu.memory_space<hbm>>
    %dma_wait3A_1150 = tpu.memref_squeeze %dma_wait3A_1149 : memref<1x4x4x8x128xf32, #tpu.memory_space<hbm>> -> memref<4x4x8x128xf32, #tpu.memory_space<hbm>>
    %dma_wait3A_1151 = arith.constant 0 : i32
    %dma_wait3A_1152 = arith.constant 0 : i32
    %dma_wait3A_1153 = arith.constant 0 : i32
    %dma_wait3A_1154 = tpu.memref_slice %arg3[%dma_wait3A_1145, %mul3A_2, %dma_wait3A_1151, %dma_wait3A_1152, %dma_wait3A_1153] : memref<64x128x4x8x128xf32, #tpu.memory_space<hbm>> -> memref<1x4x4x8x128xf32, #tpu.memory_space<hbm>>
    %dma_wait3A_1155 = tpu.memref_squeeze %dma_wait3A_1154 : memref<1x4x4x8x128xf32, #tpu.memory_space<hbm>> -> memref<4x4x8x128xf32, #tpu.memory_space<hbm>>
    tpu.wait_dma2 semaphore(%arg5 : memref<!tpu.dma_semaphore, #tpu.memory_space<semaphore_mem>>) src(%arg4 : memref<4x4x8x128xf32, #tpu.memory_space<vmem>>) dst(%dma_wait3A_1155 : memref<4x4x8x128xf32, #tpu.memory_space<hbm>>)
    %dma_wait3A_1156 = arith.constant 41 : i32
    %dma_wait3A_1157 = arith.constant 0 : i32
    %dma_wait3A_1158 = arith.constant 0 : i32
    %dma_wait3A_1159 = arith.constant 0 : i32
    %dma_wait3A_1160 = tpu.memref_slice %arg3[%dma_wait3A_1156, %mul3A_2, %dma_wait3A_1157, %dma_wait3A_1158, %dma_wait3A_1159] : memref<64x128x4x8x128xf32, #tpu.memory_space<hbm>> -> memref<1x4x4x8x128xf32, #tpu.memory_space<hbm>>
    %dma_wait3A_1161 = tpu.memref_squeeze %dma_wait3A_1160 : memref<1x4x4x8x128xf32, #tpu.memory_space<hbm>> -> memref<4x4x8x128xf32, #tpu.memory_space<hbm>>
    %dma_wait3A_1162 = arith.constant 0 : i32
    %dma_wait3A_1163 = arith.constant 0 : i32
    %dma_wait3A_1164 = arith.constant 0 : i32
    %dma_wait3A_1165 = tpu.memref_slice %arg3[%dma_wait3A_1156, %mul3A_2, %dma_wait3A_1162, %dma_wait3A_1163, %dma_wait3A_1164] : memref<64x128x4x8x128xf32, #tpu.memory_space<hbm>> -> memref<1x4x4x8x128xf32, #tpu.memory_space<hbm>>
    %dma_wait3A_1166 = tpu.memref_squeeze %dma_wait3A_1165 : memref<1x4x4x8x128xf32, #tpu.memory_space<hbm>> -> memref<4x4x8x128xf32, #tpu.memory_space<hbm>>
    tpu.wait_dma2 semaphore(%arg5 : memref<!tpu.dma_semaphore, #tpu.memory_space<semaphore_mem>>) src(%arg4 : memref<4x4x8x128xf32, #tpu.memory_space<vmem>>) dst(%dma_wait3A_1166 : memref<4x4x8x128xf32, #tpu.memory_space<hbm>>)
    %dma_wait3A_1167 = arith.constant 42 : i32
    %dma_wait3A_1168 = arith.constant 0 : i32
    %dma_wait3A_1169 = arith.constant 0 : i32
    %dma_wait3A_1170 = arith.constant 0 : i32
    %dma_wait3A_1171 = tpu.memref_slice %arg3[%dma_wait3A_1167, %mul3A_2, %dma_wait3A_1168, %dma_wait3A_1169, %dma_wait3A_1170] : memref<64x128x4x8x128xf32, #tpu.memory_space<hbm>> -> memref<1x4x4x8x128xf32, #tpu.memory_space<hbm>>
    %dma_wait3A_1172 = tpu.memref_squeeze %dma_wait3A_1171 : memref<1x4x4x8x128xf32, #tpu.memory_space<hbm>> -> memref<4x4x8x128xf32, #tpu.memory_space<hbm>>
    %dma_wait3A_1173 = arith.constant 0 : i32
    %dma_wait3A_1174 = arith.constant 0 : i32
    %dma_wait3A_1175 = arith.constant 0 : i32
    %dma_wait3A_1176 = tpu.memref_slice %arg3[%dma_wait3A_1167, %mul3A_2, %dma_wait3A_1173, %dma_wait3A_1174, %dma_wait3A_1175] : memref<64x128x4x8x128xf32, #tpu.memory_space<hbm>> -> memref<1x4x4x8x128xf32, #tpu.memory_space<hbm>>
    %dma_wait3A_1177 = tpu.memref_squeeze %dma_wait3A_1176 : memref<1x4x4x8x128xf32, #tpu.memory_space<hbm>> -> memref<4x4x8x128xf32, #tpu.memory_space<hbm>>
    tpu.wait_dma2 semaphore(%arg5 : memref<!tpu.dma_semaphore, #tpu.memory_space<semaphore_mem>>) src(%arg4 : memref<4x4x8x128xf32, #tpu.memory_space<vmem>>) dst(%dma_wait3A_1177 : memref<4x4x8x128xf32, #tpu.memory_space<hbm>>)
    %dma_wait3A_1178 = arith.constant 43 : i32
    %dma_wait3A_1179 = arith.constant 0 : i32
    %dma_wait3A_1180 = arith.constant 0 : i32
    %dma_wait3A_1181 = arith.constant 0 : i32
    %dma_wait3A_1182 = tpu.memref_slice %arg3[%dma_wait3A_1178, %mul3A_2, %dma_wait3A_1179, %dma_wait3A_1180, %dma_wait3A_1181] : memref<64x128x4x8x128xf32, #tpu.memory_space<hbm>> -> memref<1x4x4x8x128xf32, #tpu.memory_space<hbm>>
    %dma_wait3A_1183 = tpu.memref_squeeze %dma_wait3A_1182 : memref<1x4x4x8x128xf32, #tpu.memory_space<hbm>> -> memref<4x4x8x128xf32, #tpu.memory_space<hbm>>
    %dma_wait3A_1184 = arith.constant 0 : i32
    %dma_wait3A_1185 = arith.constant 0 : i32
    %dma_wait3A_1186 = arith.constant 0 : i32
    %dma_wait3A_1187 = tpu.memref_slice %arg3[%dma_wait3A_1178, %mul3A_2, %dma_wait3A_1184, %dma_wait3A_1185, %dma_wait3A_1186] : memref<64x128x4x8x128xf32, #tpu.memory_space<hbm>> -> memref<1x4x4x8x128xf32, #tpu.memory_space<hbm>>
    %dma_wait3A_1188 = tpu.memref_squeeze %dma_wait3A_1187 : memref<1x4x4x8x128xf32, #tpu.memory_space<hbm>> -> memref<4x4x8x128xf32, #tpu.memory_space<hbm>>
    tpu.wait_dma2 semaphore(%arg5 : memref<!tpu.dma_semaphore, #tpu.memory_space<semaphore_mem>>) src(%arg4 : memref<4x4x8x128xf32, #tpu.memory_space<vmem>>) dst(%dma_wait3A_1188 : memref<4x4x8x128xf32, #tpu.memory_space<hbm>>)
    %dma_wait3A_1189 = arith.constant 44 : i32
    %dma_wait3A_1190 = arith.constant 0 : i32
    %dma_wait3A_1191 = arith.constant 0 : i32
    %dma_wait3A_1192 = arith.constant 0 : i32
    %dma_wait3A_1193 = tpu.memref_slice %arg3[%dma_wait3A_1189, %mul3A_2, %dma_wait3A_1190, %dma_wait3A_1191, %dma_wait3A_1192] : memref<64x128x4x8x128xf32, #tpu.memory_space<hbm>> -> memref<1x4x4x8x128xf32, #tpu.memory_space<hbm>>
    %dma_wait3A_1194 = tpu.memref_squeeze %dma_wait3A_1193 : memref<1x4x4x8x128xf32, #tpu.memory_space<hbm>> -> memref<4x4x8x128xf32, #tpu.memory_space<hbm>>
    %dma_wait3A_1195 = arith.constant 0 : i32
    %dma_wait3A_1196 = arith.constant 0 : i32
    %dma_wait3A_1197 = arith.constant 0 : i32
    %dma_wait3A_1198 = tpu.memref_slice %arg3[%dma_wait3A_1189, %mul3A_2, %dma_wait3A_1195, %dma_wait3A_1196, %dma_wait3A_1197] : memref<64x128x4x8x128xf32, #tpu.memory_space<hbm>> -> memref<1x4x4x8x128xf32, #tpu.memory_space<hbm>>
    %dma_wait3A_1199 = tpu.memref_squeeze %dma_wait3A_1198 : memref<1x4x4x8x128xf32, #tpu.memory_space<hbm>> -> memref<4x4x8x128xf32, #tpu.memory_space<hbm>>
    tpu.wait_dma2 semaphore(%arg5 : memref<!tpu.dma_semaphore, #tpu.memory_space<semaphore_mem>>) src(%arg4 : memref<4x4x8x128xf32, #tpu.memory_space<vmem>>) dst(%dma_wait3A_1199 : memref<4x4x8x128xf32, #tpu.memory_space<hbm>>)
    %dma_wait3A_1200 = arith.constant 45 : i32
    %dma_wait3A_1201 = arith.constant 0 : i32
    %dma_wait3A_1202 = arith.constant 0 : i32
    %dma_wait3A_1203 = arith.constant 0 : i32
    %dma_wait3A_1204 = tpu.memref_slice %arg3[%dma_wait3A_1200, %mul3A_2, %dma_wait3A_1201, %dma_wait3A_1202, %dma_wait3A_1203] : memref<64x128x4x8x128xf32, #tpu.memory_space<hbm>> -> memref<1x4x4x8x128xf32, #tpu.memory_space<hbm>>
    %dma_wait3A_1205 = tpu.memref_squeeze %dma_wait3A_1204 : memref<1x4x4x8x128xf32, #tpu.memory_space<hbm>> -> memref<4x4x8x128xf32, #tpu.memory_space<hbm>>
    %dma_wait3A_1206 = arith.constant 0 : i32
    %dma_wait3A_1207 = arith.constant 0 : i32
    %dma_wait3A_1208 = arith.constant 0 : i32
    %dma_wait3A_1209 = tpu.memref_slice %arg3[%dma_wait3A_1200, %mul3A_2, %dma_wait3A_1206, %dma_wait3A_1207, %dma_wait3A_1208] : memref<64x128x4x8x128xf32, #tpu.memory_space<hbm>> -> memref<1x4x4x8x128xf32, #tpu.memory_space<hbm>>
    %dma_wait3A_1210 = tpu.memref_squeeze %dma_wait3A_1209 : memref<1x4x4x8x128xf32, #tpu.memory_space<hbm>> -> memref<4x4x8x128xf32, #tpu.memory_space<hbm>>
    tpu.wait_dma2 semaphore(%arg5 : memref<!tpu.dma_semaphore, #tpu.memory_space<semaphore_mem>>) src(%arg4 : memref<4x4x8x128xf32, #tpu.memory_space<vmem>>) dst(%dma_wait3A_1210 : memref<4x4x8x128xf32, #tpu.memory_space<hbm>>)
    %dma_wait3A_1211 = arith.constant 46 : i32
    %dma_wait3A_1212 = arith.constant 0 : i32
    %dma_wait3A_1213 = arith.constant 0 : i32
    %dma_wait3A_1214 = arith.constant 0 : i32
    %dma_wait3A_1215 = tpu.memref_slice %arg3[%dma_wait3A_1211, %mul3A_2, %dma_wait3A_1212, %dma_wait3A_1213, %dma_wait3A_1214] : memref<64x128x4x8x128xf32, #tpu.memory_space<hbm>> -> memref<1x4x4x8x128xf32, #tpu.memory_space<hbm>>
    %dma_wait3A_1216 = tpu.memref_squeeze %dma_wait3A_1215 : memref<1x4x4x8x128xf32, #tpu.memory_space<hbm>> -> memref<4x4x8x128xf32, #tpu.memory_space<hbm>>
    %dma_wait3A_1217 = arith.constant 0 : i32
    %dma_wait3A_1218 = arith.constant 0 : i32
    %dma_wait3A_1219 = arith.constant 0 : i32
    %dma_wait3A_1220 = tpu.memref_slice %arg3[%dma_wait3A_1211, %mul3A_2, %dma_wait3A_1217, %dma_wait3A_1218, %dma_wait3A_1219] : memref<64x128x4x8x128xf32, #tpu.memory_space<hbm>> -> memref<1x4x4x8x128xf32, #tpu.memory_space<hbm>>
    %dma_wait3A_1221 = tpu.memref_squeeze %dma_wait3A_1220 : memref<1x4x4x8x128xf32, #tpu.memory_space<hbm>> -> memref<4x4x8x128xf32, #tpu.memory_space<hbm>>
    tpu.wait_dma2 semaphore(%arg5 : memref<!tpu.dma_semaphore, #tpu.memory_space<semaphore_mem>>) src(%arg4 : memref<4x4x8x128xf32, #tpu.memory_space<vmem>>) dst(%dma_wait3A_1221 : memref<4x4x8x128xf32, #tpu.memory_space<hbm>>)
    %dma_wait3A_1222 = arith.constant 47 : i32
    %dma_wait3A_1223 = arith.constant 0 : i32
    %dma_wait3A_1224 = arith.constant 0 : i32
    %dma_wait3A_1225 = arith.constant 0 : i32
    %dma_wait3A_1226 = tpu.memref_slice %arg3[%dma_wait3A_1222, %mul3A_2, %dma_wait3A_1223, %dma_wait3A_1224, %dma_wait3A_1225] : memref<64x128x4x8x128xf32, #tpu.memory_space<hbm>> -> memref<1x4x4x8x128xf32, #tpu.memory_space<hbm>>
    %dma_wait3A_1227 = tpu.memref_squeeze %dma_wait3A_1226 : memref<1x4x4x8x128xf32, #tpu.memory_space<hbm>> -> memref<4x4x8x128xf32, #tpu.memory_space<hbm>>
    %dma_wait3A_1228 = arith.constant 0 : i32
    %dma_wait3A_1229 = arith.constant 0 : i32
    %dma_wait3A_1230 = arith.constant 0 : i32
    %dma_wait3A_1231 = tpu.memref_slice %arg3[%dma_wait3A_1222, %mul3A_2, %dma_wait3A_1228, %dma_wait3A_1229, %dma_wait3A_1230] : memref<64x128x4x8x128xf32, #tpu.memory_space<hbm>> -> memref<1x4x4x8x128xf32, #tpu.memory_space<hbm>>
    %dma_wait3A_1232 = tpu.memref_squeeze %dma_wait3A_1231 : memref<1x4x4x8x128xf32, #tpu.memory_space<hbm>> -> memref<4x4x8x128xf32, #tpu.memory_space<hbm>>
    tpu.wait_dma2 semaphore(%arg5 : memref<!tpu.dma_semaphore, #tpu.memory_space<semaphore_mem>>) src(%arg4 : memref<4x4x8x128xf32, #tpu.memory_space<vmem>>) dst(%dma_wait3A_1232 : memref<4x4x8x128xf32, #tpu.memory_space<hbm>>)
    %dma_wait3A_1233 = arith.constant 48 : i32
    %dma_wait3A_1234 = arith.constant 0 : i32
    %dma_wait3A_1235 = arith.constant 0 : i32
    %dma_wait3A_1236 = arith.constant 0 : i32
    %dma_wait3A_1237 = tpu.memref_slice %arg3[%dma_wait3A_1233, %mul3A_2, %dma_wait3A_1234, %dma_wait3A_1235, %dma_wait3A_1236] : memref<64x128x4x8x128xf32, #tpu.memory_space<hbm>> -> memref<1x4x4x8x128xf32, #tpu.memory_space<hbm>>
    %dma_wait3A_1238 = tpu.memref_squeeze %dma_wait3A_1237 : memref<1x4x4x8x128xf32, #tpu.memory_space<hbm>> -> memref<4x4x8x128xf32, #tpu.memory_space<hbm>>
    %dma_wait3A_1239 = arith.constant 0 : i32
    %dma_wait3A_1240 = arith.constant 0 : i32
    %dma_wait3A_1241 = arith.constant 0 : i32
    %dma_wait3A_1242 = tpu.memref_slice %arg3[%dma_wait3A_1233, %mul3A_2, %dma_wait3A_1239, %dma_wait3A_1240, %dma_wait3A_1241] : memref<64x128x4x8x128xf32, #tpu.memory_space<hbm>> -> memref<1x4x4x8x128xf32, #tpu.memory_space<hbm>>
    %dma_wait3A_1243 = tpu.memref_squeeze %dma_wait3A_1242 : memref<1x4x4x8x128xf32, #tpu.memory_space<hbm>> -> memref<4x4x8x128xf32, #tpu.memory_space<hbm>>
    tpu.wait_dma2 semaphore(%arg5 : memref<!tpu.dma_semaphore, #tpu.memory_space<semaphore_mem>>) src(%arg4 : memref<4x4x8x128xf32, #tpu.memory_space<vmem>>) dst(%dma_wait3A_1243 : memref<4x4x8x128xf32, #tpu.memory_space<hbm>>)
    %dma_wait3A_1244 = arith.constant 49 : i32
    %dma_wait3A_1245 = arith.constant 0 : i32
    %dma_wait3A_1246 = arith.constant 0 : i32
    %dma_wait3A_1247 = arith.constant 0 : i32
    %dma_wait3A_1248 = tpu.memref_slice %arg3[%dma_wait3A_1244, %mul3A_2, %dma_wait3A_1245, %dma_wait3A_1246, %dma_wait3A_1247] : memref<64x128x4x8x128xf32, #tpu.memory_space<hbm>> -> memref<1x4x4x8x128xf32, #tpu.memory_space<hbm>>
    %dma_wait3A_1249 = tpu.memref_squeeze %dma_wait3A_1248 : memref<1x4x4x8x128xf32, #tpu.memory_space<hbm>> -> memref<4x4x8x128xf32, #tpu.memory_space<hbm>>
    %dma_wait3A_1250 = arith.constant 0 : i32
    %dma_wait3A_1251 = arith.constant 0 : i32
    %dma_wait3A_1252 = arith.constant 0 : i32
    %dma_wait3A_1253 = tpu.memref_slice %arg3[%dma_wait3A_1244, %mul3A_2, %dma_wait3A_1250, %dma_wait3A_1251, %dma_wait3A_1252] : memref<64x128x4x8x128xf32, #tpu.memory_space<hbm>> -> memref<1x4x4x8x128xf32, #tpu.memory_space<hbm>>
    %dma_wait3A_1254 = tpu.memref_squeeze %dma_wait3A_1253 : memref<1x4x4x8x128xf32, #tpu.memory_space<hbm>> -> memref<4x4x8x128xf32, #tpu.memory_space<hbm>>
    tpu.wait_dma2 semaphore(%arg5 : memref<!tpu.dma_semaphore, #tpu.memory_space<semaphore_mem>>) src(%arg4 : memref<4x4x8x128xf32, #tpu.memory_space<vmem>>) dst(%dma_wait3A_1254 : memref<4x4x8x128xf32, #tpu.memory_space<hbm>>)
    %dma_wait3A_1255 = arith.constant 50 : i32
    %dma_wait3A_1256 = arith.constant 0 : i32
    %dma_wait3A_1257 = arith.constant 0 : i32
    %dma_wait3A_1258 = arith.constant 0 : i32
    %dma_wait3A_1259 = tpu.memref_slice %arg3[%dma_wait3A_1255, %mul3A_2, %dma_wait3A_1256, %dma_wait3A_1257, %dma_wait3A_1258] : memref<64x128x4x8x128xf32, #tpu.memory_space<hbm>> -> memref<1x4x4x8x128xf32, #tpu.memory_space<hbm>>
    %dma_wait3A_1260 = tpu.memref_squeeze %dma_wait3A_1259 : memref<1x4x4x8x128xf32, #tpu.memory_space<hbm>> -> memref<4x4x8x128xf32, #tpu.memory_space<hbm>>
    %dma_wait3A_1261 = arith.constant 0 : i32
    %dma_wait3A_1262 = arith.constant 0 : i32
    %dma_wait3A_1263 = arith.constant 0 : i32
    %dma_wait3A_1264 = tpu.memref_slice %arg3[%dma_wait3A_1255, %mul3A_2, %dma_wait3A_1261, %dma_wait3A_1262, %dma_wait3A_1263] : memref<64x128x4x8x128xf32, #tpu.memory_space<hbm>> -> memref<1x4x4x8x128xf32, #tpu.memory_space<hbm>>
    %dma_wait3A_1265 = tpu.memref_squeeze %dma_wait3A_1264 : memref<1x4x4x8x128xf32, #tpu.memory_space<hbm>> -> memref<4x4x8x128xf32, #tpu.memory_space<hbm>>
    tpu.wait_dma2 semaphore(%arg5 : memref<!tpu.dma_semaphore, #tpu.memory_space<semaphore_mem>>) src(%arg4 : memref<4x4x8x128xf32, #tpu.memory_space<vmem>>) dst(%dma_wait3A_1265 : memref<4x4x8x128xf32, #tpu.memory_space<hbm>>)
    %dma_wait3A_1266 = arith.constant 51 : i32
    %dma_wait3A_1267 = arith.constant 0 : i32
    %dma_wait3A_1268 = arith.constant 0 : i32
    %dma_wait3A_1269 = arith.constant 0 : i32
    %dma_wait3A_1270 = tpu.memref_slice %arg3[%dma_wait3A_1266, %mul3A_2, %dma_wait3A_1267, %dma_wait3A_1268, %dma_wait3A_1269] : memref<64x128x4x8x128xf32, #tpu.memory_space<hbm>> -> memref<1x4x4x8x128xf32, #tpu.memory_space<hbm>>
    %dma_wait3A_1271 = tpu.memref_squeeze %dma_wait3A_1270 : memref<1x4x4x8x128xf32, #tpu.memory_space<hbm>> -> memref<4x4x8x128xf32, #tpu.memory_space<hbm>>
    %dma_wait3A_1272 = arith.constant 0 : i32
    %dma_wait3A_1273 = arith.constant 0 : i32
    %dma_wait3A_1274 = arith.constant 0 : i32
    %dma_wait3A_1275 = tpu.memref_slice %arg3[%dma_wait3A_1266, %mul3A_2, %dma_wait3A_1272, %dma_wait3A_1273, %dma_wait3A_1274] : memref<64x128x4x8x128xf32, #tpu.memory_space<hbm>> -> memref<1x4x4x8x128xf32, #tpu.memory_space<hbm>>
    %dma_wait3A_1276 = tpu.memref_squeeze %dma_wait3A_1275 : memref<1x4x4x8x128xf32, #tpu.memory_space<hbm>> -> memref<4x4x8x128xf32, #tpu.memory_space<hbm>>
    tpu.wait_dma2 semaphore(%arg5 : memref<!tpu.dma_semaphore, #tpu.memory_space<semaphore_mem>>) src(%arg4 : memref<4x4x8x128xf32, #tpu.memory_space<vmem>>) dst(%dma_wait3A_1276 : memref<4x4x8x128xf32, #tpu.memory_space<hbm>>)
    %dma_wait3A_1277 = arith.constant 52 : i32
    %dma_wait3A_1278 = arith.constant 0 : i32
    %dma_wait3A_1279 = arith.constant 0 : i32
    %dma_wait3A_1280 = arith.constant 0 : i32
    %dma_wait3A_1281 = tpu.memref_slice %arg3[%dma_wait3A_1277, %mul3A_2, %dma_wait3A_1278, %dma_wait3A_1279, %dma_wait3A_1280] : memref<64x128x4x8x128xf32, #tpu.memory_space<hbm>> -> memref<1x4x4x8x128xf32, #tpu.memory_space<hbm>>
    %dma_wait3A_1282 = tpu.memref_squeeze %dma_wait3A_1281 : memref<1x4x4x8x128xf32, #tpu.memory_space<hbm>> -> memref<4x4x8x128xf32, #tpu.memory_space<hbm>>
    %dma_wait3A_1283 = arith.constant 0 : i32
    %dma_wait3A_1284 = arith.constant 0 : i32
    %dma_wait3A_1285 = arith.constant 0 : i32
    %dma_wait3A_1286 = tpu.memref_slice %arg3[%dma_wait3A_1277, %mul3A_2, %dma_wait3A_1283, %dma_wait3A_1284, %dma_wait3A_1285] : memref<64x128x4x8x128xf32, #tpu.memory_space<hbm>> -> memref<1x4x4x8x128xf32, #tpu.memory_space<hbm>>
    %dma_wait3A_1287 = tpu.memref_squeeze %dma_wait3A_1286 : memref<1x4x4x8x128xf32, #tpu.memory_space<hbm>> -> memref<4x4x8x128xf32, #tpu.memory_space<hbm>>
    tpu.wait_dma2 semaphore(%arg5 : memref<!tpu.dma_semaphore, #tpu.memory_space<semaphore_mem>>) src(%arg4 : memref<4x4x8x128xf32, #tpu.memory_space<vmem>>) dst(%dma_wait3A_1287 : memref<4x4x8x128xf32, #tpu.memory_space<hbm>>)
    %dma_wait3A_1288 = arith.constant 53 : i32
    %dma_wait3A_1289 = arith.constant 0 : i32
    %dma_wait3A_1290 = arith.constant 0 : i32
    %dma_wait3A_1291 = arith.constant 0 : i32
    %dma_wait3A_1292 = tpu.memref_slice %arg3[%dma_wait3A_1288, %mul3A_2, %dma_wait3A_1289, %dma_wait3A_1290, %dma_wait3A_1291] : memref<64x128x4x8x128xf32, #tpu.memory_space<hbm>> -> memref<1x4x4x8x128xf32, #tpu.memory_space<hbm>>
    %dma_wait3A_1293 = tpu.memref_squeeze %dma_wait3A_1292 : memref<1x4x4x8x128xf32, #tpu.memory_space<hbm>> -> memref<4x4x8x128xf32, #tpu.memory_space<hbm>>
    %dma_wait3A_1294 = arith.constant 0 : i32
    %dma_wait3A_1295 = arith.constant 0 : i32
    %dma_wait3A_1296 = arith.constant 0 : i32
    %dma_wait3A_1297 = tpu.memref_slice %arg3[%dma_wait3A_1288, %mul3A_2, %dma_wait3A_1294, %dma_wait3A_1295, %dma_wait3A_1296] : memref<64x128x4x8x128xf32, #tpu.memory_space<hbm>> -> memref<1x4x4x8x128xf32, #tpu.memory_space<hbm>>
    %dma_wait3A_1298 = tpu.memref_squeeze %dma_wait3A_1297 : memref<1x4x4x8x128xf32, #tpu.memory_space<hbm>> -> memref<4x4x8x128xf32, #tpu.memory_space<hbm>>
    tpu.wait_dma2 semaphore(%arg5 : memref<!tpu.dma_semaphore, #tpu.memory_space<semaphore_mem>>) src(%arg4 : memref<4x4x8x128xf32, #tpu.memory_space<vmem>>) dst(%dma_wait3A_1298 : memref<4x4x8x128xf32, #tpu.memory_space<hbm>>)
    %dma_wait3A_1299 = arith.constant 54 : i32
    %dma_wait3A_1300 = arith.constant 0 : i32
    %dma_wait3A_1301 = arith.constant 0 : i32
    %dma_wait3A_1302 = arith.constant 0 : i32
    %dma_wait3A_1303 = tpu.memref_slice %arg3[%dma_wait3A_1299, %mul3A_2, %dma_wait3A_1300, %dma_wait3A_1301, %dma_wait3A_1302] : memref<64x128x4x8x128xf32, #tpu.memory_space<hbm>> -> memref<1x4x4x8x128xf32, #tpu.memory_space<hbm>>
    %dma_wait3A_1304 = tpu.memref_squeeze %dma_wait3A_1303 : memref<1x4x4x8x128xf32, #tpu.memory_space<hbm>> -> memref<4x4x8x128xf32, #tpu.memory_space<hbm>>
    %dma_wait3A_1305 = arith.constant 0 : i32
    %dma_wait3A_1306 = arith.constant 0 : i32
    %dma_wait3A_1307 = arith.constant 0 : i32
    %dma_wait3A_1308 = tpu.memref_slice %arg3[%dma_wait3A_1299, %mul3A_2, %dma_wait3A_1305, %dma_wait3A_1306, %dma_wait3A_1307] : memref<64x128x4x8x128xf32, #tpu.memory_space<hbm>> -> memref<1x4x4x8x128xf32, #tpu.memory_space<hbm>>
    %dma_wait3A_1309 = tpu.memref_squeeze %dma_wait3A_1308 : memref<1x4x4x8x128xf32, #tpu.memory_space<hbm>> -> memref<4x4x8x128xf32, #tpu.memory_space<hbm>>
    tpu.wait_dma2 semaphore(%arg5 : memref<!tpu.dma_semaphore, #tpu.memory_space<semaphore_mem>>) src(%arg4 : memref<4x4x8x128xf32, #tpu.memory_space<vmem>>) dst(%dma_wait3A_1309 : memref<4x4x8x128xf32, #tpu.memory_space<hbm>>)
    %dma_wait3A_1310 = arith.constant 55 : i32
    %dma_wait3A_1311 = arith.constant 0 : i32
    %dma_wait3A_1312 = arith.constant 0 : i32
    %dma_wait3A_1313 = arith.constant 0 : i32
    %dma_wait3A_1314 = tpu.memref_slice %arg3[%dma_wait3A_1310, %mul3A_2, %dma_wait3A_1311, %dma_wait3A_1312, %dma_wait3A_1313] : memref<64x128x4x8x128xf32, #tpu.memory_space<hbm>> -> memref<1x4x4x8x128xf32, #tpu.memory_space<hbm>>
    %dma_wait3A_1315 = tpu.memref_squeeze %dma_wait3A_1314 : memref<1x4x4x8x128xf32, #tpu.memory_space<hbm>> -> memref<4x4x8x128xf32, #tpu.memory_space<hbm>>
    %dma_wait3A_1316 = arith.constant 0 : i32
    %dma_wait3A_1317 = arith.constant 0 : i32
    %dma_wait3A_1318 = arith.constant 0 : i32
    %dma_wait3A_1319 = tpu.memref_slice %arg3[%dma_wait3A_1310, %mul3A_2, %dma_wait3A_1316, %dma_wait3A_1317, %dma_wait3A_1318] : memref<64x128x4x8x128xf32, #tpu.memory_space<hbm>> -> memref<1x4x4x8x128xf32, #tpu.memory_space<hbm>>
    %dma_wait3A_1320 = tpu.memref_squeeze %dma_wait3A_1319 : memref<1x4x4x8x128xf32, #tpu.memory_space<hbm>> -> memref<4x4x8x128xf32, #tpu.memory_space<hbm>>
    tpu.wait_dma2 semaphore(%arg5 : memref<!tpu.dma_semaphore, #tpu.memory_space<semaphore_mem>>) src(%arg4 : memref<4x4x8x128xf32, #tpu.memory_space<vmem>>) dst(%dma_wait3A_1320 : memref<4x4x8x128xf32, #tpu.memory_space<hbm>>)
    %dma_wait3A_1321 = arith.constant 56 : i32
    %dma_wait3A_1322 = arith.constant 0 : i32
    %dma_wait3A_1323 = arith.constant 0 : i32
    %dma_wait3A_1324 = arith.constant 0 : i32
    %dma_wait3A_1325 = tpu.memref_slice %arg3[%dma_wait3A_1321, %mul3A_2, %dma_wait3A_1322, %dma_wait3A_1323, %dma_wait3A_1324] : memref<64x128x4x8x128xf32, #tpu.memory_space<hbm>> -> memref<1x4x4x8x128xf32, #tpu.memory_space<hbm>>
    %dma_wait3A_1326 = tpu.memref_squeeze %dma_wait3A_1325 : memref<1x4x4x8x128xf32, #tpu.memory_space<hbm>> -> memref<4x4x8x128xf32, #tpu.memory_space<hbm>>
    %dma_wait3A_1327 = arith.constant 0 : i32
    %dma_wait3A_1328 = arith.constant 0 : i32
    %dma_wait3A_1329 = arith.constant 0 : i32
    %dma_wait3A_1330 = tpu.memref_slice %arg3[%dma_wait3A_1321, %mul3A_2, %dma_wait3A_1327, %dma_wait3A_1328, %dma_wait3A_1329] : memref<64x128x4x8x128xf32, #tpu.memory_space<hbm>> -> memref<1x4x4x8x128xf32, #tpu.memory_space<hbm>>
    %dma_wait3A_1331 = tpu.memref_squeeze %dma_wait3A_1330 : memref<1x4x4x8x128xf32, #tpu.memory_space<hbm>> -> memref<4x4x8x128xf32, #tpu.memory_space<hbm>>
    tpu.wait_dma2 semaphore(%arg5 : memref<!tpu.dma_semaphore, #tpu.memory_space<semaphore_mem>>) src(%arg4 : memref<4x4x8x128xf32, #tpu.memory_space<vmem>>) dst(%dma_wait3A_1331 : memref<4x4x8x128xf32, #tpu.memory_space<hbm>>)
    %dma_wait3A_1332 = arith.constant 57 : i32
    %dma_wait3A_1333 = arith.constant 0 : i32
    %dma_wait3A_1334 = arith.constant 0 : i32
    %dma_wait3A_1335 = arith.constant 0 : i32
    %dma_wait3A_1336 = tpu.memref_slice %arg3[%dma_wait3A_1332, %mul3A_2, %dma_wait3A_1333, %dma_wait3A_1334, %dma_wait3A_1335] : memref<64x128x4x8x128xf32, #tpu.memory_space<hbm>> -> memref<1x4x4x8x128xf32, #tpu.memory_space<hbm>>
    %dma_wait3A_1337 = tpu.memref_squeeze %dma_wait3A_1336 : memref<1x4x4x8x128xf32, #tpu.memory_space<hbm>> -> memref<4x4x8x128xf32, #tpu.memory_space<hbm>>
    %dma_wait3A_1338 = arith.constant 0 : i32
    %dma_wait3A_1339 = arith.constant 0 : i32
    %dma_wait3A_1340 = arith.constant 0 : i32
    %dma_wait3A_1341 = tpu.memref_slice %arg3[%dma_wait3A_1332, %mul3A_2, %dma_wait3A_1338, %dma_wait3A_1339, %dma_wait3A_1340] : memref<64x128x4x8x128xf32, #tpu.memory_space<hbm>> -> memref<1x4x4x8x128xf32, #tpu.memory_space<hbm>>
    %dma_wait3A_1342 = tpu.memref_squeeze %dma_wait3A_1341 : memref<1x4x4x8x128xf32, #tpu.memory_space<hbm>> -> memref<4x4x8x128xf32, #tpu.memory_space<hbm>>
    tpu.wait_dma2 semaphore(%arg5 : memref<!tpu.dma_semaphore, #tpu.memory_space<semaphore_mem>>) src(%arg4 : memref<4x4x8x128xf32, #tpu.memory_space<vmem>>) dst(%dma_wait3A_1342 : memref<4x4x8x128xf32, #tpu.memory_space<hbm>>)
    %dma_wait3A_1343 = arith.constant 58 : i32
    %dma_wait3A_1344 = arith.constant 0 : i32
    %dma_wait3A_1345 = arith.constant 0 : i32
    %dma_wait3A_1346 = arith.constant 0 : i32
    %dma_wait3A_1347 = tpu.memref_slice %arg3[%dma_wait3A_1343, %mul3A_2, %dma_wait3A_1344, %dma_wait3A_1345, %dma_wait3A_1346] : memref<64x128x4x8x128xf32, #tpu.memory_space<hbm>> -> memref<1x4x4x8x128xf32, #tpu.memory_space<hbm>>
    %dma_wait3A_1348 = tpu.memref_squeeze %dma_wait3A_1347 : memref<1x4x4x8x128xf32, #tpu.memory_space<hbm>> -> memref<4x4x8x128xf32, #tpu.memory_space<hbm>>
    %dma_wait3A_1349 = arith.constant 0 : i32
    %dma_wait3A_1350 = arith.constant 0 : i32
    %dma_wait3A_1351 = arith.constant 0 : i32
    %dma_wait3A_1352 = tpu.memref_slice %arg3[%dma_wait3A_1343, %mul3A_2, %dma_wait3A_1349, %dma_wait3A_1350, %dma_wait3A_1351] : memref<64x128x4x8x128xf32, #tpu.memory_space<hbm>> -> memref<1x4x4x8x128xf32, #tpu.memory_space<hbm>>
    %dma_wait3A_1353 = tpu.memref_squeeze %dma_wait3A_1352 : memref<1x4x4x8x128xf32, #tpu.memory_space<hbm>> -> memref<4x4x8x128xf32, #tpu.memory_space<hbm>>
    tpu.wait_dma2 semaphore(%arg5 : memref<!tpu.dma_semaphore, #tpu.memory_space<semaphore_mem>>) src(%arg4 : memref<4x4x8x128xf32, #tpu.memory_space<vmem>>) dst(%dma_wait3A_1353 : memref<4x4x8x128xf32, #tpu.memory_space<hbm>>)
    %dma_wait3A_1354 = arith.constant 59 : i32
    %dma_wait3A_1355 = arith.constant 0 : i32
    %dma_wait3A_1356 = arith.constant 0 : i32
    %dma_wait3A_1357 = arith.constant 0 : i32
    %dma_wait3A_1358 = tpu.memref_slice %arg3[%dma_wait3A_1354, %mul3A_2, %dma_wait3A_1355, %dma_wait3A_1356, %dma_wait3A_1357] : memref<64x128x4x8x128xf32, #tpu.memory_space<hbm>> -> memref<1x4x4x8x128xf32, #tpu.memory_space<hbm>>
    %dma_wait3A_1359 = tpu.memref_squeeze %dma_wait3A_1358 : memref<1x4x4x8x128xf32, #tpu.memory_space<hbm>> -> memref<4x4x8x128xf32, #tpu.memory_space<hbm>>
    %dma_wait3A_1360 = arith.constant 0 : i32
    %dma_wait3A_1361 = arith.constant 0 : i32
    %dma_wait3A_1362 = arith.constant 0 : i32
    %dma_wait3A_1363 = tpu.memref_slice %arg3[%dma_wait3A_1354, %mul3A_2, %dma_wait3A_1360, %dma_wait3A_1361, %dma_wait3A_1362] : memref<64x128x4x8x128xf32, #tpu.memory_space<hbm>> -> memref<1x4x4x8x128xf32, #tpu.memory_space<hbm>>
    %dma_wait3A_1364 = tpu.memref_squeeze %dma_wait3A_1363 : memref<1x4x4x8x128xf32, #tpu.memory_space<hbm>> -> memref<4x4x8x128xf32, #tpu.memory_space<hbm>>
    tpu.wait_dma2 semaphore(%arg5 : memref<!tpu.dma_semaphore, #tpu.memory_space<semaphore_mem>>) src(%arg4 : memref<4x4x8x128xf32, #tpu.memory_space<vmem>>) dst(%dma_wait3A_1364 : memref<4x4x8x128xf32, #tpu.memory_space<hbm>>)
    %dma_wait3A_1365 = arith.constant 60 : i32
    %dma_wait3A_1366 = arith.constant 0 : i32
    %dma_wait3A_1367 = arith.constant 0 : i32
    %dma_wait3A_1368 = arith.constant 0 : i32
    %dma_wait3A_1369 = tpu.memref_slice %arg3[%dma_wait3A_1365, %mul3A_2, %dma_wait3A_1366, %dma_wait3A_1367, %dma_wait3A_1368] : memref<64x128x4x8x128xf32, #tpu.memory_space<hbm>> -> memref<1x4x4x8x128xf32, #tpu.memory_space<hbm>>
    %dma_wait3A_1370 = tpu.memref_squeeze %dma_wait3A_1369 : memref<1x4x4x8x128xf32, #tpu.memory_space<hbm>> -> memref<4x4x8x128xf32, #tpu.memory_space<hbm>>
    %dma_wait3A_1371 = arith.constant 0 : i32
    %dma_wait3A_1372 = arith.constant 0 : i32
    %dma_wait3A_1373 = arith.constant 0 : i32
    %dma_wait3A_1374 = tpu.memref_slice %arg3[%dma_wait3A_1365, %mul3A_2, %dma_wait3A_1371, %dma_wait3A_1372, %dma_wait3A_1373] : memref<64x128x4x8x128xf32, #tpu.memory_space<hbm>> -> memref<1x4x4x8x128xf32, #tpu.memory_space<hbm>>
    %dma_wait3A_1375 = tpu.memref_squeeze %dma_wait3A_1374 : memref<1x4x4x8x128xf32, #tpu.memory_space<hbm>> -> memref<4x4x8x128xf32, #tpu.memory_space<hbm>>
    tpu.wait_dma2 semaphore(%arg5 : memref<!tpu.dma_semaphore, #tpu.memory_space<semaphore_mem>>) src(%arg4 : memref<4x4x8x128xf32, #tpu.memory_space<vmem>>) dst(%dma_wait3A_1375 : memref<4x4x8x128xf32, #tpu.memory_space<hbm>>)
    %dma_wait3A_1376 = arith.constant 61 : i32
    %dma_wait3A_1377 = arith.constant 0 : i32
    %dma_wait3A_1378 = arith.constant 0 : i32
    %dma_wait3A_1379 = arith.constant 0 : i32
    %dma_wait3A_1380 = tpu.memref_slice %arg3[%dma_wait3A_1376, %mul3A_2, %dma_wait3A_1377, %dma_wait3A_1378, %dma_wait3A_1379] : memref<64x128x4x8x128xf32, #tpu.memory_space<hbm>> -> memref<1x4x4x8x128xf32, #tpu.memory_space<hbm>>
    %dma_wait3A_1381 = tpu.memref_squeeze %dma_wait3A_1380 : memref<1x4x4x8x128xf32, #tpu.memory_space<hbm>> -> memref<4x4x8x128xf32, #tpu.memory_space<hbm>>
    %dma_wait3A_1382 = arith.constant 0 : i32
    %dma_wait3A_1383 = arith.constant 0 : i32
    %dma_wait3A_1384 = arith.constant 0 : i32
    %dma_wait3A_1385 = tpu.memref_slice %arg3[%dma_wait3A_1376, %mul3A_2, %dma_wait3A_1382, %dma_wait3A_1383, %dma_wait3A_1384] : memref<64x128x4x8x128xf32, #tpu.memory_space<hbm>> -> memref<1x4x4x8x128xf32, #tpu.memory_space<hbm>>
    %dma_wait3A_1386 = tpu.memref_squeeze %dma_wait3A_1385 : memref<1x4x4x8x128xf32, #tpu.memory_space<hbm>> -> memref<4x4x8x128xf32, #tpu.memory_space<hbm>>
    tpu.wait_dma2 semaphore(%arg5 : memref<!tpu.dma_semaphore, #tpu.memory_space<semaphore_mem>>) src(%arg4 : memref<4x4x8x128xf32, #tpu.memory_space<vmem>>) dst(%dma_wait3A_1386 : memref<4x4x8x128xf32, #tpu.memory_space<hbm>>)
    %dma_wait3A_1387 = arith.constant 62 : i32
    %dma_wait3A_1388 = arith.constant 0 : i32
    %dma_wait3A_1389 = arith.constant 0 : i32
    %dma_wait3A_1390 = arith.constant 0 : i32
    %dma_wait3A_1391 = tpu.memref_slice %arg3[%dma_wait3A_1387, %mul3A_2, %dma_wait3A_1388, %dma_wait3A_1389, %dma_wait3A_1390] : memref<64x128x4x8x128xf32, #tpu.memory_space<hbm>> -> memref<1x4x4x8x128xf32, #tpu.memory_space<hbm>>
    %dma_wait3A_1392 = tpu.memref_squeeze %dma_wait3A_1391 : memref<1x4x4x8x128xf32, #tpu.memory_space<hbm>> -> memref<4x4x8x128xf32, #tpu.memory_space<hbm>>
    %dma_wait3A_1393 = arith.constant 0 : i32
    %dma_wait3A_1394 = arith.constant 0 : i32
    %dma_wait3A_1395 = arith.constant 0 : i32
    %dma_wait3A_1396 = tpu.memref_slice %arg3[%dma_wait3A_1387, %mul3A_2, %dma_wait3A_1393, %dma_wait3A_1394, %dma_wait3A_1395] : memref<64x128x4x8x128xf32, #tpu.memory_space<hbm>> -> memref<1x4x4x8x128xf32, #tpu.memory_space<hbm>>
    %dma_wait3A_1397 = tpu.memref_squeeze %dma_wait3A_1396 : memref<1x4x4x8x128xf32, #tpu.memory_space<hbm>> -> memref<4x4x8x128xf32, #tpu.memory_space<hbm>>
    tpu.wait_dma2 semaphore(%arg5 : memref<!tpu.dma_semaphore, #tpu.memory_space<semaphore_mem>>) src(%arg4 : memref<4x4x8x128xf32, #tpu.memory_space<vmem>>) dst(%dma_wait3A_1397 : memref<4x4x8x128xf32, #tpu.memory_space<hbm>>)
    %dma_wait3A_1398 = arith.constant 63 : i32
    %dma_wait3A_1399 = arith.constant 0 : i32
    %dma_wait3A_1400 = arith.constant 0 : i32
    %dma_wait3A_1401 = arith.constant 0 : i32
    %dma_wait3A_1402 = tpu.memref_slice %arg3[%dma_wait3A_1398, %mul3A_2, %dma_wait3A_1399, %dma_wait3A_1400, %dma_wait3A_1401] : memref<64x128x4x8x128xf32, #tpu.memory_space<hbm>> -> memref<1x4x4x8x128xf32, #tpu.memory_space<hbm>>
    %dma_wait3A_1403 = tpu.memref_squeeze %dma_wait3A_1402 : memref<1x4x4x8x128xf32, #tpu.memory_space<hbm>> -> memref<4x4x8x128xf32, #tpu.memory_space<hbm>>
    %dma_wait3A_1404 = arith.constant 0 : i32
    %dma_wait3A_1405 = arith.constant 0 : i32
    %dma_wait3A_1406 = arith.constant 0 : i32
    %dma_wait3A_1407 = tpu.memref_slice %arg3[%dma_wait3A_1398, %mul3A_2, %dma_wait3A_1404, %dma_wait3A_1405, %dma_wait3A_1406] : memref<64x128x4x8x128xf32, #tpu.memory_space<hbm>> -> memref<1x4x4x8x128xf32, #tpu.memory_space<hbm>>
    %dma_wait3A_1408 = tpu.memref_squeeze %dma_wait3A_1407 : memref<1x4x4x8x128xf32, #tpu.memory_space<hbm>> -> memref<4x4x8x128xf32, #tpu.memory_space<hbm>>
    tpu.wait_dma2 semaphore(%arg5 : memref<!tpu.dma_semaphore, #tpu.memory_space<semaphore_mem>>) src(%arg4 : memref<4x4x8x128xf32, #tpu.memory_space<vmem>>) dst(%dma_wait3A_1408 : memref<4x4x8x128xf32, #tpu.memory_space<hbm>>)
    return
  }
}

module attributes {stable_mosaic.version = 14 : i64} {
  func.func @_pattern_body(%arg0: memref<32x256xf32, #tpu.memory_space<vmem>>, %arg1: memref<32x2xf32, #tpu.memory_space<vmem>>, %arg2: memref<32x256xf32, #tpu.memory_space<vmem>>, %arg3: memref<1024x512xf32, #tpu.memory_space<vmem>>) attributes {dimension_semantics = [], scalar_prefetch = 0 : i64, scratch_operands = 0 : i64, tpu.core_type = #tpu.core_type<tc>} {
    %get3A = arith.constant 0 : index
    %get3A_0 = arith.constant 0 : index
    %get3A_1 = vector.load %arg0[%get3A, %get3A_0] : memref<32x256xf32, #tpu.memory_space<vmem>>, vector<32x256xf32>
    %get3A_2 = arith.constant 0 : index
    %get3A_3 = arith.constant 0 : index
    %get3A_4 = vector.load %arg1[%get3A_2, %get3A_3] : memref<32x2xf32, #tpu.memory_space<vmem>>, vector<32x1xf32>
    %get3A_5 = arith.constant 0 : index
    %get3A_6 = arith.constant 1 : index
    %get3A_7 = vector.load %arg1[%get3A_5, %get3A_6] : memref<32x2xf32, #tpu.memory_space<vmem>>, vector<32x1xf32>
    %mul3A = vector.broadcast %get3A_4 : vector<32x1xf32> to vector<32x256xf32>
    %mul3A_8 = arith.mulf %mul3A, %get3A_1 : vector<32x256xf32>
    %mul3A_9 = arith.mulf %get3A_1, %get3A_1 : vector<32x256xf32>
    %reduce_sum3A = arith.constant dense<0.000000e+00> : vector<32xf32>
    %reduce_sum3A_10 = vector.multi_reduction <add>, %mul3A_9, %reduce_sum3A [1] : vector<32x256xf32> to vector<32xf32>
    %broadcast_in_dim3A = vector.shape_cast %reduce_sum3A_10 : vector<32xf32> to vector<32x1xf32>
    %rsqrt3A = math.rsqrt %broadcast_in_dim3A : vector<32x1xf32>
    %mul3A_11 = vector.broadcast %rsqrt3A : vector<32x1xf32> to vector<32x256xf32>
    %mul3A_12 = arith.mulf %mul3A_8, %mul3A_11 : vector<32x256xf32>
    %get3A_13 = arith.constant 0 : index
    %get3A_14 = arith.constant 0 : index
    %get3A_15 = vector.load %arg2[%get3A_13, %get3A_14] : memref<32x256xf32, #tpu.memory_space<vmem>>, vector<32x256xf32>
    %mul3A_16 = vector.broadcast %get3A_7 : vector<32x1xf32> to vector<32x256xf32>
    %mul3A_17 = arith.mulf %mul3A_16, %get3A_15 : vector<32x256xf32>
    %mul3A_18 = arith.mulf %get3A_15, %get3A_15 : vector<32x256xf32>
    %reduce_sum3A_19 = arith.constant dense<0.000000e+00> : vector<32xf32>
    %reduce_sum3A_20 = vector.multi_reduction <add>, %mul3A_18, %reduce_sum3A_19 [1] : vector<32x256xf32> to vector<32xf32>
    %broadcast_in_dim3A_21 = vector.shape_cast %reduce_sum3A_20 : vector<32xf32> to vector<32x1xf32>
    %rsqrt3A_22 = math.rsqrt %broadcast_in_dim3A_21 : vector<32x1xf32>
    %mul3A_23 = vector.broadcast %rsqrt3A_22 : vector<32x1xf32> to vector<32x256xf32>
    %mul3A_24 = arith.mulf %mul3A_17, %mul3A_23 : vector<32x256xf32>
    %tile3A = tpu.concatenate %mul3A_12, %mul3A_12, %mul3A_12, %mul3A_12, %mul3A_12, %mul3A_12, %mul3A_12, %mul3A_12, %mul3A_12, %mul3A_12, %mul3A_12, %mul3A_12, %mul3A_12, %mul3A_12, %mul3A_12, %mul3A_12, %mul3A_12, %mul3A_12, %mul3A_12, %mul3A_12, %mul3A_12, %mul3A_12, %mul3A_12, %mul3A_12, %mul3A_12, %mul3A_12, %mul3A_12, %mul3A_12, %mul3A_12, %mul3A_12, %mul3A_12, %mul3A_12 in 0 : vector<32x256xf32>, vector<32x256xf32>, vector<32x256xf32>, vector<32x256xf32>, vector<32x256xf32>, vector<32x256xf32>, vector<32x256xf32>, vector<32x256xf32>, vector<32x256xf32>, vector<32x256xf32>, vector<32x256xf32>, vector<32x256xf32>, vector<32x256xf32>, vector<32x256xf32>, vector<32x256xf32>, vector<32x256xf32>, vector<32x256xf32>, vector<32x256xf32>, vector<32x256xf32>, vector<32x256xf32>, vector<32x256xf32>, vector<32x256xf32>, vector<32x256xf32>, vector<32x256xf32>, vector<32x256xf32>, vector<32x256xf32>, vector<32x256xf32>, vector<32x256xf32>, vector<32x256xf32>, vector<32x256xf32>, vector<32x256xf32>, vector<32x256xf32> -> vector<1024x256xf32>
    %broadcast_in_dim3A_25 = vector.shape_cast %mul3A_24 : vector<32x256xf32> to vector<32x1x256xf32>
    %broadcast_in_dim3A_26 = vector.broadcast %broadcast_in_dim3A_25 : vector<32x1x256xf32> to vector<32x32x256xf32>
    %reshape3A = vector.shape_cast %broadcast_in_dim3A_26 : vector<32x32x256xf32> to vector<1024x256xf32>
    %concatenate3A = tpu.concatenate %tile3A, %reshape3A in 1 : vector<1024x256xf32>, vector<1024x256xf32> -> vector<1024x512xf32>
    %swap3A = arith.constant 0 : index
    %swap3A_27 = arith.constant 0 : index
    %swap3A_28 = vector.load %arg3[%swap3A, %swap3A_27] : memref<1024x512xf32, #tpu.memory_space<vmem>>, vector<1024x512xf32>
    tpu.vector_store %arg3[%swap3A, %swap3A_27], %concatenate3A {strides = array<i32>} : memref<1024x512xf32, #tpu.memory_space<vmem>>, vector<1024x512xf32>,
    return
  }
}

</mosaic_0001>

<sc_bundles>
// kernel: kernel.4.cloned.1.call-start
scs
__scs_entry_jumppad:
0x0: {  	(pc) =	sbr.rel $0x88, $3  }
0x1: {  	(tag) =	ssettag $0x0;
	lr =	simm.s32 $0x1  }
0x2: {  	[smem:$0x3F9D] =	sst lr;
	_ =	strace $0xD0000000  }
0x3: {  	_ = 	snop  }
0x4: {  	_ = 	snop  }
0x5: {  	_ = 	snop  }
0x6: {  	_ = 	snop  }
0x7: {  	_ = 	snop  }
__scs_overlays_trampoline_lowered:
0x8: {  	[smem:$0x3FAC] =	sst s0  }
0x9: {  	[smem:$0x3FAD] =	sst s1  }
0xa: {  	[smem:$0x3FAE] =	sst s2  }
0xb: {  	[smem:$0x3FAF] =	sst s3  }
0xc: {  	[smem:$0x3FB0] =	sst s4  }
0xd: {  	[smem:$0x3FB1] =	sst s5  }
0xe: {  	[smem:$0x3FB2] =	sst s6  }
0xf: {  	[smem:$0x3FB3] =	sst s7  }
0x10: {  	[smem:$0x3FB4] =	sst s8  }
0x11: {  	[smem:$0x3FB5] =	sst s9;
	s0 =	simm.s32 @!p0 $0x0  }
0x12: {  	s1 =	sld [smem:$0x3F9B];
	s0 =	simm.s32 @p0 $0x1  }
0x13: {  	[smem:$0x3FB6] =	sst s0;
	s0 =	simm.s32 @!p1 $0x0  }
0x14: {  	s2 =	sld [smem:$0x3F9A];
	s0 =	simm.s32 @p1 $0x1  }
0x15: {  	[smem:$0x3FB7] =	sst s0;
	s0 =	simm.s32 @!p2 $0x0  }
0x16: {  	s3 =	sld [smem:$0x3FDB];
	s0 =	simm.s32 @p2 $0x1  }
0x17: {  	s4 =	simm.s32 $0x1BF5;
	[smem:$0x3FB9] =	sst s0  }
0x18: {  	s0 =	sld [smem:$0x3F9C];
	_ =	swait.ge [sflag:s4], $0x0  }
0x19: {  	s7 =	sld [smem:$0x3F9D]  }
0x1a: {  	s8 =	sadd.s32 $0xFFFFE003, lr  }
0x1b: {  	s9 =	sadd.s32 $0xFFFFFEF7, lr;
	s5 =	simm.s32 $0xFFFFFFFF;
	p2 =	slt.u32 s8, $0xFFFFF086  }
0x1c: {  	p1 =	slt.u32 s9, $0xF7A;
	s5 =	simm.s32 @!p2 $0x0  }
0x1d: {  	s5 =	simm.s32 @p1 $0x1;
	p0 =	seq.s32 s7, s2  }
0x1e: {  	s7 =	smul.u32 @!p0 $0xF7A, s2;
	p2 =	seq.s32 @!p0 s5, $0x0  }
0x1f: {  	s9 =	smul.u32 $0xF7A, s1;
	s8 =	simm.s32 @!p0 $0x1BF5;
	p2 =	por !p2, p0  }
0x20: {  	[sflag:s8] =	ssyncset.s32 @!p0 $0xFFFFF086;
	s6 =	sadd.s32 @!p0 s3, s7;
	s7 =	simm.s32 @!p0 $0x108  }
0x21: {  	s3 =	sadd.s32 s3, s9;
	s6 =	sadd.s32 @!p0 $0x88, s6;
	s7 =	simm.s32 @p2 $0x1082  }
0x22: {  	[simem:s7], [sflag:s8] =	dma.local @!p0 [hbm:s6], $0xF7A  }
0x23: {  	s9 =	sor.u32 $0xD0000000, s2;
	s6 =	simm.s32 $0x108;
	_ =	swait.ge @!p0 [sflag:s8], $0x0  }
0x24: {  	s3 =	sadd.s32 $0x88, s3;
	s6 =	simm.s32 @!p1 $0x1082;
	[sflag:s4] =	ssyncset.s32 $0xFFFFF086  }
0x25: {  	[simem:s6], [sflag:s4] =	dma.local [hbm:s3], $0xF7A  }
0x26: {  	[smem:$0x3F9D] =	sst s1;
	(tag) =	ssettag s2;
	_ =	strace s9  }
0x27: {  	s1 =	sld [smem:$0x3FAD]  }
0x28: {  	s2 =	sld [smem:$0x3FAE]  }
0x29: {  	s4 =	sld [smem:$0x3FB0]  }
0x2a: {  	p0 =	seq.s32 s5, $0x0;
	s5 =	sld [smem:$0x3FB1]  }
0x2b: {  	s6 =	sld [smem:$0x3FB2]  }
0x2c: {  	s7 =	sld [smem:$0x3FB3]  }
0x2d: {  	s3 =	simm.s32 $0x108;
	s8 =	sld [smem:$0x3FB4]  }
0x2e: {  	s3 =	simm.s32 @!p0 $0x1082;
	s9 =	sld [smem:$0x3FB5]  }
0x2f: {  	lr =	sadd.s32 s0, s3;
	s0 =	sld [smem:$0x3FAC]  }
0x30: {  	s3 =	sld [smem:$0x3FAF]  }
0x31: {  	[smem:$0x3FB8] =	sst s10  }
0x32: {  	s10 =	sld [smem:$0x3FB6];
	_ =	sdelay $0x3  }
0x33: {  	p0 =	seq.s32 s10, $0x1;
	s10 =	sld [smem:$0x3FB8];
	_ =	sdelay $0x3  }
0x34: {  	[smem:$0x3FB8] =	sst s10  }
0x35: {  	s10 =	sld [smem:$0x3FB7];
	_ =	sdelay $0x3  }
0x36: {  	p1 =	seq.s32 s10, $0x1;
	s10 =	sld [smem:$0x3FB8];
	_ =	sdelay $0x3  }
0x37: {  	[smem:$0x3FB8] =	sst s10  }
0x38: {  	s10 =	sld [smem:$0x3FB9]  }
0x39: {  	_ = 	snop;
	(pc) =	sbr.ind lr, $3  }
0x3a: {  	_ = 	snop  }
0x3b: {  	_ = 	snop  }
0x3c: {  	p2 =	seq.s32 s10, $0x1;
	s10 =	sld [smem:$0x3FB8]  }
0x3d: {  	_ =	shalt  }
0x3e: {  	_ =	shalt  }
0x3f: {  	_ =	shalt  }
0x40: {  	_ =	shalt  }
0x41: {  	_ =	shalt  }
0x42: {  	_ =	shalt  }
0x43: {  	_ =	shalt  }
0x44: {  	_ =	shalt  }
0x45: {  	_ =	shalt  }
0x46: {  	_ =	shalt  }
0x47: {  	_ =	shalt  }
0x48: {  	_ =	shalt  }
0x49: {  	_ =	shalt  }
0x4a: {  	_ =	shalt  }
0x4b: {  	_ =	shalt  }
0x4c: {  	_ =	shalt  }
0x4d: {  	_ =	shalt  }
0x4e: {  	_ =	shalt  }
0x4f: {  	_ =	shalt  }
0x50: {  	_ =	shalt  }
0x51: {  	_ =	shalt  }
0x52: {  	_ =	shalt  }
0x53: {  	_ =	shalt  }
0x54: {  	_ =	shalt  }
0x55: {  	_ =	shalt  }
0x56: {  	_ =	shalt  }
0x57: {  	_ =	shalt  }
0x58: {  	_ =	shalt  }
0x59: {  	_ =	shalt  }
0x5a: {  	_ =	shalt  }
0x5b: {  	_ =	shalt  }
0x5c: {  	_ =	shalt  }
0x5d: {  	_ =	shalt  }
0x5e: {  	_ =	shalt  }
0x5f: {  	_ =	shalt  }
0x60: {  	_ =	shalt  }
0x61: {  	_ =	shalt  }
0x62: {  	_ =	shalt  }
0x63: {  	_ =	shalt  }
0x64: {  	_ =	shalt  }
0x65: {  	_ =	shalt  }
0x66: {  	_ =	shalt  }
0x67: {  	_ =	shalt  }
0x68: {  	_ =	shalt  }
0x69: {  	_ =	shalt  }
0x6a: {  	_ =	shalt  }
0x6b: {  	_ =	shalt  }
0x6c: {  	_ =	shalt  }
0x6d: {  	_ =	shalt  }
0x6e: {  	_ =	shalt  }
0x6f: {  	_ =	shalt  }
0x70: {  	_ =	shalt  }
0x71: {  	_ =	shalt  }
0x72: {  	_ =	shalt  }
0x73: {  	_ =	shalt  }
0x74: {  	_ =	shalt  }
0x75: {  	_ =	shalt  }
0x76: {  	_ =	shalt  }
0x77: {  	_ =	shalt  }
0x78: {  	_ =	shalt  }
0x79: {  	_ =	shalt  }
0x7a: {  	_ =	shalt  }
0x7b: {  	_ =	shalt  }
0x7c: {  	_ =	shalt  }
0x7d: {  	_ =	shalt  }
0x7e: {  	_ =	shalt  }
0x7f: {  	_ =	shalt  }
0x80: {  	_ =	shalt  }
0x81: {  	_ =	shalt  }
0x82: {  	_ =	shalt  }
0x83: {  	_ =	shalt  }
0x84: {  	_ =	shalt  }
0x85: {  	_ =	shalt  }
0x86: {  	_ =	shalt  }
0x87: {  	_ =	shalt  }
.Lfunc_end0:
.L_simem_size_0:
called_computation_lowered:
.L_overlay_start_0:
0x88: {  	s2 =	sld [smem:$0x3FD9]  }
0x89: {  	s3 =	sld [smem:$0x3FFE];
	_ =	sdelay $0x1  }
0x8a: {  	s1 =	srdreg.scid  }
0x8b: {  	s0 =	sand.u32 $0x1, s1  }
0x8c: {  	s17 =	sshll.u32 s0, $0xA;
	s2 =	sadd.s32 s3, s2  }
0x8d: {  	s2 =	sadd.s32 s2, s17  }
0x8e: {  	[smem:$0x3FC4] =	sst s2  }
0x8f: {  	_ = 	snop  }
0x90: {  	s2 =	sld [smem:$0x3FD0];
	(tm) =	ssettm $0x1  }
0x91: {  	s18 =	sld [smem:$0x3FFB];
	_ =	sdelay $0x3  }
0x92: {  	_ =	strace s18  }
0x93: {  	s3 =	sld [smem:$0x3FFC];
	_ =	sdelay $0x3  }
0x94: {  	_ =	strace s3  }
0x95: {  	s3 =	sld [smem:$0x3FFD];
	_ =	sdelay $0x3  }
0x96: {  	_ =	strace s3  }
0x97: {  	_ =	strace $0x8FFFFFFF  }
0x98: {  	s19 =	sld [smem:$0x3FDB];
	_ =	sdelay $0x1  }
0x99: {  	s4 =	simm.s32 $_scs_section_size  }
0x9a: {  	s5 =	simm.s32 $_size__tile_overlayer_lowered;
	s6 =	simm.s32 $_tile_overlayer_lowered  }
0x9b: {  	s22 =	simm.s32 $0x1BFF;
	s21 =	sshll.u32 s6, $0x1;
	s3 =	sadd.s32 s4, s19  }
0x9c: {  	s7 =	simm.s32 $0x0;
	s20 =	sshll.u32 s5, $0x1;
	s5 =	sadd.s32 s21, s3  }
0x9d: {  	[timem:s7], [sflag:s22] =	dma.local [hbm:s5], s20  }
0x9e: {  	_ =	swait.ge [sflag:s22], s20  }
0x9f: {  	s4 =	ssub.s32 $0x0, s20;
	[sflag:s22] =	ssyncset.done $0x0  }
0xa0: {  	[sflag:s22] =	ssyncadd.s32 s4;
	_ =	sdelay $0x1  }
0xa1: {  	s23 =	simm.s32 $0x1B8B  }
0xa2: {  	_ =	swait.ge [sflag:s23], $0x1  }
0xa3: {  	[sflag:s23] =	ssyncset.done $0x0  }
0xa4: {  	s25 =	simm.s32 $0x1B8E;
	s24 =	sld [smem:$0x3FFE];
	[sflag:s23] =	ssyncadd.s32 $0xFFFFFFFF  }
0xa5: {  	s26 =	simm.s32 $execute0_lowered;
	[smem:$0x3FD2] =	sst s25  }
0xa6: {  	s5 =	sshll.u32 s26, $0x1;
	_ =	strace $0x80000046;
	[dreg:$0x1] =	wrdreg $0xFFFFFFFF  }
0xa7: {  	s28 =	simm.s32 $_size_execute0_lowered;
	s3 =	sadd.s32 s3, s5;
	[dreg:$0x0] =	wrdreg $0x0  }
0xa8: {  	s5 =	sshll.u32 s28, $0x1;
	[dreg:$0x2] =	wrdreg s3  }
0xa9: {  	[dreg:$0x3] =	wrdreg s5  }
0xaa: {  	[dreg:$0x4] =	wrdreg $0xC0  }
0xab: {  	_ =	task [dreg:s7], $0x5FFFF  }
0xac: {  	[dreg:$0x1] =	wrdreg $0xFFFFFFFF  }
0xad: {  	[dreg:$0x0] =	wrdreg $0x60  }
0xae: {  	[dreg:$0x2] =	wrdreg s24  }
0xaf: {  	[dreg:$0x3] =	wrdreg s2  }
0xb0: {  	[dreg:$0x4] =	wrdreg $0x9  }
0xb1: {  	_ =	task.clear_ibuf [dreg:s7], $0x5FFFF;
	_ =	strace $0x90000046  }
0xb2: {  	s29 =	simm.s32 $0x9;
	_ =	strace $0x80000048  }
0xb3: {  	_ =	swait.ge [sflag:s29], $0x1  }
0xb4: {  	[sflag:s29] =	ssyncadd.s32 $0xFFFFFFFF  }
0xb5: {  	_ =	strace $0x90000048  }
0xb6: {  	_ =	sfence  }
0xb7: {  	s30 =	sld [smem:$0x0];
	_ =	sdelay $0x2  }
0xb8: {  	s31 =	sshll.u32 s1, $0xD;
	s1 =	sshrl.u32 s1, $0x2  }
0xb9: {  	s3 =	sand.u32 $0x4000, s31;
	s1 =	sadd.s32 s1, s30  }
0xba: {  	s0 =	sor.u32 s3, s0;
	s1 =	sshll.u32 s1, $0x11  }
0xbb: {  	s0 =	sor.u32 s1, s0  }
0xbc: {  	s0 =	sadd.s32 $0x8F2B, s0  }
0xbd: {  	[sflag:s0] =	ssyncadd.remote.s32 $0x1  }
0xbe: {  	_ =	sfence.sel $0xFFFF  }
0xbf: {  	[dreg:$0x0] =	wrdreg $0xFFFFFFFF;
	(pc) =	sbr.abs _section_cstart, $3  }
0xc0: {  	[dreg:$0x1] =	wrdreg $0xFFFFFFFF  }
0xc1: {  	_ =	task.clear_ibuf [dreg:s7], $0x2FFFF;
	_ =	strace $0x9FFFFFFF  }
0xc2: {  	(tm) =	ssettm $0x7FFFFFFF  }
0xc3: {  	_ =	shalt  }
tec
execute0_lowered:
.L_overlay_start_1:
0x0: {  	(tag) =	ssettag $0x1  }
0x1: {  	s0 =	srdreg.scid  }
0x2: {  	s3 =	stileid.u32;
	s1 =	sand.u32 $0x1, s0  }
0x3: {  	s4 =	sshll.u32 s3, $0xC;
	s5 =	sshll.u32 s1, $0xB  }
0x4: {  	s2 =	rddreg [dreg:$0x0];
	s4 =	sor.u32 s5, s4  }
0x5: {  	s10 =	rddreg [dreg:$0x1];
	s3 =	simm.s32 $0x0;
	s2 =	sadd.s32 s4, s2  }
0x6: {  	[smem:$0x7FF] =	sst s3;
	s4 =	sadd.s32 s10, s4;
	s2 =	sadd.s32 $0xA00, s2  }
0x7: {  	_ =	strace $0x80000047;
	s0 =	sadd.s32 $0x10000, s4;
	[dreg:$0x3] =	wrdreg s2  }
0x8: {  	s11 =	sadd.s32 $0x20000, s4;
	[dreg:$0x4] =	wrdreg s0  }
0x9: {  	s12 =	sadd.s32 $0x30000, s4;
	[dreg:$0x5] =	wrdreg s11  }
0xa: {  	s13 =	sadd.s32 $0x40000, s4;
	[dreg:$0x6] =	wrdreg s12  }
0xb: {  	s14 =	sadd.s32 $0x50000, s4;
	[dreg:$0x7] =	wrdreg s13  }
0xc: {  	s15 =	sadd.s32 $0x60000, s4;
	[dreg:$0x8] =	wrdreg s14  }
0xd: {  	s16 =	sadd.s32 $0x70000, s4;
	[dreg:$0x9] =	wrdreg s15  }
0xe: {  	s17 =	sadd.s32 $0x80000, s4;
	[dreg:$0xa] =	wrdreg s16  }
0xf: {  	s18 =	sadd.s32 $0x90000, s4;
	[dreg:$0xb] =	wrdreg s17  }
0x10: {  	s19 =	sadd.s32 $0xA0000, s4;
	[dreg:$0xc] =	wrdreg s18  }
0x11: {  	s20 =	sadd.s32 $0xB0000, s4;
	[dreg:$0xd] =	wrdreg s19  }
0x12: {  	s21 =	sadd.s32 $0xC0000, s4;
	[dreg:$0xe] =	wrdreg s20  }
0x13: {  	s22 =	sadd.s32 $0xD0000, s4;
	[dreg:$0xf] =	wrdreg s21  }
0x14: {  	s23 =	sadd.s32 $0xE0000, s4;
	[dreg:$0x10] =	wrdreg s22  }
0x15: {  	s24 =	sadd.s32 $0xF0000, s4;
	[dreg:$0x11] =	wrdreg s23  }
0x16: {  	s25 =	sadd.s32 $0x100000, s4;
	[dreg:$0x12] =	wrdreg s24  }
0x17: {  	s26 =	sadd.s32 $0x110000, s4;
	[dreg:$0x13] =	wrdreg s25  }
0x18: {  	s5 =	sadd.s32 $0x130000, s4;
	[dreg:$0x14] =	wrdreg s26  }
0x19: {  	s6 =	sadd.s32 $0x140000, s4;
	[dreg:$0x16] =	wrdreg s5  }
0x1a: {  	s7 =	sadd.s32 $0x150000, s4;
	[dreg:$0x17] =	wrdreg s6  }
0x1b: {  	s8 =	sadd.s32 $0x160000, s4;
	[dreg:$0x18] =	wrdreg s7  }
0x1c: {  	s9 =	sadd.s32 $0x170000, s4;
	[dreg:$0x19] =	wrdreg s8  }
0x1d: {  	s10 =	sadd.s32 $0x180000, s4;
	[dreg:$0x1a] =	wrdreg s9  }
0x1e: {  	s2 =	sadd.s32 $0x120000, s4;
	[dreg:$0x1b] =	wrdreg s10  }
0x1f: {  	s11 =	sadd.s32 $0x190000, s4;
	[dreg:$0x15] =	wrdreg s2  }
0x20: {  	p0 =	por $0x0, $0x0;
	s12 =	sadd.s32 $0x1A0000, s4;
	[dreg:$0x1c] =	wrdreg s11  }
0x21: {  	s31 =	simm.s32 $0x2;
	s13 =	sadd.s32 $0x1B0000, s4;
	[dreg:$0x1d] =	wrdreg s12  }
0x22: {  	s1 =	ssub.s32 $0x2, s1;
	s14 =	sadd.s32 $0x1C0000, s4;
	[dreg:$0x1e] =	wrdreg s13  }
0x23: {  	s28 =	sadd.s32 $0x3D0000, s4;
	s15 =	sadd.s32 $0x1D0000, s4;
	[dreg:$0x1f] =	wrdreg s14  }
0x24: {  	s29 =	sadd.s32 $0x3E0000, s4;
	s16 =	sadd.s32 $0x1E0000, s4;
	[smem:$0x7F4] =	sst s15  }
0x25: {  	s30 =	sadd.s32 $0x3F0000, s4;
	s17 =	sadd.s32 $0x1F0000, s4;
	[smem:$0x7F5] =	sst s16  }
0x26: {  	s18 =	sadd.s32 $0x200000, s4;
	s19 =	sadd.s32 $0x210000, s4;
	[smem:$0x7F6] =	sst s17  }
0x27: {  	s20 =	sadd.s32 $0x220000, s4;
	s21 =	sadd.s32 $0x230000, s4;
	[smem:$0x7F7] =	sst s18  }
0x28: {  	s22 =	sadd.s32 $0x240000, s4;
	s23 =	sshrl.u32 s1, $0x1;
	[smem:$0x7F8] =	sst s19  }
0x29: {  	s24 =	sadd.s32 $0x250000, s4;
	s25 =	sadd.s32 $0x260000, s4;
	[smem:$0x7F9] =	sst s20  }
0x2a: {  	s5 =	sadd.s32 $0x270000, s4;
	s6 =	sadd.s32 $0x280000, s4;
	[smem:$0x7FA] =	sst s21  }
0x2b: {  	s7 =	sadd.s32 $0x290000, s4;
	s8 =	sadd.s32 $0x2A0000, s4;
	[smem:$0x7FB] =	sst s22  }
0x2c: {  	s9 =	sadd.s32 $0x2B0000, s4;
	s10 =	sadd.s32 $0x2C0000, s4;
	[smem:$0x7FC] =	sst s24  }
0x2d: {  	s1 =	ssub.s32 s1, s23;
	[smem:$0x7FD] =	sst s25;
	s11 =	sadd.s32 $0x2D0000, s4  }
0x2e: {  	s12 =	sadd.s32 $0x2E0000, s4;
	s13 =	sadd.s32 $0x2F0000, s4;
	s26 =	smax.u32 s1, $0x1  }
0x2f: {  	s14 =	sadd.s32 $0x300000, s4;
	s15 =	sadd.s32 $0x310000, s4;
	p1 =	sne.s32 s26, $0x1  }
.Ltmp0:
0x30: {  	s16 =	sadd.s32 $0x320000, s4;
	s17 =	sadd.s32 $0x330000, s4;
	(pc) =	sbr.rel @!p1 .LBB2_3-.Ltmp0, $4  }
0x31: {  	s18 =	sadd.s32 $0x340000, s4;
	s19 =	sadd.s32 $0x350000, s4;
	s20 =	sadd.s32 $0x360000, s4  }
0x32: {  	s21 =	sadd.s32 $0x370000, s4;
	s22 =	sadd.s32 $0x380000, s4;
	s23 =	sadd.s32 $0x390000, s4  }
0x33: {  	s24 =	sadd.s32 $0x3A0000, s4;
	s25 =	sadd.s32 $0x3B0000, s4;
	s2 =	simm.s32 $0x1  }
0x34: {  	s0 =	rddreg [dreg:$0x3];
	s1 =	sadd.s32 $0xFFFFFFFF, s26;
	s26 =	sadd.s32 $0x3C0000, s4  }
0x35: {  	[tilespmem:s3], [sflag:$0x2] =	stream.linear.gather [hbm4b:s0+s3], $0x4000, $0x38;
	[tilespmem:$0x4000] =	vst v63  }
0x36: {  	_ =	swait.ge [sflag:s31], $0x4000  }
0x37: {  	[sflag:s31] =	ssyncset.done $0x0;
	s0 =	rddreg [dreg:$0x4]  }
0x38: {  	[smem:$0x7F3] =	sst s1;
	[sflag:s31] =	ssyncadd.s32 $0xFFFFC000  }
0x39: {  	[hbm4b:s4+s3] =	stream.linear.scatter [tilespmem:s3], [sflag:$0x1], $0x4000, $0x38;
	[tilespmem:$0x4000] =	vst v63  }
0x3a: {  	s1 =	rddreg [dreg:$0x5]  }
0x3b: {  	[hbm4b:s0+s3] =	stream.linear.scatter [tilespmem:s3], [sflag:$0x1], $0x4000, $0x38;
	[tilespmem:$0x4000] =	vst v63  }
0x3c: {  	s0 =	rddreg [dreg:$0x6]  }
0x3d: {  	[hbm4b:s1+s3] =	stream.linear.scatter [tilespmem:s3], [sflag:$0x1], $0x4000, $0x38;
	[tilespmem:$0x4000] =	vst v63  }
0x3e: {  	s1 =	rddreg [dreg:$0x7]  }
0x3f: {  	[hbm4b:s0+s3] =	stream.linear.scatter [tilespmem:s3], [sflag:$0x1], $0x4000, $0x38;
	[tilespmem:$0x4000] =	vst v63  }
0x40: {  	s0 =	rddreg [dreg:$0x8]  }
0x41: {  	[hbm4b:s1+s3] =	stream.linear.scatter [tilespmem:s3], [sflag:$0x1], $0x4000, $0x38;
	[tilespmem:$0x4000] =	vst v63  }
0x42: {  	s1 =	rddreg [dreg:$0x9]  }
0x43: {  	[hbm4b:s0+s3] =	stream.linear.scatter [tilespmem:s3], [sflag:$0x1], $0x4000, $0x38;
	[tilespmem:$0x4000] =	vst v63  }
0x44: {  	s0 =	rddreg [dreg:$0xa]  }
0x45: {  	[hbm4b:s1+s3] =	stream.linear.scatter [tilespmem:s3], [sflag:$0x1], $0x4000, $0x38;
	[tilespmem:$0x4000] =	vst v63  }
0x46: {  	s1 =	rddreg [dreg:$0xb]  }
0x47: {  	[hbm4b:s0+s3] =	stream.linear.scatter [tilespmem:s3], [sflag:$0x1], $0x4000, $0x38;
	[tilespmem:$0x4000] =	vst v63  }
0x48: {  	s0 =	rddreg [dreg:$0xc]  }
0x49: {  	[hbm4b:s1+s3] =	stream.linear.scatter [tilespmem:s3], [sflag:$0x1], $0x4000, $0x38;
	[tilespmem:$0x4000] =	vst v63  }
0x4a: {  	s1 =	rddreg [dreg:$0xd]  }
0x4b: {  	[hbm4b:s0+s3] =	stream.linear.scatter [tilespmem:s3], [sflag:$0x1], $0x4000, $0x38;
	[tilespmem:$0x4000] =	vst v63  }
0x4c: {  	s0 =	rddreg [dreg:$0xe]  }
0x4d: {  	[hbm4b:s1+s3] =	stream.linear.scatter [tilespmem:s3], [sflag:$0x1], $0x4000, $0x38;
	[tilespmem:$0x4000] =	vst v63  }
0x4e: {  	s1 =	rddreg [dreg:$0xf]  }
0x4f: {  	[hbm4b:s0+s3] =	stream.linear.scatter [tilespmem:s3], [sflag:$0x1], $0x4000, $0x38;
	[tilespmem:$0x4000] =	vst v63  }
0x50: {  	s0 =	rddreg [dreg:$0x10]  }
0x51: {  	[hbm4b:s1+s3] =	stream.linear.scatter [tilespmem:s3], [sflag:$0x1], $0x4000, $0x38;
	[tilespmem:$0x4000] =	vst v63  }
0x52: {  	s1 =	rddreg [dreg:$0x11]  }
0x53: {  	[hbm4b:s0+s3] =	stream.linear.scatter [tilespmem:s3], [sflag:$0x1], $0x4000, $0x38;
	[tilespmem:$0x4000] =	vst v63  }
0x54: {  	s0 =	rddreg [dreg:$0x12]  }
0x55: {  	[hbm4b:s1+s3] =	stream.linear.scatter [tilespmem:s3], [sflag:$0x1], $0x4000, $0x38;
	[tilespmem:$0x4000] =	vst v63  }
0x56: {  	s1 =	rddreg [dreg:$0x13]  }
0x57: {  	[hbm4b:s0+s3] =	stream.linear.scatter [tilespmem:s3], [sflag:$0x1], $0x4000, $0x38;
	[tilespmem:$0x4000] =	vst v63  }
0x58: {  	s0 =	rddreg [dreg:$0x14]  }
0x59: {  	[hbm4b:s1+s3] =	stream.linear.scatter [tilespmem:s3], [sflag:$0x1], $0x4000, $0x38;
	[tilespmem:$0x4000] =	vst v63  }
0x5a: {  	s1 =	rddreg [dreg:$0x15]  }
0x5b: {  	[hbm4b:s0+s3] =	stream.linear.scatter [tilespmem:s3], [sflag:$0x1], $0x4000, $0x38;
	[tilespmem:$0x4000] =	vst v63  }
0x5c: {  	s0 =	rddreg [dreg:$0x16]  }
0x5d: {  	[hbm4b:s1+s3] =	stream.linear.scatter [tilespmem:s3], [sflag:$0x1], $0x4000, $0x38;
	[tilespmem:$0x4000] =	vst v63  }
0x5e: {  	s1 =	rddreg [dreg:$0x17]  }
0x5f: {  	[hbm4b:s0+s3] =	stream.linear.scatter [tilespmem:s3], [sflag:$0x1], $0x4000, $0x38;
	[tilespmem:$0x4000] =	vst v63  }
0x60: {  	s0 =	rddreg [dreg:$0x18]  }
0x61: {  	[hbm4b:s1+s3] =	stream.linear.scatter [tilespmem:s3], [sflag:$0x1], $0x4000, $0x38;
	[tilespmem:$0x4000] =	vst v63  }
0x62: {  	s1 =	rddreg [dreg:$0x19]  }
0x63: {  	[hbm4b:s0+s3] =	stream.linear.scatter [tilespmem:s3], [sflag:$0x1], $0x4000, $0x38;
	[tilespmem:$0x4000] =	vst v63  }
0x64: {  	s0 =	rddreg [dreg:$0x1a]  }
0x65: {  	[hbm4b:s1+s3] =	stream.linear.scatter [tilespmem:s3], [sflag:$0x1], $0x4000, $0x38;
	[tilespmem:$0x4000] =	vst v63  }
0x66: {  	s1 =	rddreg [dreg:$0x1b]  }
0x67: {  	[hbm4b:s0+s3] =	stream.linear.scatter [tilespmem:s3], [sflag:$0x1], $0x4000, $0x38;
	[tilespmem:$0x4000] =	vst v63  }
0x68: {  	s0 =	rddreg [dreg:$0x1c]  }
0x69: {  	[hbm4b:s1+s3] =	stream.linear.scatter [tilespmem:s3], [sflag:$0x1], $0x4000, $0x38;
	[tilespmem:$0x4000] =	vst v63  }
0x6a: {  	s1 =	rddreg [dreg:$0x1d]  }
0x6b: {  	[hbm4b:s0+s3] =	stream.linear.scatter [tilespmem:s3], [sflag:$0x1], $0x4000, $0x38;
	[tilespmem:$0x4000] =	vst v63  }
0x6c: {  	s0 =	rddreg [dreg:$0x1e]  }
0x6d: {  	[hbm4b:s1+s3] =	stream.linear.scatter [tilespmem:s3], [sflag:$0x1], $0x4000, $0x38;
	[tilespmem:$0x4000] =	vst v63  }
0x6e: {  	s1 =	rddreg [dreg:$0x1f]  }
0x6f: {  	[hbm4b:s0+s3] =	stream.linear.scatter [tilespmem:s3], [sflag:$0x1], $0x4000, $0x38;
	[tilespmem:$0x4000] =	vst v63  }
0x70: {  	s0 =	sld [smem:$0x7F4]  }
0x71: {  	[hbm4b:s1+s3] =	stream.linear.scatter [tilespmem:s3], [sflag:$0x1], $0x4000, $0x38;
	[tilespmem:$0x4000] =	vst v63  }
0x72: {  	s1 =	sld [smem:$0x7F5]  }
0x73: {  	[hbm4b:s0+s3] =	stream.linear.scatter [tilespmem:s3], [sflag:$0x1], $0x4000, $0x38;
	[tilespmem:$0x4000] =	vst v63  }
0x74: {  	s0 =	sld [smem:$0x7F6]  }
0x75: {  	[hbm4b:s1+s3] =	stream.linear.scatter [tilespmem:s3], [sflag:$0x1], $0x4000, $0x38;
	[tilespmem:$0x4000] =	vst v63  }
0x76: {  	s1 =	sld [smem:$0x7F7]  }
0x77: {  	[hbm4b:s0+s3] =	stream.linear.scatter [tilespmem:s3], [sflag:$0x1], $0x4000, $0x38;
	[tilespmem:$0x4000] =	vst v63  }
0x78: {  	s0 =	sld [smem:$0x7F8]  }
0x79: {  	[hbm4b:s1+s3] =	stream.linear.scatter [tilespmem:s3], [sflag:$0x1], $0x4000, $0x38;
	[tilespmem:$0x4000] =	vst v63  }
0x7a: {  	s1 =	sld [smem:$0x7F9]  }
0x7b: {  	[hbm4b:s0+s3] =	stream.linear.scatter [tilespmem:s3], [sflag:$0x1], $0x4000, $0x38;
	[tilespmem:$0x4000] =	vst v63  }
0x7c: {  	s0 =	sld [smem:$0x7FA]  }
0x7d: {  	[hbm4b:s1+s3] =	stream.linear.scatter [tilespmem:s3], [sflag:$0x1], $0x4000, $0x38;
	[tilespmem:$0x4000] =	vst v63  }
0x7e: {  	s1 =	sld [smem:$0x7FB]  }
0x7f: {  	[hbm4b:s0+s3] =	stream.linear.scatter [tilespmem:s3], [sflag:$0x1], $0x4000, $0x38;
	[tilespmem:$0x4000] =	vst v63  }
0x80: {  	s0 =	sld [smem:$0x7FC]  }
0x81: {  	[hbm4b:s1+s3] =	stream.linear.scatter [tilespmem:s3], [sflag:$0x1], $0x4000, $0x38;
	[tilespmem:$0x4000] =	vst v63  }
0x82: {  	s1 =	sld [smem:$0x7FD]  }
0x83: {  	[hbm4b:s0+s3] =	stream.linear.scatter [tilespmem:s3], [sflag:$0x1], $0x4000, $0x38;
	[tilespmem:$0x4000] =	vst v63  }
0x84: {  	_ = 	snop  }
0x85: {  	[hbm4b:s1+s3] =	stream.linear.scatter [tilespmem:s3], [sflag:$0x1], $0x4000, $0x38;
	[tilespmem:$0x4000] =	vst v63  }
0x86: {  	_ = 	snop  }
0x87: {  	[hbm4b:s5+s3] =	stream.linear.scatter [tilespmem:s3], [sflag:$0x1], $0x4000, $0x38;
	[tilespmem:$0x4000] =	vst v63  }
0x88: {  	_ = 	snop  }
0x89: {  	[hbm4b:s6+s3] =	stream.linear.scatter [tilespmem:s3], [sflag:$0x1], $0x4000, $0x38;
	[tilespmem:$0x4000] =	vst v63  }
0x8a: {  	_ = 	snop  }
0x8b: {  	[hbm4b:s7+s3] =	stream.linear.scatter [tilespmem:s3], [sflag:$0x1], $0x4000, $0x38;
	[tilespmem:$0x4000] =	vst v63  }
0x8c: {  	_ = 	snop  }
0x8d: {  	[hbm4b:s8+s3] =	stream.linear.scatter [tilespmem:s3], [sflag:$0x1], $0x4000, $0x38;
	[tilespmem:$0x4000] =	vst v63  }
0x8e: {  	_ = 	snop  }
0x8f: {  	[hbm4b:s9+s3] =	stream.linear.scatter [tilespmem:s3], [sflag:$0x1], $0x4000, $0x38;
	[tilespmem:$0x4000] =	vst v63  }
0x90: {  	_ = 	snop  }
0x91: {  	[hbm4b:s10+s3] =	stream.linear.scatter [tilespmem:s3], [sflag:$0x1], $0x4000, $0x38;
	[tilespmem:$0x4000] =	vst v63  }
0x92: {  	_ = 	snop  }
0x93: {  	[hbm4b:s11+s3] =	stream.linear.scatter [tilespmem:s3], [sflag:$0x1], $0x4000, $0x38;
	[tilespmem:$0x4000] =	vst v63  }
0x94: {  	_ = 	snop  }
0x95: {  	[hbm4b:s12+s3] =	stream.linear.scatter [tilespmem:s3], [sflag:$0x1], $0x4000, $0x38;
	[tilespmem:$0x4000] =	vst v63  }
0x96: {  	_ = 	snop  }
0x97: {  	[hbm4b:s13+s3] =	stream.linear.scatter [tilespmem:s3], [sflag:$0x1], $0x4000, $0x38;
	[tilespmem:$0x4000] =	vst v63  }
0x98: {  	_ = 	snop  }
0x99: {  	[hbm4b:s14+s3] =	stream.linear.scatter [tilespmem:s3], [sflag:$0x1], $0x4000, $0x38;
	[tilespmem:$0x4000] =	vst v63  }
0x9a: {  	_ = 	snop  }
0x9b: {  	[hbm4b:s15+s3] =	stream.linear.scatter [tilespmem:s3], [sflag:$0x1], $0x4000, $0x38;
	[tilespmem:$0x4000] =	vst v63  }
0x9c: {  	_ = 	snop  }
0x9d: {  	[hbm4b:s16+s3] =	stream.linear.scatter [tilespmem:s3], [sflag:$0x1], $0x4000, $0x38;
	[tilespmem:$0x4000] =	vst v63  }
0x9e: {  	_ = 	snop  }
0x9f: {  	[hbm4b:s17+s3] =	stream.linear.scatter [tilespmem:s3], [sflag:$0x1], $0x4000, $0x38;
	[tilespmem:$0x4000] =	vst v63  }
0xa0: {  	_ = 	snop  }
0xa1: {  	[hbm4b:s18+s3] =	stream.linear.scatter [tilespmem:s3], [sflag:$0x1], $0x4000, $0x38;
	[tilespmem:$0x4000] =	vst v63  }
0xa2: {  	_ = 	snop  }
0xa3: {  	[hbm4b:s19+s3] =	stream.linear.scatter [tilespmem:s3], [sflag:$0x1], $0x4000, $0x38;
	[tilespmem:$0x4000] =	vst v63  }
0xa4: {  	_ = 	snop  }
0xa5: {  	[hbm4b:s20+s3] =	stream.linear.scatter [tilespmem:s3], [sflag:$0x1], $0x4000, $0x38;
	[tilespmem:$0x4000] =	vst v63  }
0xa6: {  	_ = 	snop  }
0xa7: {  	[hbm4b:s21+s3] =	stream.linear.scatter [tilespmem:s3], [sflag:$0x1], $0x4000, $0x38;
	[tilespmem:$0x4000] =	vst v63  }
0xa8: {  	_ = 	snop  }
0xa9: {  	[hbm4b:s22+s3] =	stream.linear.scatter [tilespmem:s3], [sflag:$0x1], $0x4000, $0x38;
	[tilespmem:$0x4000] =	vst v63  }
0xaa: {  	_ = 	snop  }
0xab: {  	[hbm4b:s23+s3] =	stream.linear.scatter [tilespmem:s3], [sflag:$0x1], $0x4000, $0x38;
	[tilespmem:$0x4000] =	vst v63  }
0xac: {  	_ = 	snop  }
0xad: {  	[hbm4b:s24+s3] =	stream.linear.scatter [tilespmem:s3], [sflag:$0x1], $0x4000, $0x38;
	[tilespmem:$0x4000] =	vst v63  }
0xae: {  	_ = 	snop  }
0xaf: {  	[hbm4b:s25+s3] =	stream.linear.scatter [tilespmem:s3], [sflag:$0x1], $0x4000, $0x38;
	[tilespmem:$0x4000] =	vst v63  }
0xb0: {  	_ = 	snop  }
0xb1: {  	[hbm4b:s26+s3] =	stream.linear.scatter [tilespmem:s3], [sflag:$0x1], $0x4000, $0x38;
	[tilespmem:$0x4000] =	vst v63  }
0xb2: {  	_ = 	snop  }
0xb3: {  	[hbm4b:s28+s3] =	stream.linear.scatter [tilespmem:s3], [sflag:$0x1], $0x4000, $0x38;
	[tilespmem:$0x4000] =	vst v63  }
0xb4: {  	_ = 	snop  }
0xb5: {  	[hbm4b:s29+s3] =	stream.linear.scatter [tilespmem:s3], [sflag:$0x1], $0x4000, $0x38;
	[tilespmem:$0x4000] =	vst v63  }
0xb6: {  	_ = 	snop  }
0xb7: {  	[hbm4b:s30+s3] =	stream.linear.scatter [tilespmem:s3], [sflag:$0x1], $0x4000, $0x38;
	[tilespmem:$0x4000] =	vst v63  }
0xb8: {  	_ =	swait.ge [sflag:s2], $0x4000  }
0xb9: {  	[sflag:s2] =	ssyncset.done $0x0  }
0xba: {  	[sflag:s2] =	ssyncadd.s32 $0xFFFFC000  }
0xbb: {  	_ =	swait.ge [sflag:s2], $0x4000  }
0xbc: {  	[sflag:s2] =	ssyncset.done $0x0  }
0xbd: {  	[sflag:s2] =	ssyncadd.s32 $0xFFFFC000  }
0xbe: {  	_ =	swait.ge [sflag:s2], $0x4000  }
0xbf: {  	[sflag:s2] =	ssyncset.done $0x0  }
0xc0: {  	[sflag:s2] =	ssyncadd.s32 $0xFFFFC000  }
0xc1: {  	_ =	swait.ge [sflag:s2], $0x4000  }
0xc2: {  	[sflag:s2] =	ssyncset.done $0x0  }
0xc3: {  	[sflag:s2] =	ssyncadd.s32 $0xFFFFC000  }
0xc4: {  	_ =	swait.ge [sflag:s2], $0x4000  }
0xc5: {  	[sflag:s2] =	ssyncset.done $0x0  }
0xc6: {  	[sflag:s2] =	ssyncadd.s32 $0xFFFFC000  }
0xc7: {  	_ =	swait.ge [sflag:s2], $0x4000  }
0xc8: {  	[sflag:s2] =	ssyncset.done $0x0  }
0xc9: {  	[sflag:s2] =	ssyncadd.s32 $0xFFFFC000  }
0xca: {  	_ =	swait.ge [sflag:s2], $0x4000  }
0xcb: {  	[sflag:s2] =	ssyncset.done $0x0  }
0xcc: {  	[sflag:s2] =	ssyncadd.s32 $0xFFFFC000  }
0xcd: {  	_ =	swait.ge [sflag:s2], $0x4000  }
0xce: {  	[sflag:s2] =	ssyncset.done $0x0  }
0xcf: {  	[sflag:s2] =	ssyncadd.s32 $0xFFFFC000  }
0xd0: {  	_ =	swait.ge [sflag:s2], $0x4000  }
0xd1: {  	[sflag:s2] =	ssyncset.done $0x0  }
0xd2: {  	[sflag:s2] =	ssyncadd.s32 $0xFFFFC000  }
0xd3: {  	_ =	swait.ge [sflag:s2], $0x4000  }
0xd4: {  	[sflag:s2] =	ssyncset.done $0x0  }
0xd5: {  	[sflag:s2] =	ssyncadd.s32 $0xFFFFC000  }
0xd6: {  	_ =	swait.ge [sflag:s2], $0x4000  }
0xd7: {  	[sflag:s2] =	ssyncset.done $0x0  }
0xd8: {  	[sflag:s2] =	ssyncadd.s32 $0xFFFFC000  }
0xd9: {  	_ =	swait.ge [sflag:s2], $0x4000  }
0xda: {  	[sflag:s2] =	ssyncset.done $0x0  }
0xdb: {  	[sflag:s2] =	ssyncadd.s32 $0xFFFFC000  }
0xdc: {  	_ =	swait.ge [sflag:s2], $0x4000  }
0xdd: {  	[sflag:s2] =	ssyncset.done $0x0  }
0xde: {  	[sflag:s2] =	ssyncadd.s32 $0xFFFFC000  }
0xdf: {  	_ =	swait.ge [sflag:s2], $0x4000  }
0xe0: {  	[sflag:s2] =	ssyncset.done $0x0  }
0xe1: {  	[sflag:s2] =	ssyncadd.s32 $0xFFFFC000  }
0xe2: {  	_ =	swait.ge [sflag:s2], $0x4000  }
0xe3: {  	[sflag:s2] =	ssyncset.done $0x0  }
0xe4: {  	[sflag:s2] =	ssyncadd.s32 $0xFFFFC000  }
0xe5: {  	_ =	swait.ge [sflag:s2], $0x4000  }
0xe6: {  	[sflag:s2] =	ssyncset.done $0x0  }
0xe7: {  	[sflag:s2] =	ssyncadd.s32 $0xFFFFC000  }
0xe8: {  	_ =	swait.ge [sflag:s2], $0x4000  }
0xe9: {  	[sflag:s2] =	ssyncset.done $0x0  }
0xea: {  	[sflag:s2] =	ssyncadd.s32 $0xFFFFC000  }
0xeb: {  	_ =	swait.ge [sflag:s2], $0x4000  }
0xec: {  	[sflag:s2] =	ssyncset.done $0x0  }
0xed: {  	[sflag:s2] =	ssyncadd.s32 $0xFFFFC000  }
0xee: {  	_ =	swait.ge [sflag:s2], $0x4000  }
0xef: {  	[sflag:s2] =	ssyncset.done $0x0  }
0xf0: {  	[sflag:s2] =	ssyncadd.s32 $0xFFFFC000  }
0xf1: {  	_ =	swait.ge [sflag:s2], $0x4000  }
0xf2: {  	[sflag:s2] =	ssyncset.done $0x0  }
0xf3: {  	[sflag:s2] =	ssyncadd.s32 $0xFFFFC000  }
0xf4: {  	_ =	swait.ge [sflag:s2], $0x4000  }
0xf5: {  	[sflag:s2] =	ssyncset.done $0x0  }
0xf6: {  	[sflag:s2] =	ssyncadd.s32 $0xFFFFC000  }
0xf7: {  	_ =	swait.ge [sflag:s2], $0x4000  }
0xf8: {  	[sflag:s2] =	ssyncset.done $0x0  }
0xf9: {  	[sflag:s2] =	ssyncadd.s32 $0xFFFFC000  }
0xfa: {  	_ =	swait.ge [sflag:s2], $0x4000  }
0xfb: {  	[sflag:s2] =	ssyncset.done $0x0  }
0xfc: {  	[sflag:s2] =	ssyncadd.s32 $0xFFFFC000  }
0xfd: {  	_ =	swait.ge [sflag:s2], $0x4000  }
0xfe: {  	[sflag:s2] =	ssyncset.done $0x0  }
0xff: {  	[sflag:s2] =	ssyncadd.s32 $0xFFFFC000  }
0x100: {  	_ =	swait.ge [sflag:s2], $0x4000  }
0x101: {  	[sflag:s2] =	ssyncset.done $0x0  }
0x102: {  	[sflag:s2] =	ssyncadd.s32 $0xFFFFC000  }
0x103: {  	_ =	swait.ge [sflag:s2], $0x4000  }
0x104: {  	[sflag:s2] =	ssyncset.done $0x0  }
0x105: {  	[sflag:s2] =	ssyncadd.s32 $0xFFFFC000  }
0x106: {  	_ =	swait.ge [sflag:s2], $0x4000  }
0x107: {  	[sflag:s2] =	ssyncset.done $0x0  }
0x108: {  	[sflag:s2] =	ssyncadd.s32 $0xFFFFC000  }
0x109: {  	_ =	swait.ge [sflag:s2], $0x4000  }
0x10a: {  	[sflag:s2] =	ssyncset.done $0x0  }
0x10b: {  	[sflag:s2] =	ssyncadd.s32 $0xFFFFC000  }
0x10c: {  	_ =	swait.ge [sflag:s2], $0x4000  }
0x10d: {  	[sflag:s2] =	ssyncset.done $0x0  }
0x10e: {  	[sflag:s2] =	ssyncadd.s32 $0xFFFFC000  }
0x10f: {  	_ =	swait.ge [sflag:s2], $0x4000  }
0x110: {  	[sflag:s2] =	ssyncset.done $0x0  }
0x111: {  	[sflag:s2] =	ssyncadd.s32 $0xFFFFC000  }
0x112: {  	_ =	swait.ge [sflag:s2], $0x4000  }
0x113: {  	[sflag:s2] =	ssyncset.done $0x0  }
0x114: {  	[sflag:s2] =	ssyncadd.s32 $0xFFFFC000  }
0x115: {  	_ =	swait.ge [sflag:s2], $0x4000  }
0x116: {  	[sflag:s2] =	ssyncset.done $0x0  }
0x117: {  	[sflag:s2] =	ssyncadd.s32 $0xFFFFC000  }
0x118: {  	_ =	swait.ge [sflag:s2], $0x4000  }
0x119: {  	[sflag:s2] =	ssyncset.done $0x0  }
0x11a: {  	[sflag:s2] =	ssyncadd.s32 $0xFFFFC000  }
0x11b: {  	_ =	swait.ge [sflag:s2], $0x4000  }
0x11c: {  	[sflag:s2] =	ssyncset.done $0x0  }
0x11d: {  	[sflag:s2] =	ssyncadd.s32 $0xFFFFC000  }
0x11e: {  	_ =	swait.ge [sflag:s2], $0x4000  }
0x11f: {  	[sflag:s2] =	ssyncset.done $0x0  }
0x120: {  	[sflag:s2] =	ssyncadd.s32 $0xFFFFC000  }
0x121: {  	_ =	swait.ge [sflag:s2], $0x4000  }
0x122: {  	[sflag:s2] =	ssyncset.done $0x0  }
0x123: {  	[sflag:s2] =	ssyncadd.s32 $0xFFFFC000  }
0x124: {  	_ =	swait.ge [sflag:s2], $0x4000  }
0x125: {  	[sflag:s2] =	ssyncset.done $0x0  }
0x126: {  	[sflag:s2] =	ssyncadd.s32 $0xFFFFC000  }
0x127: {  	_ =	swait.ge [sflag:s2], $0x4000  }
0x128: {  	[sflag:s2] =	ssyncset.done $0x0  }
0x129: {  	[sflag:s2] =	ssyncadd.s32 $0xFFFFC000  }
0x12a: {  	_ =	swait.ge [sflag:s2], $0x4000  }
0x12b: {  	[sflag:s2] =	ssyncset.done $0x0  }
0x12c: {  	[sflag:s2] =	ssyncadd.s32 $0xFFFFC000  }
0x12d: {  	_ =	swait.ge [sflag:s2], $0x4000  }
0x12e: {  	[sflag:s2] =	ssyncset.done $0x0  }
0x12f: {  	[sflag:s2] =	ssyncadd.s32 $0xFFFFC000  }
0x130: {  	_ =	swait.ge [sflag:s2], $0x4000  }
0x131: {  	[sflag:s2] =	ssyncset.done $0x0  }
0x132: {  	[sflag:s2] =	ssyncadd.s32 $0xFFFFC000  }
0x133: {  	_ =	swait.ge [sflag:s2], $0x4000  }
0x134: {  	[sflag:s2] =	ssyncset.done $0x0  }
0x135: {  	[sflag:s2] =	ssyncadd.s32 $0xFFFFC000  }
0x136: {  	_ =	swait.ge [sflag:s2], $0x4000  }
0x137: {  	[sflag:s2] =	ssyncset.done $0x0  }
0x138: {  	[sflag:s2] =	ssyncadd.s32 $0xFFFFC000  }
0x139: {  	_ =	swait.ge [sflag:s2], $0x4000  }
0x13a: {  	[sflag:s2] =	ssyncset.done $0x0  }
0x13b: {  	[sflag:s2] =	ssyncadd.s32 $0xFFFFC000  }
0x13c: {  	_ =	swait.ge [sflag:s2], $0x4000  }
0x13d: {  	[sflag:s2] =	ssyncset.done $0x0  }
0x13e: {  	[sflag:s2] =	ssyncadd.s32 $0xFFFFC000  }
0x13f: {  	_ =	swait.ge [sflag:s2], $0x4000  }
0x140: {  	[sflag:s2] =	ssyncset.done $0x0  }
0x141: {  	[sflag:s2] =	ssyncadd.s32 $0xFFFFC000  }
0x142: {  	_ =	swait.ge [sflag:s2], $0x4000  }
0x143: {  	[sflag:s2] =	ssyncset.done $0x0  }
0x144: {  	[sflag:s2] =	ssyncadd.s32 $0xFFFFC000  }
0x145: {  	_ =	swait.ge [sflag:s2], $0x4000  }
0x146: {  	[sflag:s2] =	ssyncset.done $0x0  }
0x147: {  	[sflag:s2] =	ssyncadd.s32 $0xFFFFC000  }
0x148: {  	_ =	swait.ge [sflag:s2], $0x4000  }
0x149: {  	[sflag:s2] =	ssyncset.done $0x0  }
0x14a: {  	[sflag:s2] =	ssyncadd.s32 $0xFFFFC000  }
0x14b: {  	_ =	swait.ge [sflag:s2], $0x4000  }
0x14c: {  	[sflag:s2] =	ssyncset.done $0x0  }
0x14d: {  	[sflag:s2] =	ssyncadd.s32 $0xFFFFC000  }
0x14e: {  	_ =	swait.ge [sflag:s2], $0x4000  }
0x14f: {  	[sflag:s2] =	ssyncset.done $0x0  }
0x150: {  	[sflag:s2] =	ssyncadd.s32 $0xFFFFC000  }
0x151: {  	_ =	swait.ge [sflag:s2], $0x4000  }
0x152: {  	[sflag:s2] =	ssyncset.done $0x0  }
0x153: {  	[sflag:s2] =	ssyncadd.s32 $0xFFFFC000  }
0x154: {  	_ =	swait.ge [sflag:s2], $0x4000  }
0x155: {  	[sflag:s2] =	ssyncset.done $0x0  }
0x156: {  	[sflag:s2] =	ssyncadd.s32 $0xFFFFC000  }
0x157: {  	_ =	swait.ge [sflag:s2], $0x4000  }
0x158: {  	[sflag:s2] =	ssyncset.done $0x0  }
0x159: {  	[sflag:s2] =	ssyncadd.s32 $0xFFFFC000  }
0x15a: {  	_ =	swait.ge [sflag:s2], $0x4000  }
0x15b: {  	[sflag:s2] =	ssyncset.done $0x0  }
0x15c: {  	[sflag:s2] =	ssyncadd.s32 $0xFFFFC000  }
0x15d: {  	_ =	swait.ge [sflag:s2], $0x4000  }
0x15e: {  	[sflag:s2] =	ssyncset.done $0x0  }
0x15f: {  	[sflag:s2] =	ssyncadd.s32 $0xFFFFC000  }
0x160: {  	_ =	swait.ge [sflag:s2], $0x4000  }
0x161: {  	[sflag:s2] =	ssyncset.done $0x0  }
0x162: {  	[sflag:s2] =	ssyncadd.s32 $0xFFFFC000  }
0x163: {  	_ =	swait.ge [sflag:s2], $0x4000  }
0x164: {  	[sflag:s2] =	ssyncset.done $0x0  }
0x165: {  	[sflag:s2] =	ssyncadd.s32 $0xFFFFC000  }
0x166: {  	_ =	swait.ge [sflag:s2], $0x4000  }
0x167: {  	[sflag:s2] =	ssyncset.done $0x0  }
0x168: {  	[sflag:s2] =	ssyncadd.s32 $0xFFFFC000  }
0x169: {  	_ =	swait.ge [sflag:s2], $0x4000  }
0x16a: {  	[sflag:s2] =	ssyncset.done $0x0  }
0x16b: {  	[sflag:s2] =	ssyncadd.s32 $0xFFFFC000  }
0x16c: {  	_ =	swait.ge [sflag:s2], $0x4000  }
0x16d: {  	[sflag:s2] =	ssyncset.done $0x0  }
0x16e: {  	[sflag:s2] =	ssyncadd.s32 $0xFFFFC000  }
0x16f: {  	_ =	swait.ge [sflag:s2], $0x4000  }
0x170: {  	[sflag:s2] =	ssyncset.done $0x0  }
0x171: {  	[sflag:s2] =	ssyncadd.s32 $0xFFFFC000  }
0x172: {  	_ =	swait.ge [sflag:s2], $0x4000  }
0x173: {  	s1 =	sld [smem:$0x7F3];
	_ =	sdelay $0x2  }
0x174: {  	p1 =	sne.s32 s1, $0x1  }
.Ltmp1:
0x175: {  	_ = 	snop;
	(pc) =	sbr.rel @!p1 .LBB2_3-.Ltmp1, $4  }
0x176: {  	[sflag:s2] =	ssyncset.done $0x0  }
0x177: {  	[sflag:s2] =	ssyncadd.s32 $0xFFFFC000  }
0x178: {  	p0 =	por $0x1, $0x1;
	_ =	swait.ge [sflag:s2], $0x4000  }
0x179: {  	s1 =	sadd.s32 $0xFFFFFFFF, s1;
	s0 =	rddreg [dreg:$0x3];
	[sflag:s2] =	ssyncset.done $0x0  }
.LBB2_2:
0x17a: {  	[sflag:s2] =	ssyncadd.s32 $0xFFFFC000  }
0x17b: {  	[tilespmem:s3], [sflag:$0x2] =	stream.linear.gather [hbm4b:s0+s3], $0x4000, $0x38;
	[tilespmem:$0x4000] =	vst v63  }
0x17c: {  	_ =	swait.ge [sflag:s31], $0x4000  }
0x17d: {  	[sflag:s31] =	ssyncset.done $0x0  }
0x17e: {  	s0 =	rddreg [dreg:$0x4];
	[sflag:s31] =	ssyncadd.s32 $0xFFFFC000  }
0x17f: {  	[hbm4b:s4+s3] =	stream.linear.scatter [tilespmem:s3], [sflag:$0x1], $0x4000, $0x38;
	[tilespmem:$0x4000] =	vst v63  }
0x180: {  	s31 =	smov.u32 s4;
	s4 =	smov.u32 s30;
	s30 =	smov.u32 s29  }
0x181: {  	s29 =	smov.u32 s28;
	s28 =	smov.u32 s26;
	s26 =	smov.u32 s25  }
0x182: {  	s25 =	smov.u32 s24;
	s24 =	smov.u32 s23;
	s23 =	smov.u32 s22  }
0x183: {  	s22 =	smov.u32 s21;
	s21 =	smov.u32 s20;
	s20 =	smov.u32 s19  }
0x184: {  	s19 =	smov.u32 s18;
	s18 =	smov.u32 s17;
	s17 =	smov.u32 s16  }
0x185: {  	s16 =	smov.u32 s15;
	s15 =	smov.u32 s14;
	s14 =	smov.u32 s13  }
0x186: {  	s13 =	smov.u32 s12;
	s12 =	smov.u32 s11;
	s11 =	smov.u32 s10  }
0x187: {  	s10 =	smov.u32 s9;
	s9 =	smov.u32 s8;
	s8 =	smov.u32 s7  }
0x188: {  	s7 =	smov.u32 s6;
	s6 =	smov.u32 s5;
	s5 =	rddreg [dreg:$0x5]  }
0x189: {  	[hbm4b:s0+s3] =	stream.linear.scatter [tilespmem:s3], [sflag:$0x1], $0x4000, $0x38;
	[tilespmem:$0x4000] =	vst v63  }
0x18a: {  	s0 =	rddreg [dreg:$0x6]  }
0x18b: {  	[hbm4b:s5+s3] =	stream.linear.scatter [tilespmem:s3], [sflag:$0x1], $0x4000, $0x38;
	[tilespmem:$0x4000] =	vst v63  }
0x18c: {  	s5 =	rddreg [dreg:$0x7]  }
0x18d: {  	[hbm4b:s0+s3] =	stream.linear.scatter [tilespmem:s3], [sflag:$0x1], $0x4000, $0x38;
	[tilespmem:$0x4000] =	vst v63  }
0x18e: {  	s0 =	rddreg [dreg:$0x8]  }
0x18f: {  	[hbm4b:s5+s3] =	stream.linear.scatter [tilespmem:s3], [sflag:$0x1], $0x4000, $0x38;
	[tilespmem:$0x4000] =	vst v63  }
0x190: {  	s5 =	rddreg [dreg:$0x9]  }
0x191: {  	[hbm4b:s0+s3] =	stream.linear.scatter [tilespmem:s3], [sflag:$0x1], $0x4000, $0x38;
	[tilespmem:$0x4000] =	vst v63  }
0x192: {  	s0 =	rddreg [dreg:$0xa]  }
0x193: {  	[hbm4b:s5+s3] =	stream.linear.scatter [tilespmem:s3], [sflag:$0x1], $0x4000, $0x38;
	[tilespmem:$0x4000] =	vst v63  }
0x194: {  	s5 =	rddreg [dreg:$0xb]  }
0x195: {  	[hbm4b:s0+s3] =	stream.linear.scatter [tilespmem:s3], [sflag:$0x1], $0x4000, $0x38;
	[tilespmem:$0x4000] =	vst v63  }
0x196: {  	s0 =	rddreg [dreg:$0xc]  }
0x197: {  	[hbm4b:s5+s3] =	stream.linear.scatter [tilespmem:s3], [sflag:$0x1], $0x4000, $0x38;
	[tilespmem:$0x4000] =	vst v63  }
0x198: {  	s5 =	rddreg [dreg:$0xd]  }
0x199: {  	[hbm4b:s0+s3] =	stream.linear.scatter [tilespmem:s3], [sflag:$0x1], $0x4000, $0x38;
	[tilespmem:$0x4000] =	vst v63  }
0x19a: {  	s0 =	rddreg [dreg:$0xe]  }
0x19b: {  	[hbm4b:s5+s3] =	stream.linear.scatter [tilespmem:s3], [sflag:$0x1], $0x4000, $0x38;
	[tilespmem:$0x4000] =	vst v63  }
0x19c: {  	s5 =	rddreg [dreg:$0xf]  }
0x19d: {  	[hbm4b:s0+s3] =	stream.linear.scatter [tilespmem:s3], [sflag:$0x1], $0x4000, $0x38;
	[tilespmem:$0x4000] =	vst v63  }
0x19e: {  	s0 =	rddreg [dreg:$0x10]  }
0x19f: {  	[hbm4b:s5+s3] =	stream.linear.scatter [tilespmem:s3], [sflag:$0x1], $0x4000, $0x38;
	[tilespmem:$0x4000] =	vst v63  }
0x1a0: {  	s5 =	rddreg [dreg:$0x11]  }
0x1a1: {  	[hbm4b:s0+s3] =	stream.linear.scatter [tilespmem:s3], [sflag:$0x1], $0x4000, $0x38;
	[tilespmem:$0x4000] =	vst v63  }
0x1a2: {  	s0 =	rddreg [dreg:$0x12]  }
0x1a3: {  	[hbm4b:s5+s3] =	stream.linear.scatter [tilespmem:s3], [sflag:$0x1], $0x4000, $0x38;
	[tilespmem:$0x4000] =	vst v63  }
0x1a4: {  	s5 =	rddreg [dreg:$0x13]  }
0x1a5: {  	[hbm4b:s0+s3] =	stream.linear.scatter [tilespmem:s3], [sflag:$0x1], $0x4000, $0x38;
	[tilespmem:$0x4000] =	vst v63  }
0x1a6: {  	s0 =	rddreg [dreg:$0x14]  }
0x1a7: {  	[hbm4b:s5+s3] =	stream.linear.scatter [tilespmem:s3], [sflag:$0x1], $0x4000, $0x38;
	[tilespmem:$0x4000] =	vst v63  }
0x1a8: {  	s5 =	rddreg [dreg:$0x15]  }
0x1a9: {  	[hbm4b:s0+s3] =	stream.linear.scatter [tilespmem:s3], [sflag:$0x1], $0x4000, $0x38;
	[tilespmem:$0x4000] =	vst v63  }
0x1aa: {  	s0 =	rddreg [dreg:$0x16]  }
0x1ab: {  	[hbm4b:s5+s3] =	stream.linear.scatter [tilespmem:s3], [sflag:$0x1], $0x4000, $0x38;
	[tilespmem:$0x4000] =	vst v63  }
0x1ac: {  	s5 =	rddreg [dreg:$0x17]  }
0x1ad: {  	[hbm4b:s0+s3] =	stream.linear.scatter [tilespmem:s3], [sflag:$0x1], $0x4000, $0x38;
	[tilespmem:$0x4000] =	vst v63  }
0x1ae: {  	s0 =	rddreg [dreg:$0x18]  }
0x1af: {  	[hbm4b:s5+s3] =	stream.linear.scatter [tilespmem:s3], [sflag:$0x1], $0x4000, $0x38;
	[tilespmem:$0x4000] =	vst v63  }
0x1b0: {  	s5 =	rddreg [dreg:$0x19]  }
0x1b1: {  	[hbm4b:s0+s3] =	stream.linear.scatter [tilespmem:s3], [sflag:$0x1], $0x4000, $0x38;
	[tilespmem:$0x4000] =	vst v63  }
0x1b2: {  	s0 =	rddreg [dreg:$0x1a]  }
0x1b3: {  	[hbm4b:s5+s3] =	stream.linear.scatter [tilespmem:s3], [sflag:$0x1], $0x4000, $0x38;
	[tilespmem:$0x4000] =	vst v63  }
0x1b4: {  	s5 =	rddreg [dreg:$0x1b]  }
0x1b5: {  	[hbm4b:s0+s3] =	stream.linear.scatter [tilespmem:s3], [sflag:$0x1], $0x4000, $0x38;
	[tilespmem:$0x4000] =	vst v63  }
0x1b6: {  	s0 =	rddreg [dreg:$0x1c]  }
0x1b7: {  	[hbm4b:s5+s3] =	stream.linear.scatter [tilespmem:s3], [sflag:$0x1], $0x4000, $0x38;
	[tilespmem:$0x4000] =	vst v63  }
0x1b8: {  	s5 =	rddreg [dreg:$0x1d]  }
0x1b9: {  	[hbm4b:s0+s3] =	stream.linear.scatter [tilespmem:s3], [sflag:$0x1], $0x4000, $0x38;
	[tilespmem:$0x4000] =	vst v63  }
0x1ba: {  	s0 =	rddreg [dreg:$0x1e]  }
0x1bb: {  	[hbm4b:s5+s3] =	stream.linear.scatter [tilespmem:s3], [sflag:$0x1], $0x4000, $0x38;
	[tilespmem:$0x4000] =	vst v63  }
0x1bc: {  	s5 =	rddreg [dreg:$0x1f]  }
0x1bd: {  	[hbm4b:s0+s3] =	stream.linear.scatter [tilespmem:s3], [sflag:$0x1], $0x4000, $0x38;
	[tilespmem:$0x4000] =	vst v63  }
0x1be: {  	s0 =	sld [smem:$0x7F4]  }
0x1bf: {  	[hbm4b:s5+s3] =	stream.linear.scatter [tilespmem:s3], [sflag:$0x1], $0x4000, $0x38;
	[tilespmem:$0x4000] =	vst v63  }
0x1c0: {  	s5 =	sld [smem:$0x7F5]  }
0x1c1: {  	[hbm4b:s0+s3] =	stream.linear.scatter [tilespmem:s3], [sflag:$0x1], $0x4000, $0x38;
	[tilespmem:$0x4000] =	vst v63  }
0x1c2: {  	s0 =	sld [smem:$0x7F6]  }
0x1c3: {  	[hbm4b:s5+s3] =	stream.linear.scatter [tilespmem:s3], [sflag:$0x1], $0x4000, $0x38;
	[tilespmem:$0x4000] =	vst v63  }
0x1c4: {  	s5 =	sld [smem:$0x7F7]  }
0x1c5: {  	[hbm4b:s0+s3] =	stream.linear.scatter [tilespmem:s3], [sflag:$0x1], $0x4000, $0x38;
	[tilespmem:$0x4000] =	vst v63  }
0x1c6: {  	s0 =	sld [smem:$0x7F8]  }
0x1c7: {  	[hbm4b:s5+s3] =	stream.linear.scatter [tilespmem:s3], [sflag:$0x1], $0x4000, $0x38;
	[tilespmem:$0x4000] =	vst v63  }
0x1c8: {  	s5 =	sld [smem:$0x7F9]  }
0x1c9: {  	[hbm4b:s0+s3] =	stream.linear.scatter [tilespmem:s3], [sflag:$0x1], $0x4000, $0x38;
	[tilespmem:$0x4000] =	vst v63  }
0x1ca: {  	s0 =	sld [smem:$0x7FA]  }
0x1cb: {  	[hbm4b:s5+s3] =	stream.linear.scatter [tilespmem:s3], [sflag:$0x1], $0x4000, $0x38;
	[tilespmem:$0x4000] =	vst v63  }
0x1cc: {  	s5 =	sld [smem:$0x7FB]  }
0x1cd: {  	[hbm4b:s0+s3] =	stream.linear.scatter [tilespmem:s3], [sflag:$0x1], $0x4000, $0x38;
	[tilespmem:$0x4000] =	vst v63  }
0x1ce: {  	s0 =	sld [smem:$0x7FC]  }
0x1cf: {  	[hbm4b:s5+s3] =	stream.linear.scatter [tilespmem:s3], [sflag:$0x1], $0x4000, $0x38;
	[tilespmem:$0x4000] =	vst v63  }
0x1d0: {  	s5 =	sld [smem:$0x7FD]  }
0x1d1: {  	[hbm4b:s0+s3] =	stream.linear.scatter [tilespmem:s3], [sflag:$0x1], $0x4000, $0x38;
	[tilespmem:$0x4000] =	vst v63  }
0x1d2: {  	_ = 	snop  }
0x1d3: {  	[hbm4b:s5+s3] =	stream.linear.scatter [tilespmem:s3], [sflag:$0x1], $0x4000, $0x38;
	[tilespmem:$0x4000] =	vst v63  }
0x1d4: {  	s5 =	smov.u32 s6  }
0x1d5: {  	[hbm4b:s5+s3] =	stream.linear.scatter [tilespmem:s3], [sflag:$0x1], $0x4000, $0x38;
	[tilespmem:$0x4000] =	vst v63  }
0x1d6: {  	s6 =	smov.u32 s7  }
0x1d7: {  	[hbm4b:s6+s3] =	stream.linear.scatter [tilespmem:s3], [sflag:$0x1], $0x4000, $0x38;
	[tilespmem:$0x4000] =	vst v63  }
0x1d8: {  	s7 =	smov.u32 s8  }
0x1d9: {  	[hbm4b:s7+s3] =	stream.linear.scatter [tilespmem:s3], [sflag:$0x1], $0x4000, $0x38;
	[tilespmem:$0x4000] =	vst v63  }
0x1da: {  	s8 =	smov.u32 s9  }
0x1db: {  	[hbm4b:s8+s3] =	stream.linear.scatter [tilespmem:s3], [sflag:$0x1], $0x4000, $0x38;
	[tilespmem:$0x4000] =	vst v63  }
0x1dc: {  	s9 =	smov.u32 s10  }
0x1dd: {  	[hbm4b:s9+s3] =	stream.linear.scatter [tilespmem:s3], [sflag:$0x1], $0x4000, $0x38;
	[tilespmem:$0x4000] =	vst v63  }
0x1de: {  	s10 =	smov.u32 s11  }
0x1df: {  	[hbm4b:s10+s3] =	stream.linear.scatter [tilespmem:s3], [sflag:$0x1], $0x4000, $0x38;
	[tilespmem:$0x4000] =	vst v63  }
0x1e0: {  	s11 =	smov.u32 s12  }
0x1e1: {  	[hbm4b:s11+s3] =	stream.linear.scatter [tilespmem:s3], [sflag:$0x1], $0x4000, $0x38;
	[tilespmem:$0x4000] =	vst v63  }
0x1e2: {  	s12 =	smov.u32 s13  }
0x1e3: {  	[hbm4b:s12+s3] =	stream.linear.scatter [tilespmem:s3], [sflag:$0x1], $0x4000, $0x38;
	[tilespmem:$0x4000] =	vst v63  }
0x1e4: {  	s13 =	smov.u32 s14  }
0x1e5: {  	[hbm4b:s13+s3] =	stream.linear.scatter [tilespmem:s3], [sflag:$0x1], $0x4000, $0x38;
	[tilespmem:$0x4000] =	vst v63  }
0x1e6: {  	s14 =	smov.u32 s15  }
0x1e7: {  	[hbm4b:s14+s3] =	stream.linear.scatter [tilespmem:s3], [sflag:$0x1], $0x4000, $0x38;
	[tilespmem:$0x4000] =	vst v63  }
0x1e8: {  	s15 =	smov.u32 s16  }
0x1e9: {  	[hbm4b:s15+s3] =	stream.linear.scatter [tilespmem:s3], [sflag:$0x1], $0x4000, $0x38;
	[tilespmem:$0x4000] =	vst v63  }
0x1ea: {  	s16 =	smov.u32 s17  }
0x1eb: {  	[hbm4b:s16+s3] =	stream.linear.scatter [tilespmem:s3], [sflag:$0x1], $0x4000, $0x38;
	[tilespmem:$0x4000] =	vst v63  }
0x1ec: {  	s17 =	smov.u32 s18  }
0x1ed: {  	[hbm4b:s17+s3] =	stream.linear.scatter [tilespmem:s3], [sflag:$0x1], $0x4000, $0x38;
	[tilespmem:$0x4000] =	vst v63  }
0x1ee: {  	s18 =	smov.u32 s19  }
0x1ef: {  	[hbm4b:s18+s3] =	stream.linear.scatter [tilespmem:s3], [sflag:$0x1], $0x4000, $0x38;
	[tilespmem:$0x4000] =	vst v63  }
0x1f0: {  	s19 =	smov.u32 s20  }
0x1f1: {  	[hbm4b:s19+s3] =	stream.linear.scatter [tilespmem:s3], [sflag:$0x1], $0x4000, $0x38;
	[tilespmem:$0x4000] =	vst v63  }
0x1f2: {  	s20 =	smov.u32 s21  }
0x1f3: {  	[hbm4b:s20+s3] =	stream.linear.scatter [tilespmem:s3], [sflag:$0x1], $0x4000, $0x38;
	[tilespmem:$0x4000] =	vst v63  }
0x1f4: {  	s21 =	smov.u32 s22  }
0x1f5: {  	[hbm4b:s21+s3] =	stream.linear.scatter [tilespmem:s3], [sflag:$0x1], $0x4000, $0x38;
	[tilespmem:$0x4000] =	vst v63  }
0x1f6: {  	s22 =	smov.u32 s23  }
0x1f7: {  	[hbm4b:s22+s3] =	stream.linear.scatter [tilespmem:s3], [sflag:$0x1], $0x4000, $0x38;
	[tilespmem:$0x4000] =	vst v63  }
0x1f8: {  	s23 =	smov.u32 s24  }
0x1f9: {  	[hbm4b:s23+s3] =	stream.linear.scatter [tilespmem:s3], [sflag:$0x1], $0x4000, $0x38;
	[tilespmem:$0x4000] =	vst v63  }
0x1fa: {  	s24 =	smov.u32 s25  }
0x1fb: {  	[hbm4b:s24+s3] =	stream.linear.scatter [tilespmem:s3], [sflag:$0x1], $0x4000, $0x38;
	[tilespmem:$0x4000] =	vst v63  }
0x1fc: {  	s25 =	smov.u32 s26  }
0x1fd: {  	[hbm4b:s25+s3] =	stream.linear.scatter [tilespmem:s3], [sflag:$0x1], $0x4000, $0x38;
	[tilespmem:$0x4000] =	vst v63  }
0x1fe: {  	s26 =	smov.u32 s28  }
0x1ff: {  	[hbm4b:s26+s3] =	stream.linear.scatter [tilespmem:s3], [sflag:$0x1], $0x4000, $0x38;
	[tilespmem:$0x4000] =	vst v63  }
0x200: {  	s28 =	smov.u32 s29  }
0x201: {  	[hbm4b:s28+s3] =	stream.linear.scatter [tilespmem:s3], [sflag:$0x1], $0x4000, $0x38;
	[tilespmem:$0x4000] =	vst v63  }
0x202: {  	s29 =	smov.u32 s30  }
0x203: {  	[hbm4b:s29+s3] =	stream.linear.scatter [tilespmem:s3], [sflag:$0x1], $0x4000, $0x38;
	[tilespmem:$0x4000] =	vst v63  }
0x204: {  	s30 =	smov.u32 s4  }
0x205: {  	[hbm4b:s30+s3] =	stream.linear.scatter [tilespmem:s3], [sflag:$0x1], $0x4000, $0x38;
	[tilespmem:$0x4000] =	vst v63  }
0x206: {  	_ =	swait.ge [sflag:s2], $0x4000  }
0x207: {  	[sflag:s2] =	ssyncset.done $0x0  }
0x208: {  	[sflag:s2] =	ssyncadd.s32 $0xFFFFC000  }
0x209: {  	_ =	swait.ge [sflag:s2], $0x4000  }
0x20a: {  	[sflag:s2] =	ssyncset.done $0x0  }
0x20b: {  	[sflag:s2] =	ssyncadd.s32 $0xFFFFC000  }
0x20c: {  	_ =	swait.ge [sflag:s2], $0x4000  }
0x20d: {  	[sflag:s2] =	ssyncset.done $0x0  }
0x20e: {  	[sflag:s2] =	ssyncadd.s32 $0xFFFFC000  }
0x20f: {  	_ =	swait.ge [sflag:s2], $0x4000  }
0x210: {  	[sflag:s2] =	ssyncset.done $0x0  }
0x211: {  	[sflag:s2] =	ssyncadd.s32 $0xFFFFC000  }
0x212: {  	_ =	swait.ge [sflag:s2], $0x4000  }
0x213: {  	[sflag:s2] =	ssyncset.done $0x0  }
0x214: {  	[sflag:s2] =	ssyncadd.s32 $0xFFFFC000  }
0x215: {  	_ =	swait.ge [sflag:s2], $0x4000  }
0x216: {  	[sflag:s2] =	ssyncset.done $0x0  }
0x217: {  	[sflag:s2] =	ssyncadd.s32 $0xFFFFC000  }
0x218: {  	_ =	swait.ge [sflag:s2], $0x4000  }
0x219: {  	[sflag:s2] =	ssyncset.done $0x0  }
0x21a: {  	[sflag:s2] =	ssyncadd.s32 $0xFFFFC000  }
0x21b: {  	_ =	swait.ge [sflag:s2], $0x4000  }
0x21c: {  	[sflag:s2] =	ssyncset.done $0x0  }
0x21d: {  	[sflag:s2] =	ssyncadd.s32 $0xFFFFC000  }
0x21e: {  	_ =	swait.ge [sflag:s2], $0x4000  }
0x21f: {  	[sflag:s2] =	ssyncset.done $0x0  }
0x220: {  	[sflag:s2] =	ssyncadd.s32 $0xFFFFC000  }
0x221: {  	_ =	swait.ge [sflag:s2], $0x4000  }
0x222: {  	[sflag:s2] =	ssyncset.done $0x0  }
0x223: {  	[sflag:s2] =	ssyncadd.s32 $0xFFFFC000  }
0x224: {  	_ =	swait.ge [sflag:s2], $0x4000  }
0x225: {  	[sflag:s2] =	ssyncset.done $0x0  }
0x226: {  	[sflag:s2] =	ssyncadd.s32 $0xFFFFC000  }
0x227: {  	_ =	swait.ge [sflag:s2], $0x4000  }
0x228: {  	[sflag:s2] =	ssyncset.done $0x0  }
0x229: {  	[sflag:s2] =	ssyncadd.s32 $0xFFFFC000  }
0x22a: {  	_ =	swait.ge [sflag:s2], $0x4000  }
0x22b: {  	[sflag:s2] =	ssyncset.done $0x0  }
0x22c: {  	[sflag:s2] =	ssyncadd.s32 $0xFFFFC000  }
0x22d: {  	_ =	swait.ge [sflag:s2], $0x4000  }
0x22e: {  	[sflag:s2] =	ssyncset.done $0x0  }
0x22f: {  	[sflag:s2] =	ssyncadd.s32 $0xFFFFC000  }
0x230: {  	_ =	swait.ge [sflag:s2], $0x4000  }
0x231: {  	[sflag:s2] =	ssyncset.done $0x0  }
0x232: {  	[sflag:s2] =	ssyncadd.s32 $0xFFFFC000  }
0x233: {  	_ =	swait.ge [sflag:s2], $0x4000  }
0x234: {  	[sflag:s2] =	ssyncset.done $0x0  }
0x235: {  	[sflag:s2] =	ssyncadd.s32 $0xFFFFC000  }
0x236: {  	_ =	swait.ge [sflag:s2], $0x4000  }
0x237: {  	[sflag:s2] =	ssyncset.done $0x0  }
0x238: {  	[sflag:s2] =	ssyncadd.s32 $0xFFFFC000  }
0x239: {  	_ =	swait.ge [sflag:s2], $0x4000  }
0x23a: {  	[sflag:s2] =	ssyncset.done $0x0  }
0x23b: {  	[sflag:s2] =	ssyncadd.s32 $0xFFFFC000  }
0x23c: {  	_ =	swait.ge [sflag:s2], $0x4000  }
0x23d: {  	[sflag:s2] =	ssyncset.done $0x0  }
0x23e: {  	[sflag:s2] =	ssyncadd.s32 $0xFFFFC000  }
0x23f: {  	_ =	swait.ge [sflag:s2], $0x4000  }
0x240: {  	[sflag:s2] =	ssyncset.done $0x0  }
0x241: {  	[sflag:s2] =	ssyncadd.s32 $0xFFFFC000  }
0x242: {  	_ =	swait.ge [sflag:s2], $0x4000  }
0x243: {  	[sflag:s2] =	ssyncset.done $0x0  }
0x244: {  	[sflag:s2] =	ssyncadd.s32 $0xFFFFC000  }
0x245: {  	_ =	swait.ge [sflag:s2], $0x4000  }
0x246: {  	[sflag:s2] =	ssyncset.done $0x0  }
0x247: {  	[sflag:s2] =	ssyncadd.s32 $0xFFFFC000  }
0x248: {  	_ =	swait.ge [sflag:s2], $0x4000  }
0x249: {  	[sflag:s2] =	ssyncset.done $0x0  }
0x24a: {  	[sflag:s2] =	ssyncadd.s32 $0xFFFFC000  }
0x24b: {  	_ =	swait.ge [sflag:s2], $0x4000  }
0x24c: {  	[sflag:s2] =	ssyncset.done $0x0  }
0x24d: {  	[sflag:s2] =	ssyncadd.s32 $0xFFFFC000  }
0x24e: {  	_ =	swait.ge [sflag:s2], $0x4000  }
0x24f: {  	[sflag:s2] =	ssyncset.done $0x0  }
0x250: {  	[sflag:s2] =	ssyncadd.s32 $0xFFFFC000  }
0x251: {  	_ =	swait.ge [sflag:s2], $0x4000  }
0x252: {  	[sflag:s2] =	ssyncset.done $0x0  }
0x253: {  	[sflag:s2] =	ssyncadd.s32 $0xFFFFC000  }
0x254: {  	_ =	swait.ge [sflag:s2], $0x4000  }
0x255: {  	[sflag:s2] =	ssyncset.done $0x0  }
0x256: {  	[sflag:s2] =	ssyncadd.s32 $0xFFFFC000  }
0x257: {  	_ =	swait.ge [sflag:s2], $0x4000  }
0x258: {  	[sflag:s2] =	ssyncset.done $0x0  }
0x259: {  	[sflag:s2] =	ssyncadd.s32 $0xFFFFC000  }
0x25a: {  	_ =	swait.ge [sflag:s2], $0x4000  }
0x25b: {  	[sflag:s2] =	ssyncset.done $0x0  }
0x25c: {  	[sflag:s2] =	ssyncadd.s32 $0xFFFFC000  }
0x25d: {  	_ =	swait.ge [sflag:s2], $0x4000  }
0x25e: {  	[sflag:s2] =	ssyncset.done $0x0  }
0x25f: {  	[sflag:s2] =	ssyncadd.s32 $0xFFFFC000  }
0x260: {  	_ =	swait.ge [sflag:s2], $0x4000  }
0x261: {  	[sflag:s2] =	ssyncset.done $0x0  }
0x262: {  	[sflag:s2] =	ssyncadd.s32 $0xFFFFC000  }
0x263: {  	_ =	swait.ge [sflag:s2], $0x4000  }
0x264: {  	[sflag:s2] =	ssyncset.done $0x0  }
0x265: {  	[sflag:s2] =	ssyncadd.s32 $0xFFFFC000  }
0x266: {  	_ =	swait.ge [sflag:s2], $0x4000  }
0x267: {  	[sflag:s2] =	ssyncset.done $0x0  }
0x268: {  	[sflag:s2] =	ssyncadd.s32 $0xFFFFC000  }
0x269: {  	_ =	swait.ge [sflag:s2], $0x4000  }
0x26a: {  	[sflag:s2] =	ssyncset.done $0x0  }
0x26b: {  	[sflag:s2] =	ssyncadd.s32 $0xFFFFC000  }
0x26c: {  	_ =	swait.ge [sflag:s2], $0x4000  }
0x26d: {  	[sflag:s2] =	ssyncset.done $0x0  }
0x26e: {  	[sflag:s2] =	ssyncadd.s32 $0xFFFFC000  }
0x26f: {  	_ =	swait.ge [sflag:s2], $0x4000  }
0x270: {  	[sflag:s2] =	ssyncset.done $0x0  }
0x271: {  	[sflag:s2] =	ssyncadd.s32 $0xFFFFC000  }
0x272: {  	_ =	swait.ge [sflag:s2], $0x4000  }
0x273: {  	[sflag:s2] =	ssyncset.done $0x0  }
0x274: {  	[sflag:s2] =	ssyncadd.s32 $0xFFFFC000  }
0x275: {  	_ =	swait.ge [sflag:s2], $0x4000  }
0x276: {  	[sflag:s2] =	ssyncset.done $0x0  }
0x277: {  	[sflag:s2] =	ssyncadd.s32 $0xFFFFC000  }
0x278: {  	_ =	swait.ge [sflag:s2], $0x4000  }
0x279: {  	[sflag:s2] =	ssyncset.done $0x0  }
0x27a: {  	[sflag:s2] =	ssyncadd.s32 $0xFFFFC000  }
0x27b: {  	_ =	swait.ge [sflag:s2], $0x4000  }
0x27c: {  	[sflag:s2] =	ssyncset.done $0x0  }
0x27d: {  	[sflag:s2] =	ssyncadd.s32 $0xFFFFC000  }
0x27e: {  	_ =	swait.ge [sflag:s2], $0x4000  }
0x27f: {  	[sflag:s2] =	ssyncset.done $0x0  }
0x280: {  	[sflag:s2] =	ssyncadd.s32 $0xFFFFC000  }
0x281: {  	_ =	swait.ge [sflag:s2], $0x4000  }
0x282: {  	[sflag:s2] =	ssyncset.done $0x0  }
0x283: {  	[sflag:s2] =	ssyncadd.s32 $0xFFFFC000  }
0x284: {  	_ =	swait.ge [sflag:s2], $0x4000  }
0x285: {  	[sflag:s2] =	ssyncset.done $0x0  }
0x286: {  	[sflag:s2] =	ssyncadd.s32 $0xFFFFC000  }
0x287: {  	_ =	swait.ge [sflag:s2], $0x4000  }
0x288: {  	[sflag:s2] =	ssyncset.done $0x0  }
0x289: {  	[sflag:s2] =	ssyncadd.s32 $0xFFFFC000  }
0x28a: {  	_ =	swait.ge [sflag:s2], $0x4000  }
0x28b: {  	[sflag:s2] =	ssyncset.done $0x0  }
0x28c: {  	[sflag:s2] =	ssyncadd.s32 $0xFFFFC000  }
0x28d: {  	_ =	swait.ge [sflag:s2], $0x4000  }
0x28e: {  	[sflag:s2] =	ssyncset.done $0x0  }
0x28f: {  	[sflag:s2] =	ssyncadd.s32 $0xFFFFC000  }
0x290: {  	_ =	swait.ge [sflag:s2], $0x4000  }
0x291: {  	[sflag:s2] =	ssyncset.done $0x0  }
0x292: {  	[sflag:s2] =	ssyncadd.s32 $0xFFFFC000  }
0x293: {  	_ =	swait.ge [sflag:s2], $0x4000  }
0x294: {  	[sflag:s2] =	ssyncset.done $0x0  }
0x295: {  	[sflag:s2] =	ssyncadd.s32 $0xFFFFC000  }
0x296: {  	_ =	swait.ge [sflag:s2], $0x4000  }
0x297: {  	[sflag:s2] =	ssyncset.done $0x0  }
0x298: {  	[sflag:s2] =	ssyncadd.s32 $0xFFFFC000  }
0x299: {  	_ =	swait.ge [sflag:s2], $0x4000  }
0x29a: {  	[sflag:s2] =	ssyncset.done $0x0  }
0x29b: {  	[sflag:s2] =	ssyncadd.s32 $0xFFFFC000  }
0x29c: {  	_ =	swait.ge [sflag:s2], $0x4000  }
0x29d: {  	[sflag:s2] =	ssyncset.done $0x0  }
0x29e: {  	[sflag:s2] =	ssyncadd.s32 $0xFFFFC000  }
0x29f: {  	_ =	swait.ge [sflag:s2], $0x4000  }
0x2a0: {  	[sflag:s2] =	ssyncset.done $0x0  }
0x2a1: {  	[sflag:s2] =	ssyncadd.s32 $0xFFFFC000  }
0x2a2: {  	_ =	swait.ge [sflag:s2], $0x4000  }
0x2a3: {  	[sflag:s2] =	ssyncset.done $0x0  }
0x2a4: {  	[sflag:s2] =	ssyncadd.s32 $0xFFFFC000  }
0x2a5: {  	_ =	swait.ge [sflag:s2], $0x4000  }
0x2a6: {  	[sflag:s2] =	ssyncset.done $0x0  }
0x2a7: {  	[sflag:s2] =	ssyncadd.s32 $0xFFFFC000  }
0x2a8: {  	_ =	swait.ge [sflag:s2], $0x4000  }
0x2a9: {  	[sflag:s2] =	ssyncset.done $0x0  }
0x2aa: {  	[sflag:s2] =	ssyncadd.s32 $0xFFFFC000  }
0x2ab: {  	_ =	swait.ge [sflag:s2], $0x4000  }
0x2ac: {  	[sflag:s2] =	ssyncset.done $0x0  }
0x2ad: {  	[sflag:s2] =	ssyncadd.s32 $0xFFFFC000  }
0x2ae: {  	_ =	swait.ge [sflag:s2], $0x4000  }
0x2af: {  	[sflag:s2] =	ssyncset.done $0x0  }
0x2b0: {  	[sflag:s2] =	ssyncadd.s32 $0xFFFFC000  }
0x2b1: {  	_ =	swait.ge [sflag:s2], $0x4000  }
0x2b2: {  	[sflag:s2] =	ssyncset.done $0x0  }
0x2b3: {  	[sflag:s2] =	ssyncadd.s32 $0xFFFFC000  }
0x2b4: {  	_ =	swait.ge [sflag:s2], $0x4000  }
0x2b5: {  	[sflag:s2] =	ssyncset.done $0x0  }
0x2b6: {  	[sflag:s2] =	ssyncadd.s32 $0xFFFFC000  }
0x2b7: {  	_ =	swait.ge [sflag:s2], $0x4000  }
0x2b8: {  	[sflag:s2] =	ssyncset.done $0x0  }
0x2b9: {  	[sflag:s2] =	ssyncadd.s32 $0xFFFFC000  }
0x2ba: {  	_ =	swait.ge [sflag:s2], $0x4000  }
0x2bb: {  	[sflag:s2] =	ssyncset.done $0x0  }
0x2bc: {  	[sflag:s2] =	ssyncadd.s32 $0xFFFFC000  }
0x2bd: {  	_ =	swait.ge [sflag:s2], $0x4000  }
0x2be: {  	[sflag:s2] =	ssyncset.done $0x0  }
0x2bf: {  	p1 =	sne.s32 s1, $0x1;
	[sflag:s2] =	ssyncadd.s32 $0xFFFFC000  }
.Ltmp2:
0x2c0: {  	_ =	swait.ge [sflag:s2], $0x4000;
	(pc) =	sbr.rel @p1 .LBB2_2-.Ltmp2, $4  }
0x2c1: {  	[sflag:s2] =	ssyncset.done $0x0  }
0x2c2: {  	[sflag:s2] =	ssyncadd.s32 $0xFFFFC000  }
0x2c3: {  	s1 =	sadd.s32 $0xFFFFFFFF, s1;
	s4 =	smov.u32 s31;
	_ =	swait.ge [sflag:s2], $0x4000  }
0x2c4: {  	s31 =	simm.s32 $0x2;
	s0 =	rddreg [dreg:$0x3];
	[sflag:s2] =	ssyncset.done $0x0  }
.LBB2_3:
0x2c5: {  	[sflag:s2] =	ssyncadd.s32 @p0 $0xFFFFC000  }
0x2c6: {  	[tilespmem:s3], [sflag:$0x2] =	stream.linear.gather [hbm4b:s0+s3], $0x4000, $0x38;
	[tilespmem:$0x4000] =	vst v63  }
0x2c7: {  	_ =	swait.ge [sflag:s31], $0x4000  }
0x2c8: {  	[sflag:s31] =	ssyncset.done $0x0  }
0x2c9: {  	s1 =	rddreg [dreg:$0x5];
	[sflag:s31] =	ssyncadd.s32 $0xFFFFC000  }
0x2ca: {  	[hbm4b:s4+s3] =	stream.linear.scatter [tilespmem:s3], [sflag:$0x1], $0x4000, $0x38;
	[tilespmem:$0x4000] =	vst v63  }
0x2cb: {  	s31 =	rddreg [dreg:$0x4]  }
0x2cc: {  	[hbm4b:s31+s3] =	stream.linear.scatter [tilespmem:s3], [sflag:$0x1], $0x4000, $0x38;
	[tilespmem:$0x4000] =	vst v63  }
0x2cd: {  	s4 =	rddreg [dreg:$0x7]  }
0x2ce: {  	[hbm4b:s1+s3] =	stream.linear.scatter [tilespmem:s3], [sflag:$0x1], $0x4000, $0x38;
	[tilespmem:$0x4000] =	vst v63  }
0x2cf: {  	s31 =	rddreg [dreg:$0x6]  }
0x2d0: {  	[hbm4b:s31+s3] =	stream.linear.scatter [tilespmem:s3], [sflag:$0x1], $0x4000, $0x38;
	[tilespmem:$0x4000] =	vst v63  }
0x2d1: {  	s31 =	rddreg [dreg:$0x8]  }
0x2d2: {  	[hbm4b:s4+s3] =	stream.linear.scatter [tilespmem:s3], [sflag:$0x1], $0x4000, $0x38;
	[tilespmem:$0x4000] =	vst v63  }
0x2d3: {  	s4 =	rddreg [dreg:$0x9]  }
0x2d4: {  	[hbm4b:s31+s3] =	stream.linear.scatter [tilespmem:s3], [sflag:$0x1], $0x4000, $0x38;
	[tilespmem:$0x4000] =	vst v63  }
0x2d5: {  	s31 =	rddreg [dreg:$0xa]  }
0x2d6: {  	[hbm4b:s4+s3] =	stream.linear.scatter [tilespmem:s3], [sflag:$0x1], $0x4000, $0x38;
	[tilespmem:$0x4000] =	vst v63  }
0x2d7: {  	s4 =	rddreg [dreg:$0xb]  }
0x2d8: {  	[hbm4b:s31+s3] =	stream.linear.scatter [tilespmem:s3], [sflag:$0x1], $0x4000, $0x38;
	[tilespmem:$0x4000] =	vst v63  }
0x2d9: {  	s31 =	rddreg [dreg:$0xc]  }
0x2da: {  	[hbm4b:s4+s3] =	stream.linear.scatter [tilespmem:s3], [sflag:$0x1], $0x4000, $0x38;
	[tilespmem:$0x4000] =	vst v63  }
0x2db: {  	s4 =	rddreg [dreg:$0xd]  }
0x2dc: {  	[hbm4b:s31+s3] =	stream.linear.scatter [tilespmem:s3], [sflag:$0x1], $0x4000, $0x38;
	[tilespmem:$0x4000] =	vst v63  }
0x2dd: {  	s31 =	rddreg [dreg:$0xe]  }
0x2de: {  	[hbm4b:s4+s3] =	stream.linear.scatter [tilespmem:s3], [sflag:$0x1], $0x4000, $0x38;
	[tilespmem:$0x4000] =	vst v63  }
0x2df: {  	s4 =	rddreg [dreg:$0xf]  }
0x2e0: {  	[hbm4b:s31+s3] =	stream.linear.scatter [tilespmem:s3], [sflag:$0x1], $0x4000, $0x38;
	[tilespmem:$0x4000] =	vst v63  }
0x2e1: {  	s31 =	rddreg [dreg:$0x10]  }
0x2e2: {  	[hbm4b:s4+s3] =	stream.linear.scatter [tilespmem:s3], [sflag:$0x1], $0x4000, $0x38;
	[tilespmem:$0x4000] =	vst v63  }
0x2e3: {  	s4 =	rddreg [dreg:$0x11]  }
0x2e4: {  	[hbm4b:s31+s3] =	stream.linear.scatter [tilespmem:s3], [sflag:$0x1], $0x4000, $0x38;
	[tilespmem:$0x4000] =	vst v63  }
0x2e5: {  	s31 =	rddreg [dreg:$0x12]  }
0x2e6: {  	[hbm4b:s4+s3] =	stream.linear.scatter [tilespmem:s3], [sflag:$0x1], $0x4000, $0x38;
	[tilespmem:$0x4000] =	vst v63  }
0x2e7: {  	s4 =	rddreg [dreg:$0x13]  }
0x2e8: {  	[hbm4b:s31+s3] =	stream.linear.scatter [tilespmem:s3], [sflag:$0x1], $0x4000, $0x38;
	[tilespmem:$0x4000] =	vst v63  }
0x2e9: {  	s31 =	rddreg [dreg:$0x14]  }
0x2ea: {  	[hbm4b:s4+s3] =	stream.linear.scatter [tilespmem:s3], [sflag:$0x1], $0x4000, $0x38;
	[tilespmem:$0x4000] =	vst v63  }
0x2eb: {  	s4 =	rddreg [dreg:$0x15]  }
0x2ec: {  	[hbm4b:s31+s3] =	stream.linear.scatter [tilespmem:s3], [sflag:$0x1], $0x4000, $0x38;
	[tilespmem:$0x4000] =	vst v63  }
0x2ed: {  	s31 =	rddreg [dreg:$0x16]  }
0x2ee: {  	[hbm4b:s4+s3] =	stream.linear.scatter [tilespmem:s3], [sflag:$0x1], $0x4000, $0x38;
	[tilespmem:$0x4000] =	vst v63  }
0x2ef: {  	s4 =	rddreg [dreg:$0x17]  }
0x2f0: {  	[hbm4b:s31+s3] =	stream.linear.scatter [tilespmem:s3], [sflag:$0x1], $0x4000, $0x38;
	[tilespmem:$0x4000] =	vst v63  }
0x2f1: {  	s31 =	rddreg [dreg:$0x18]  }
0x2f2: {  	[hbm4b:s4+s3] =	stream.linear.scatter [tilespmem:s3], [sflag:$0x1], $0x4000, $0x38;
	[tilespmem:$0x4000] =	vst v63  }
0x2f3: {  	s4 =	rddreg [dreg:$0x19]  }
0x2f4: {  	[hbm4b:s31+s3] =	stream.linear.scatter [tilespmem:s3], [sflag:$0x1], $0x4000, $0x38;
	[tilespmem:$0x4000] =	vst v63  }
0x2f5: {  	s31 =	rddreg [dreg:$0x1a]  }
0x2f6: {  	[hbm4b:s4+s3] =	stream.linear.scatter [tilespmem:s3], [sflag:$0x1], $0x4000, $0x38;
	[tilespmem:$0x4000] =	vst v63  }
0x2f7: {  	s4 =	rddreg [dreg:$0x1b]  }
0x2f8: {  	[hbm4b:s31+s3] =	stream.linear.scatter [tilespmem:s3], [sflag:$0x1], $0x4000, $0x38;
	[tilespmem:$0x4000] =	vst v63  }
0x2f9: {  	s31 =	rddreg [dreg:$0x1c]  }
0x2fa: {  	[hbm4b:s4+s3] =	stream.linear.scatter [tilespmem:s3], [sflag:$0x1], $0x4000, $0x38;
	[tilespmem:$0x4000] =	vst v63  }
0x2fb: {  	s4 =	rddreg [dreg:$0x1d]  }
0x2fc: {  	[hbm4b:s31+s3] =	stream.linear.scatter [tilespmem:s3], [sflag:$0x1], $0x4000, $0x38;
	[tilespmem:$0x4000] =	vst v63  }
0x2fd: {  	s31 =	rddreg [dreg:$0x1e]  }
0x2fe: {  	[hbm4b:s4+s3] =	stream.linear.scatter [tilespmem:s3], [sflag:$0x1], $0x4000, $0x38;
	[tilespmem:$0x4000] =	vst v63  }
0x2ff: {  	s4 =	rddreg [dreg:$0x1f]  }
0x300: {  	[hbm4b:s31+s3] =	stream.linear.scatter [tilespmem:s3], [sflag:$0x1], $0x4000, $0x38;
	[tilespmem:$0x4000] =	vst v63  }
0x301: {  	s31 =	sld [smem:$0x7F4]  }
0x302: {  	[hbm4b:s4+s3] =	stream.linear.scatter [tilespmem:s3], [sflag:$0x1], $0x4000, $0x38;
	[tilespmem:$0x4000] =	vst v63  }
0x303: {  	s4 =	sld [smem:$0x7F5]  }
0x304: {  	[hbm4b:s31+s3] =	stream.linear.scatter [tilespmem:s3], [sflag:$0x1], $0x4000, $0x38;
	[tilespmem:$0x4000] =	vst v63  }
0x305: {  	s31 =	sld [smem:$0x7F6]  }
0x306: {  	[hbm4b:s4+s3] =	stream.linear.scatter [tilespmem:s3], [sflag:$0x1], $0x4000, $0x38;
	[tilespmem:$0x4000] =	vst v63  }
0x307: {  	s4 =	sld [smem:$0x7F7]  }
0x308: {  	[hbm4b:s31+s3] =	stream.linear.scatter [tilespmem:s3], [sflag:$0x1], $0x4000, $0x38;
	[tilespmem:$0x4000] =	vst v63  }
0x309: {  	s31 =	sld [smem:$0x7F8]  }
0x30a: {  	[hbm4b:s4+s3] =	stream.linear.scatter [tilespmem:s3], [sflag:$0x1], $0x4000, $0x38;
	[tilespmem:$0x4000] =	vst v63  }
0x30b: {  	s4 =	sld [smem:$0x7F9]  }
0x30c: {  	[hbm4b:s31+s3] =	stream.linear.scatter [tilespmem:s3], [sflag:$0x1], $0x4000, $0x38;
	[tilespmem:$0x4000] =	vst v63  }
0x30d: {  	s31 =	sld [smem:$0x7FA]  }
0x30e: {  	[hbm4b:s4+s3] =	stream.linear.scatter [tilespmem:s3], [sflag:$0x1], $0x4000, $0x38;
	[tilespmem:$0x4000] =	vst v63  }
0x30f: {  	s4 =	sld [smem:$0x7FB]  }
0x310: {  	[hbm4b:s31+s3] =	stream.linear.scatter [tilespmem:s3], [sflag:$0x1], $0x4000, $0x38;
	[tilespmem:$0x4000] =	vst v63  }
0x311: {  	s31 =	sld [smem:$0x7FC]  }
0x312: {  	[hbm4b:s4+s3] =	stream.linear.scatter [tilespmem:s3], [sflag:$0x1], $0x4000, $0x38;
	[tilespmem:$0x4000] =	vst v63  }
0x313: {  	s4 =	sld [smem:$0x7FD]  }
0x314: {  	[hbm4b:s31+s3] =	stream.linear.scatter [tilespmem:s3], [sflag:$0x1], $0x4000, $0x38;
	[tilespmem:$0x4000] =	vst v63  }
0x315: {  	_ = 	snop  }
0x316: {  	[hbm4b:s4+s3] =	stream.linear.scatter [tilespmem:s3], [sflag:$0x1], $0x4000, $0x38;
	[tilespmem:$0x4000] =	vst v63  }
0x317: {  	_ = 	snop  }
0x318: {  	[hbm4b:s5+s3] =	stream.linear.scatter [tilespmem:s3], [sflag:$0x1], $0x4000, $0x38;
	[tilespmem:$0x4000] =	vst v63  }
0x319: {  	_ = 	snop  }
0x31a: {  	[hbm4b:s6+s3] =	stream.linear.scatter [tilespmem:s3], [sflag:$0x1], $0x4000, $0x38;
	[tilespmem:$0x4000] =	vst v63  }
0x31b: {  	_ = 	snop  }
0x31c: {  	[hbm4b:s7+s3] =	stream.linear.scatter [tilespmem:s3], [sflag:$0x1], $0x4000, $0x38;
	[tilespmem:$0x4000] =	vst v63  }
0x31d: {  	_ = 	snop  }
0x31e: {  	[hbm4b:s8+s3] =	stream.linear.scatter [tilespmem:s3], [sflag:$0x1], $0x4000, $0x38;
	[tilespmem:$0x4000] =	vst v63  }
0x31f: {  	_ = 	snop  }
0x320: {  	[hbm4b:s9+s3] =	stream.linear.scatter [tilespmem:s3], [sflag:$0x1], $0x4000, $0x38;
	[tilespmem:$0x4000] =	vst v63  }
0x321: {  	_ = 	snop  }
0x322: {  	[hbm4b:s10+s3] =	stream.linear.scatter [tilespmem:s3], [sflag:$0x1], $0x4000, $0x38;
	[tilespmem:$0x4000] =	vst v63  }
0x323: {  	_ = 	snop  }
0x324: {  	[hbm4b:s11+s3] =	stream.linear.scatter [tilespmem:s3], [sflag:$0x1], $0x4000, $0x38;
	[tilespmem:$0x4000] =	vst v63  }
0x325: {  	_ = 	snop  }
0x326: {  	[hbm4b:s12+s3] =	stream.linear.scatter [tilespmem:s3], [sflag:$0x1], $0x4000, $0x38;
	[tilespmem:$0x4000] =	vst v63  }
0x327: {  	_ = 	snop  }
0x328: {  	[hbm4b:s13+s3] =	stream.linear.scatter [tilespmem:s3], [sflag:$0x1], $0x4000, $0x38;
	[tilespmem:$0x4000] =	vst v63  }
0x329: {  	_ = 	snop  }
0x32a: {  	[hbm4b:s14+s3] =	stream.linear.scatter [tilespmem:s3], [sflag:$0x1], $0x4000, $0x38;
	[tilespmem:$0x4000] =	vst v63  }
0x32b: {  	_ = 	snop  }
0x32c: {  	[hbm4b:s15+s3] =	stream.linear.scatter [tilespmem:s3], [sflag:$0x1], $0x4000, $0x38;
	[tilespmem:$0x4000] =	vst v63  }
0x32d: {  	_ = 	snop  }
0x32e: {  	[hbm4b:s16+s3] =	stream.linear.scatter [tilespmem:s3], [sflag:$0x1], $0x4000, $0x38;
	[tilespmem:$0x4000] =	vst v63  }
0x32f: {  	_ = 	snop  }
0x330: {  	[hbm4b:s17+s3] =	stream.linear.scatter [tilespmem:s3], [sflag:$0x1], $0x4000, $0x38;
	[tilespmem:$0x4000] =	vst v63  }
0x331: {  	_ = 	snop  }
0x332: {  	[hbm4b:s18+s3] =	stream.linear.scatter [tilespmem:s3], [sflag:$0x1], $0x4000, $0x38;
	[tilespmem:$0x4000] =	vst v63  }
0x333: {  	_ = 	snop  }
0x334: {  	[hbm4b:s19+s3] =	stream.linear.scatter [tilespmem:s3], [sflag:$0x1], $0x4000, $0x38;
	[tilespmem:$0x4000] =	vst v63  }
0x335: {  	_ = 	snop  }
0x336: {  	[hbm4b:s20+s3] =	stream.linear.scatter [tilespmem:s3], [sflag:$0x1], $0x4000, $0x38;
	[tilespmem:$0x4000] =	vst v63  }
0x337: {  	_ = 	snop  }
0x338: {  	[hbm4b:s21+s3] =	stream.linear.scatter [tilespmem:s3], [sflag:$0x1], $0x4000, $0x38;
	[tilespmem:$0x4000] =	vst v63  }
0x339: {  	_ = 	snop  }
0x33a: {  	[hbm4b:s22+s3] =	stream.linear.scatter [tilespmem:s3], [sflag:$0x1], $0x4000, $0x38;
	[tilespmem:$0x4000] =	vst v63  }
0x33b: {  	_ = 	snop  }
0x33c: {  	[hbm4b:s23+s3] =	stream.linear.scatter [tilespmem:s3], [sflag:$0x1], $0x4000, $0x38;
	[tilespmem:$0x4000] =	vst v63  }
0x33d: {  	_ = 	snop  }
0x33e: {  	[hbm4b:s24+s3] =	stream.linear.scatter [tilespmem:s3], [sflag:$0x1], $0x4000, $0x38;
	[tilespmem:$0x4000] =	vst v63  }
0x33f: {  	_ = 	snop  }
0x340: {  	[hbm4b:s25+s3] =	stream.linear.scatter [tilespmem:s3], [sflag:$0x1], $0x4000, $0x38;
	[tilespmem:$0x4000] =	vst v63  }
0x341: {  	_ = 	snop  }
0x342: {  	[hbm4b:s26+s3] =	stream.linear.scatter [tilespmem:s3], [sflag:$0x1], $0x4000, $0x38;
	[tilespmem:$0x4000] =	vst v63  }
0x343: {  	_ = 	snop  }
0x344: {  	[hbm4b:s28+s3] =	stream.linear.scatter [tilespmem:s3], [sflag:$0x1], $0x4000, $0x38;
	[tilespmem:$0x4000] =	vst v63  }
0x345: {  	_ = 	snop  }
0x346: {  	[hbm4b:s29+s3] =	stream.linear.scatter [tilespmem:s3], [sflag:$0x1], $0x4000, $0x38;
	[tilespmem:$0x4000] =	vst v63  }
0x347: {  	_ = 	snop  }
0x348: {  	[hbm4b:s30+s3] =	stream.linear.scatter [tilespmem:s3], [sflag:$0x1], $0x4000, $0x38;
	[tilespmem:$0x4000] =	vst v63  }
0x349: {  	_ =	swait.ge [sflag:s2], $0x4000  }
0x34a: {  	[sflag:s2] =	ssyncset.done $0x0  }
0x34b: {  	[sflag:s2] =	ssyncadd.s32 $0xFFFFC000  }
0x34c: {  	_ =	swait.ge [sflag:s2], $0x4000  }
0x34d: {  	[sflag:s2] =	ssyncset.done $0x0  }
0x34e: {  	[sflag:s2] =	ssyncadd.s32 $0xFFFFC000  }
0x34f: {  	_ =	swait.ge [sflag:s2], $0x4000  }
0x350: {  	[sflag:s2] =	ssyncset.done $0x0  }
0x351: {  	[sflag:s2] =	ssyncadd.s32 $0xFFFFC000  }
0x352: {  	_ =	swait.ge [sflag:s2], $0x4000  }
0x353: {  	[sflag:s2] =	ssyncset.done $0x0  }
0x354: {  	[sflag:s2] =	ssyncadd.s32 $0xFFFFC000  }
0x355: {  	_ =	swait.ge [sflag:s2], $0x4000  }
0x356: {  	[sflag:s2] =	ssyncset.done $0x0  }
0x357: {  	[sflag:s2] =	ssyncadd.s32 $0xFFFFC000  }
0x358: {  	_ =	swait.ge [sflag:s2], $0x4000  }
0x359: {  	[sflag:s2] =	ssyncset.done $0x0  }
0x35a: {  	[sflag:s2] =	ssyncadd.s32 $0xFFFFC000  }
0x35b: {  	_ =	swait.ge [sflag:s2], $0x4000  }
0x35c: {  	[sflag:s2] =	ssyncset.done $0x0  }
0x35d: {  	[sflag:s2] =	ssyncadd.s32 $0xFFFFC000  }
0x35e: {  	_ =	swait.ge [sflag:s2], $0x4000  }
0x35f: {  	[sflag:s2] =	ssyncset.done $0x0  }
0x360: {  	[sflag:s2] =	ssyncadd.s32 $0xFFFFC000  }
0x361: {  	_ =	swait.ge [sflag:s2], $0x4000  }
0x362: {  	[sflag:s2] =	ssyncset.done $0x0  }
0x363: {  	[sflag:s2] =	ssyncadd.s32 $0xFFFFC000  }
0x364: {  	_ =	swait.ge [sflag:s2], $0x4000  }
0x365: {  	[sflag:s2] =	ssyncset.done $0x0  }
0x366: {  	[sflag:s2] =	ssyncadd.s32 $0xFFFFC000  }
0x367: {  	_ =	swait.ge [sflag:s2], $0x4000  }
0x368: {  	[sflag:s2] =	ssyncset.done $0x0  }
0x369: {  	[sflag:s2] =	ssyncadd.s32 $0xFFFFC000  }
0x36a: {  	_ =	swait.ge [sflag:s2], $0x4000  }
0x36b: {  	[sflag:s2] =	ssyncset.done $0x0  }
0x36c: {  	[sflag:s2] =	ssyncadd.s32 $0xFFFFC000  }
0x36d: {  	_ =	swait.ge [sflag:s2], $0x4000  }
0x36e: {  	[sflag:s2] =	ssyncset.done $0x0  }
0x36f: {  	[sflag:s2] =	ssyncadd.s32 $0xFFFFC000  }
0x370: {  	_ =	swait.ge [sflag:s2], $0x4000  }
0x371: {  	[sflag:s2] =	ssyncset.done $0x0  }
0x372: {  	[sflag:s2] =	ssyncadd.s32 $0xFFFFC000  }
0x373: {  	_ =	swait.ge [sflag:s2], $0x4000  }
0x374: {  	[sflag:s2] =	ssyncset.done $0x0  }
0x375: {  	[sflag:s2] =	ssyncadd.s32 $0xFFFFC000  }
0x376: {  	_ =	swait.ge [sflag:s2], $0x4000  }
0x377: {  	[sflag:s2] =	ssyncset.done $0x0  }
0x378: {  	[sflag:s2] =	ssyncadd.s32 $0xFFFFC000  }
0x379: {  	_ =	swait.ge [sflag:s2], $0x4000  }
0x37a: {  	[sflag:s2] =	ssyncset.done $0x0  }
0x37b: {  	[sflag:s2] =	ssyncadd.s32 $0xFFFFC000  }
0x37c: {  	_ =	swait.ge [sflag:s2], $0x4000  }
0x37d: {  	[sflag:s2] =	ssyncset.done $0x0  }
0x37e: {  	[sflag:s2] =	ssyncadd.s32 $0xFFFFC000  }
0x37f: {  	_ =	swait.ge [sflag:s2], $0x4000  }
0x380: {  	[sflag:s2] =	ssyncset.done $0x0  }
0x381: {  	[sflag:s2] =	ssyncadd.s32 $0xFFFFC000  }
0x382: {  	_ =	swait.ge [sflag:s2], $0x4000  }
0x383: {  	[sflag:s2] =	ssyncset.done $0x0  }
0x384: {  	[sflag:s2] =	ssyncadd.s32 $0xFFFFC000  }
0x385: {  	_ =	swait.ge [sflag:s2], $0x4000  }
0x386: {  	[sflag:s2] =	ssyncset.done $0x0  }
0x387: {  	[sflag:s2] =	ssyncadd.s32 $0xFFFFC000  }
0x388: {  	_ =	swait.ge [sflag:s2], $0x4000  }
0x389: {  	[sflag:s2] =	ssyncset.done $0x0  }
0x38a: {  	[sflag:s2] =	ssyncadd.s32 $0xFFFFC000  }
0x38b: {  	_ =	swait.ge [sflag:s2], $0x4000  }
0x38c: {  	[sflag:s2] =	ssyncset.done $0x0  }
0x38d: {  	[sflag:s2] =	ssyncadd.s32 $0xFFFFC000  }
0x38e: {  	_ =	swait.ge [sflag:s2], $0x4000  }
0x38f: {  	[sflag:s2] =	ssyncset.done $0x0  }
0x390: {  	[sflag:s2] =	ssyncadd.s32 $0xFFFFC000  }
0x391: {  	_ =	swait.ge [sflag:s2], $0x4000  }
0x392: {  	[sflag:s2] =	ssyncset.done $0x0  }
0x393: {  	[sflag:s2] =	ssyncadd.s32 $0xFFFFC000  }
0x394: {  	_ =	swait.ge [sflag:s2], $0x4000  }
0x395: {  	[sflag:s2] =	ssyncset.done $0x0  }
0x396: {  	[sflag:s2] =	ssyncadd.s32 $0xFFFFC000  }
0x397: {  	_ =	swait.ge [sflag:s2], $0x4000  }
0x398: {  	[sflag:s2] =	ssyncset.done $0x0  }
0x399: {  	[sflag:s2] =	ssyncadd.s32 $0xFFFFC000  }
0x39a: {  	_ =	swait.ge [sflag:s2], $0x4000  }
0x39b: {  	[sflag:s2] =	ssyncset.done $0x0  }
0x39c: {  	[sflag:s2] =	ssyncadd.s32 $0xFFFFC000  }
0x39d: {  	_ =	swait.ge [sflag:s2], $0x4000  }
0x39e: {  	[sflag:s2] =	ssyncset.done $0x0  }
0x39f: {  	[sflag:s2] =	ssyncadd.s32 $0xFFFFC000  }
0x3a0: {  	_ =	swait.ge [sflag:s2], $0x4000  }
0x3a1: {  	[sflag:s2] =	ssyncset.done $0x0  }
0x3a2: {  	[sflag:s2] =	ssyncadd.s32 $0xFFFFC000  }
0x3a3: {  	_ =	swait.ge [sflag:s2], $0x4000  }
0x3a4: {  	[sflag:s2] =	ssyncset.done $0x0  }
0x3a5: {  	[sflag:s2] =	ssyncadd.s32 $0xFFFFC000  }
0x3a6: {  	_ =	swait.ge [sflag:s2], $0x4000  }
0x3a7: {  	[sflag:s2] =	ssyncset.done $0x0  }
0x3a8: {  	[sflag:s2] =	ssyncadd.s32 $0xFFFFC000  }
0x3a9: {  	_ =	swait.ge [sflag:s2], $0x4000  }
0x3aa: {  	[sflag:s2] =	ssyncset.done $0x0  }
0x3ab: {  	[sflag:s2] =	ssyncadd.s32 $0xFFFFC000  }
0x3ac: {  	_ =	swait.ge [sflag:s2], $0x4000  }
0x3ad: {  	[sflag:s2] =	ssyncset.done $0x0  }
0x3ae: {  	[sflag:s2] =	ssyncadd.s32 $0xFFFFC000  }
0x3af: {  	_ =	swait.ge [sflag:s2], $0x4000  }
0x3b0: {  	[sflag:s2] =	ssyncset.done $0x0  }
0x3b1: {  	[sflag:s2] =	ssyncadd.s32 $0xFFFFC000  }
0x3b2: {  	_ =	swait.ge [sflag:s2], $0x4000  }
0x3b3: {  	[sflag:s2] =	ssyncset.done $0x0  }
0x3b4: {  	[sflag:s2] =	ssyncadd.s32 $0xFFFFC000  }
0x3b5: {  	_ =	swait.ge [sflag:s2], $0x4000  }
0x3b6: {  	[sflag:s2] =	ssyncset.done $0x0  }
0x3b7: {  	[sflag:s2] =	ssyncadd.s32 $0xFFFFC000  }
0x3b8: {  	_ =	swait.ge [sflag:s2], $0x4000  }
0x3b9: {  	[sflag:s2] =	ssyncset.done $0x0  }
0x3ba: {  	[sflag:s2] =	ssyncadd.s32 $0xFFFFC000  }
0x3bb: {  	_ =	swait.ge [sflag:s2], $0x4000  }
0x3bc: {  	[sflag:s2] =	ssyncset.done $0x0  }
0x3bd: {  	[sflag:s2] =	ssyncadd.s32 $0xFFFFC000  }
0x3be: {  	_ =	swait.ge [sflag:s2], $0x4000  }
0x3bf: {  	[sflag:s2] =	ssyncset.done $0x0  }
0x3c0: {  	[sflag:s2] =	ssyncadd.s32 $0xFFFFC000  }
0x3c1: {  	_ =	swait.ge [sflag:s2], $0x4000  }
0x3c2: {  	[sflag:s2] =	ssyncset.done $0x0  }
0x3c3: {  	[sflag:s2] =	ssyncadd.s32 $0xFFFFC000  }
0x3c4: {  	_ =	swait.ge [sflag:s2], $0x4000  }
0x3c5: {  	[sflag:s2] =	ssyncset.done $0x0  }
0x3c6: {  	[sflag:s2] =	ssyncadd.s32 $0xFFFFC000  }
0x3c7: {  	_ =	swait.ge [sflag:s2], $0x4000  }
0x3c8: {  	[sflag:s2] =	ssyncset.done $0x0  }
0x3c9: {  	[sflag:s2] =	ssyncadd.s32 $0xFFFFC000  }
0x3ca: {  	_ =	swait.ge [sflag:s2], $0x4000  }
0x3cb: {  	[sflag:s2] =	ssyncset.done $0x0  }
0x3cc: {  	[sflag:s2] =	ssyncadd.s32 $0xFFFFC000  }
0x3cd: {  	_ =	swait.ge [sflag:s2], $0x4000  }
0x3ce: {  	[sflag:s2] =	ssyncset.done $0x0  }
0x3cf: {  	[sflag:s2] =	ssyncadd.s32 $0xFFFFC000  }
0x3d0: {  	_ =	swait.ge [sflag:s2], $0x4000  }
0x3d1: {  	[sflag:s2] =	ssyncset.done $0x0  }
0x3d2: {  	[sflag:s2] =	ssyncadd.s32 $0xFFFFC000  }
0x3d3: {  	_ =	swait.ge [sflag:s2], $0x4000  }
0x3d4: {  	[sflag:s2] =	ssyncset.done $0x0  }
0x3d5: {  	[sflag:s2] =	ssyncadd.s32 $0xFFFFC000  }
0x3d6: {  	_ =	swait.ge [sflag:s2], $0x4000  }
0x3d7: {  	[sflag:s2] =	ssyncset.done $0x0  }
0x3d8: {  	[sflag:s2] =	ssyncadd.s32 $0xFFFFC000  }
0x3d9: {  	_ =	swait.ge [sflag:s2], $0x4000  }
0x3da: {  	[sflag:s2] =	ssyncset.done $0x0  }
0x3db: {  	[sflag:s2] =	ssyncadd.s32 $0xFFFFC000  }
0x3dc: {  	_ =	swait.ge [sflag:s2], $0x4000  }
0x3dd: {  	[sflag:s2] =	ssyncset.done $0x0  }
0x3de: {  	[sflag:s2] =	ssyncadd.s32 $0xFFFFC000  }
0x3df: {  	_ =	swait.ge [sflag:s2], $0x4000  }
0x3e0: {  	[sflag:s2] =	ssyncset.done $0x0  }
0x3e1: {  	[sflag:s2] =	ssyncadd.s32 $0xFFFFC000  }
0x3e2: {  	_ =	swait.ge [sflag:s2], $0x4000  }
0x3e3: {  	[sflag:s2] =	ssyncset.done $0x0  }
0x3e4: {  	[sflag:s2] =	ssyncadd.s32 $0xFFFFC000  }
0x3e5: {  	_ =	swait.ge [sflag:s2], $0x4000  }
0x3e6: {  	[sflag:s2] =	ssyncset.done $0x0  }
0x3e7: {  	[sflag:s2] =	ssyncadd.s32 $0xFFFFC000  }
0x3e8: {  	_ =	swait.ge [sflag:s2], $0x4000  }
0x3e9: {  	[sflag:s2] =	ssyncset.done $0x0  }
0x3ea: {  	[sflag:s2] =	ssyncadd.s32 $0xFFFFC000  }
0x3eb: {  	_ =	swait.ge [sflag:s2], $0x4000  }
0x3ec: {  	[sflag:s2] =	ssyncset.done $0x0  }
0x3ed: {  	[sflag:s2] =	ssyncadd.s32 $0xFFFFC000  }
0x3ee: {  	_ =	swait.ge [sflag:s2], $0x4000  }
0x3ef: {  	[sflag:s2] =	ssyncset.done $0x0  }
0x3f0: {  	[sflag:s2] =	ssyncadd.s32 $0xFFFFC000  }
0x3f1: {  	_ =	swait.ge [sflag:s2], $0x4000  }
0x3f2: {  	[sflag:s2] =	ssyncset.done $0x0  }
0x3f3: {  	[sflag:s2] =	ssyncadd.s32 $0xFFFFC000  }
0x3f4: {  	_ =	swait.ge [sflag:s2], $0x4000  }
0x3f5: {  	[sflag:s2] =	ssyncset.done $0x0  }
0x3f6: {  	[sflag:s2] =	ssyncadd.s32 $0xFFFFC000  }
0x3f7: {  	_ =	swait.ge [sflag:s2], $0x4000  }
0x3f8: {  	[sflag:s2] =	ssyncset.done $0x0  }
0x3f9: {  	[sflag:s2] =	ssyncadd.s32 $0xFFFFC000  }
0x3fa: {  	_ =	swait.ge [sflag:s2], $0x4000  }
0x3fb: {  	[sflag:s2] =	ssyncset.done $0x0  }
0x3fc: {  	[sflag:s2] =	ssyncadd.s32 $0xFFFFC000  }
0x3fd: {  	_ =	swait.ge [sflag:s2], $0x4000  }
0x3fe: {  	[sflag:s2] =	ssyncset.done $0x0  }
0x3ff: {  	[sflag:s2] =	ssyncadd.s32 $0xFFFFC000  }
0x400: {  	_ =	swait.ge [sflag:s2], $0x4000  }
0x401: {  	[sflag:s2] =	ssyncset.done $0x0  }
0x402: {  	[sflag:s2] =	ssyncadd.s32 $0xFFFFC000  }
0x403: {  	_ =	swait.ge [sflag:s2], $0x4000  }
0x404: {  	[sflag:s2] =	ssyncset.done $0x0  }
0x405: {  	[sflag:s2] =	ssyncadd.s32 $0xFFFFC000  }
0x406: {  	_ =	swait.ge [sflag:s2], $0x4000  }
0x407: {  	[sflag:s2] =	ssyncset.done $0x0  }
0x408: {  	[sflag:s2] =	ssyncadd.s32 $0xFFFFC000  }
0x409: {  	_ =	sfence.sel $0x180000  }
0x40a: {  	[bflag:$0x0] =	sbarrier.arrive $0xFFFF  }
0x40b: {  	_ =	strace $0x90000047  }
0x40c: {  	s31 =	stileid.u32;
	[bflag:$0x2] =	sbarrier.arrive $0xFFFF  }
0x40d: {  	p0 =	sne.s32 s31, $0x0;
	s0 =	rddreg [dreg:$0x2]  }
0x40e: {  	s0 =	sadd.s32 @!p0 $0x100000, s0  }
0x40f: {  	[sflag:s0] =	ssyncadd.tile.s32 @!p0 $0x1;
	_ =	shalt  }
.Lfunc_end2:
_tile_overlayer_lowered:
.L_overlay_start_2:
0x410: {  	(tag) =	ssettag $0x2  }
0x411: {  	s0 =	rddreg [dreg:$0x0];
	s2 =	stileid.u32  }
0x412: {  	s1 =	rddreg [dreg:$0x1];
	p0 =	sne.s32 s2, $0x0  }
0x413: {  	s3 =	rddreg [dreg:$0x2];
	[bflag:$0x3] =	sbarrier.arrive $0xFFFF;
	s2 =	simm.s32 @!p0 $0x1C02  }
0x414: {  	[timem:s3], [sflag:s2] =	dma.local @!p0 [hbm:s0], s1  }
0x415: {  	s0 =	simm.s32 @!p0 $0x2  }
0x416: {  	_ =	swait.ge @!p0 [sflag:s0], s1  }
0x417: {  	s1 =	ssub.s32 @!p0 $0x0, s1;
	[sflag:s0] =	ssyncset.done @!p0 $0x0  }
0x418: {  	[sflag:s0] =	ssyncadd.s32 @!p0 s1  }
0x419: {  	[bflag:$0x3] =	sbarrier.arrive $0xFFFF  }
0x41a: {  	_ =	shalt  }

</sc_bundles>
